<compile_context>
chip_gen: v7x
topology: tpu7x:2x2x1
jax: 0.10.2.dev20260603
libtpu: 0.0.44.dev20260713+nightly
codegen_flags: <defaults>
</compile_context>

<pallas_src>
import jax
import jax.numpy as jnp
from jax import lax
from jax.experimental import pallas as pl
from jax.experimental.pallas import tpu as pltpu
from jax.experimental.pallas import tpu_sc as plsc

NUM_MODELS = 8
NUM_SPECIES = 4
DIMS = [384, 160, 128, 96, 1]
N = 20000
B = 1024
G = 23
TOTAL = G * B

NC, NS = 2, 16
NW = NC * NS
APW = N // NW
CH = 125
NCH = APW // CH


def _dot(a, b, prec):
    return lax.dot_general(a, b, (((1,), (0,)), ((), ())),
                           precision=prec,
                           preferred_element_type=jnp.float32)


_PREC = lax.Precision.DEFAULT


def _celu(x):
    return jnp.where(x > 0, x, jnp.exp(x) - 1.0)


def _sc_scatter_body(lin_hbm, pos_hbm, aev_hbm, out_hbm, lin_v, pos_v,
                     buf0, buf1, isem0, isem1, osem0, osem1):
    wid = lax.axis_index("s") * NC + lax.axis_index("c")
    pltpu.sync_copy(lin_hbm.at[wid], lin_v)
    pltpu.sync_copy(pos_hbm.at[wid], pos_v)
    bufs = (buf0, buf1)
    isems = (isem0, isem1)
    osems = (osem0, osem1)
    icp = [None, None]
    ocp = [None, None]
    icp[0] = pltpu.async_copy(aev_hbm.at[lin_v.at[0]], bufs[0], isems[0])
    for c in range(NCH):
        b = c & 1
        icp[b].wait()
        if c + 1 < NCH:
            if c >= 1:
                ocp[1 - b].wait()
            icp[1 - b] = pltpu.async_copy(
                aev_hbm.at[lin_v.at[c + 1]], bufs[1 - b], isems[1 - b])
        ocp[b] = pltpu.async_copy(bufs[b], out_hbm.at[pos_v.at[c]], osems[b])
    ocp[(NCH - 1) & 1].wait()
    if NCH > 1:
        ocp[NCH & 1].wait()


def _sc_scatter(lin3, pos3, aev_flat):
    fn = pl.kernel(
        _sc_scatter_body,
        mesh=plsc.VectorSubcoreMesh(core_axis_name="c", subcore_axis_name="s"),
        out_type=jax.ShapeDtypeStruct((TOTAL, DIMS[0]), jnp.float32),
        scratch_types=[
            pltpu.VMEM((NCH, CH), jnp.int32),
            pltpu.VMEM((NCH, CH), jnp.int32),
            pltpu.VMEM((CH, DIMS[0]), jnp.float32),
            pltpu.VMEM((CH, DIMS[0]), jnp.float32),
            pltpu.SemaphoreType.DMA,
            pltpu.SemaphoreType.DMA,
            pltpu.SemaphoreType.DMA,
            pltpu.SemaphoreType.DMA,
        ],
    )
    return fn(lin3, pos3, aev_flat)


def _mlp_body(bs_ref, bv_ref, x_ref, w0_ref, b0_ref, w1_ref, b1_ref,
              w2_ref, b2_ref, w3_ref, b3_ref, out_ref):
    i = pl.program_id(0)
    nv = bv_ref[i]

    @pl.when(i == 0)
    def _():
        out_ref[...] = jnp.zeros((1, 1), jnp.float32)

    @pl.when(nv > 0)
    def _():
        x = x_ref[...]
        rowmask = lax.broadcasted_iota(jnp.int32, (B, 1), 0) < nv
        h0 = _dot(x, w0_ref[0], _PREC) + b0_ref[0]
        y = jnp.zeros((B, 1), jnp.float32)
        bias_tot = jnp.float32(0.0)
        for m in range(NUM_MODELS):
            h = _celu(h0[:, m * DIMS[1]:(m + 1) * DIMS[1]])
            h = _dot(h, w1_ref[0, m], _PREC) + b1_ref[0, m]
            h = _celu(h)
            h = _dot(h, w2_ref[0, m], _PREC) + b2_ref[0, m]
            h = _celu(h)
            y = y + _dot(h, w3_ref[0, m], _PREC)
            bias_tot = bias_tot + b3_ref[0, m, 0, 0]
        ysum = jnp.sum(jnp.where(rowmask, y, 0.0), axis=(0, 1), keepdims=True)
        acc = ysum + nv.astype(jnp.float32) * bias_tot
        out_ref[...] += acc * (1.0 / NUM_MODELS)


def _routing(species):
    sf = species.reshape(-1).astype(jnp.int32)
    oh = (sf[:, None] == jnp.arange(NUM_SPECIES, dtype=jnp.int32)[None, :]).astype(jnp.int32)
    csum = jnp.cumsum(oh, axis=0)
    counts = csum[-1]
    rank = jnp.sum(oh * csum, axis=1) - 1
    nb = (counts + B - 1) // B
    blk_start = jnp.concatenate([jnp.zeros(1, jnp.int32), jnp.cumsum(nb)])[:NUM_SPECIES]
    pos = jnp.sum(oh * (blk_start * B)[None, :], axis=1) + rank
    g = jnp.arange(G, dtype=jnp.int32)
    cnb = jnp.cumsum(nb)
    bs = jnp.clip(jnp.sum((g[:, None] >= cnb[None, :]).astype(jnp.int32), axis=1),
                  0, NUM_SPECIES - 1).astype(jnp.int32)
    ohg = (bs[:, None] == jnp.arange(NUM_SPECIES, dtype=jnp.int32)[None, :]).astype(jnp.int32)
    counts_g = jnp.sum(ohg * counts[None, :], axis=1)
    start_g = jnp.sum(ohg * blk_start[None, :], axis=1)
    bv = jnp.clip(counts_g - (g - start_g) * B, 0, B).astype(jnp.int32)
    return pos, bs, bv


def kernel(species, aev,
           W0_0, b0_0, W0_1, b0_1, W0_2, b0_2, W0_3, b0_3,
           W1_0, b1_0, W1_1, b1_1, W1_2, b1_2, W1_3, b1_3,
           W2_0, b2_0, W2_1, b2_1, W2_2, b2_2, W2_3, b2_3,
           W3_0, b3_0, W3_1, b3_1, W3_2, b3_2, W3_3, b3_3):
    kw = dict(locals())
    aev_flat = aev.reshape(-1, DIMS[0])
    pos, bs, bv = _routing(species)

    lin = jnp.arange(N, dtype=jnp.int32).reshape(NW, NCH, CH)
    x_sorted = _sc_scatter(lin, pos.reshape(NW, NCH, CH), aev_flat)

    bs, bv, *wflat = lax.optimization_barrier(
        (bs, bv) + tuple(kw["W%d_%d" % (s, l)]
                         for l in range(4) for s in range(NUM_SPECIES))
        + tuple(kw["b%d_%d" % (s, l)]
                for l in range(4) for s in range(NUM_SPECIES)))
    for idx_l in range(4):
        for idx_s in range(NUM_SPECIES):
            kw["W%d_%d" % (idx_s, idx_l)] = wflat[idx_l * NUM_SPECIES + idx_s]
            kw["b%d_%d" % (idx_s, idx_l)] = wflat[16 + idx_l * NUM_SPECIES + idx_s]

    Ws = [jnp.stack([kw["W%d_%d" % (s, l)] for s in range(NUM_SPECIES)])
          for l in range(4)]
    Bs = [jnp.stack([kw["b%d_%d" % (s, l)] for s in range(NUM_SPECIES)])
          for l in range(4)]
    Ws[0] = Ws[0].transpose(0, 2, 1, 3).reshape(NUM_SPECIES, DIMS[0],
                                                NUM_MODELS * DIMS[1])
    Bs[0] = Bs[0].reshape(NUM_SPECIES, 1, NUM_MODELS * DIMS[1])

    def wspec(l):
        return pl.BlockSpec((1, NUM_MODELS, DIMS[l], DIMS[l + 1]),
                            lambda i, bsr, bvr: (bsr[i], 0, 0, 0))

    def bspec(l):
        return pl.BlockSpec((1, NUM_MODELS, 1, DIMS[l + 1]),
                            lambda i, bsr, bvr: (bsr[i], 0, 0, 0))

    in_specs = [pl.BlockSpec((B, DIMS[0]), lambda i, bsr, bvr: (i, 0)),
                pl.BlockSpec((1, DIMS[0], NUM_MODELS * DIMS[1]),
                             lambda i, bsr, bvr: (bsr[i], 0, 0)),
                pl.BlockSpec((1, 1, NUM_MODELS * DIMS[1]),
                             lambda i, bsr, bvr: (bsr[i], 0, 0))]
    for l in range(1, 4):
        in_specs += [wspec(l), bspec(l)]

    grid_spec = pltpu.PrefetchScalarGridSpec(
        num_scalar_prefetch=2,
        grid=(G,),
        in_specs=in_specs,
        out_specs=pl.BlockSpec((1, 1), lambda i, bsr, bvr: (0, 0)),
    )
    args = [x_sorted]
    for l in range(4):
        args += [Ws[l], Bs[l]]
    out = pl.pallas_call(
        _mlp_body, grid_spec=grid_spec,
        out_shape=jax.ShapeDtypeStruct((1, 1), jnp.float32),
    )(bs, bv, *args)
    return out.reshape(1)

# --- scband reference (transcript-rebuilt; emitter-appended) ---
"""Pipeline reference for scband-bmm-ensemble-77034533421748 (READ-ONLY COPY).

The authoritative reference and input builder live on the scoring server;
editing this copy changes nothing except your own understanding.
"""

import jax, jax.numpy as jnp
import numpy as np

NUM_MODELS = 8
NUM_SPECIES = 4
DIMS = [384, 160, 128, 96, 1]
N_ATOMS = 20000


def celu(x):
    return jnp.where(x > 0, x, jnp.expm1(x))


def setup_inputs(seed: int = 0):
    key = jax.random.key(seed)
    n_layers = len(DIMS) - 1
    ks = jax.random.split(key, 2 + NUM_SPECIES * n_layers * 2)
    inp = {}
    inp["species"] = jax.random.randint(ks[0], (1, N_ATOMS), 0, NUM_SPECIES)
    inp["aev"] = jax.random.normal(ks[1], (1, N_ATOMS, DIMS[0]), dtype=jnp.float32)
    ki = 2
    for s in range(NUM_SPECIES):
        for l in range(n_layers):
            inp["W%d_%d" % (s, l)] = jax.random.normal(ks[ki], (NUM_MODELS, DIMS[l], DIMS[l + 1]), dtype=jnp.float32) / np.sqrt(DIMS[l])
            ki += 1
            inp["b%d_%d" % (s, l)] = 0.01 * jax.random.normal(ks[ki], (NUM_MODELS, 1, DIMS[l + 1]), dtype=jnp.float32)
            ki += 1
    return inp


def _bmm_network(x, Ws, bs):
    # x: [n, m]; expand to [M, n, m] then fused baddbmm per layer, mean over models
    h = jnp.broadcast_to(x[None, :, :], (NUM_MODELS,) + x.shape)
    n = len(Ws)
    for l in range(n):
        h = jnp.einsum('bnm,bmp->bnp', h, Ws[l]) + bs[l]
        if l < n - 1:
            h = celu(h)
    return h.mean(0)


def reference(species, aev,
              W0_0, b0_0, W0_1, b0_1, W0_2, b0_2, W0_3, b0_3,
              W1_0, b1_0, W1_1, b1_1, W1_2, b1_2, W1_3, b1_3,
              W2_0, b2_0, W2_1, b2_1, W2_2, b2_2, W2_3, b2_3,
              W3_0, b3_0, W3_1, b3_1, W3_2, b3_2, W3_3, b3_3):
    kw = dict(locals())
    species_flat = species.reshape(-1)
    aev_flat = aev.reshape(-1, aev.shape[-1])
    n_layers = len(DIMS) - 1
    energy_list = jnp.zeros((NUM_SPECIES,), dtype=aev_flat.dtype)
    for s in range(NUM_SPECIES):
        mask = species_flat == s
        Ws = [kw["W%d_%d" % (s, l)] for l in range(n_layers)]
        bs = [kw["b%d_%d" % (s, l)] for l in range(n_layers)]
        out = _bmm_network(aev_flat, Ws, bs).reshape(-1)
        energy_list = energy_list.at[s].set(jnp.sum(jnp.where(mask, out, jnp.zeros_like(out))))
    mol_energies = jnp.sum(energy_list).reshape(1)
    return mol_energies

if __name__ == "__main__":
    import jax
    _d = setup_inputs()
    print(jax.jit(kernel)(*tuple(_d.values())))

</pallas_src>

<mosaic_0001>
#map = affine_map<(d0, d1) -> (0, 0, 0)>
#map1 = affine_map<(d0, d1) -> (0, 0)>
module attributes {stable_mosaic.version = 14 : i64} {
  func.func @_sc_scatter_body(%arg0: i32, %arg1: i32, %arg2: memref<32x5x125xi32, #tpu.memory_space<hbm>>, %arg3: memref<32x5x125xi32, #tpu.memory_space<hbm>>, %arg4: memref<20000x384xf32, #tpu.memory_space<hbm>>, %arg5: memref<23552x384xf32, #tpu.memory_space<hbm>>, %arg6: memref<5x125xi32, #tpu.memory_space<vmem>>, %arg7: memref<5x125xi32, #tpu.memory_space<vmem>>, %arg8: memref<125x384xf32, #tpu.memory_space<vmem>>, %arg9: memref<125x384xf32, #tpu.memory_space<vmem>>, %arg10: memref<!tpu.dma_semaphore, #tpu.memory_space<semaphore_mem>>, %arg11: memref<!tpu.dma_semaphore, #tpu.memory_space<semaphore_mem>>, %arg12: memref<!tpu.dma_semaphore, #tpu.memory_space<semaphore_mem>>, %arg13: memref<!tpu.dma_semaphore, #tpu.memory_space<semaphore_mem>>) attributes {dimension_semantics = [#tpu.dimension_semantics<core_parallel>, #tpu.dimension_semantics<subcore_parallel>], iteration_bounds = array<i64: 2, 16>, scalar_prefetch = 0 : i64, scratch_operands = 8 : i64, tpu.core_type = #tpu.core_type<sc_vector_subcore>, window_params = [{transform_indices = #map}, {transform_indices = #map}, {transform_indices = #map1}, {transform_indices = #map1}]} {
    %mul3A = arith.constant 2 : i32
    %mul3A_0 = arith.muli %arg1, %mul3A : i32
    %add3A = arith.addi %mul3A_0, %arg0 : i32
    "tpu.region"() ({
      %run_scoped3A = tpu.sem_alloc : memref<!tpu.dma_semaphore, #tpu.memory_space<semaphore_mem>>
      %dma_start3A_139 = arith.constant 0 : i32
      %dma_start3A_140 = arith.constant 0 : i32
      %dma_start3A_141 = tpu.memref_slice %arg2[%add3A, %dma_start3A_139, %dma_start3A_140] : memref<32x5x125xi32, #tpu.memory_space<hbm>> -> memref<1x5x125xi32, #tpu.memory_space<hbm>>
      %dma_start3A_142 = tpu.memref_squeeze %dma_start3A_141 : memref<1x5x125xi32, #tpu.memory_space<hbm>> -> memref<5x125xi32, #tpu.memory_space<hbm>>
      %dma_start3A_143 = arith.constant 0 : i32
      %dma_start3A_144 = arith.constant 0 : i32
      %dma_start3A_145 = tpu.memref_slice %arg2[%add3A, %dma_start3A_143, %dma_start3A_144] : memref<32x5x125xi32, #tpu.memory_space<hbm>> -> memref<1x5x125xi32, #tpu.memory_space<hbm>>
      %dma_start3A_146 = tpu.memref_squeeze %dma_start3A_145 : memref<1x5x125xi32, #tpu.memory_space<hbm>> -> memref<5x125xi32, #tpu.memory_space<hbm>>
      tpu.enqueue_dma source(%dma_start3A_146 : memref<5x125xi32, #tpu.memory_space<hbm>>) target(%arg6 : memref<5x125xi32, #tpu.memory_space<vmem>>) target_semaphore(%run_scoped3A : memref<!tpu.dma_semaphore, #tpu.memory_space<semaphore_mem>>)
      %dma_wait3A_147 = arith.constant 0 : i32
      %dma_wait3A_148 = arith.constant 0 : i32
      %dma_wait3A_149 = tpu.memref_slice %arg2[%add3A, %dma_wait3A_147, %dma_wait3A_148] : memref<32x5x125xi32, #tpu.memory_space<hbm>> -> memref<1x5x125xi32, #tpu.memory_space<hbm>>
      %dma_wait3A_150 = tpu.memref_squeeze %dma_wait3A_149 : memref<1x5x125xi32, #tpu.memory_space<hbm>> -> memref<5x125xi32, #tpu.memory_space<hbm>>
      %dma_wait3A_151 = arith.constant 0 : i32
      %dma_wait3A_152 = arith.constant 0 : i32
      %dma_wait3A_153 = tpu.memref_slice %arg2[%add3A, %dma_wait3A_151, %dma_wait3A_152] : memref<32x5x125xi32, #tpu.memory_space<hbm>> -> memref<1x5x125xi32, #tpu.memory_space<hbm>>
      %dma_wait3A_154 = tpu.memref_squeeze %dma_wait3A_153 : memref<1x5x125xi32, #tpu.memory_space<hbm>> -> memref<5x125xi32, #tpu.memory_space<hbm>>
      tpu.wait_dma2 semaphore(%run_scoped3A : memref<!tpu.dma_semaphore, #tpu.memory_space<semaphore_mem>>) src(%dma_wait3A_154 : memref<5x125xi32, #tpu.memory_space<hbm>>) dst(%arg6 : memref<5x125xi32, #tpu.memory_space<vmem>>)
      tpu.yield
    }) : () -> ()
    "tpu.region"() ({
      %run_scoped3A = tpu.sem_alloc : memref<!tpu.dma_semaphore, #tpu.memory_space<semaphore_mem>>
      %dma_start3A_139 = arith.constant 0 : i32
      %dma_start3A_140 = arith.constant 0 : i32
      %dma_start3A_141 = tpu.memref_slice %arg3[%add3A, %dma_start3A_139, %dma_start3A_140] : memref<32x5x125xi32, #tpu.memory_space<hbm>> -> memref<1x5x125xi32, #tpu.memory_space<hbm>>
      %dma_start3A_142 = tpu.memref_squeeze %dma_start3A_141 : memref<1x5x125xi32, #tpu.memory_space<hbm>> -> memref<5x125xi32, #tpu.memory_space<hbm>>
      %dma_start3A_143 = arith.constant 0 : i32
      %dma_start3A_144 = arith.constant 0 : i32
      %dma_start3A_145 = tpu.memref_slice %arg3[%add3A, %dma_start3A_143, %dma_start3A_144] : memref<32x5x125xi32, #tpu.memory_space<hbm>> -> memref<1x5x125xi32, #tpu.memory_space<hbm>>
      %dma_start3A_146 = tpu.memref_squeeze %dma_start3A_145 : memref<1x5x125xi32, #tpu.memory_space<hbm>> -> memref<5x125xi32, #tpu.memory_space<hbm>>
      tpu.enqueue_dma source(%dma_start3A_146 : memref<5x125xi32, #tpu.memory_space<hbm>>) target(%arg7 : memref<5x125xi32, #tpu.memory_space<vmem>>) target_semaphore(%run_scoped3A : memref<!tpu.dma_semaphore, #tpu.memory_space<semaphore_mem>>)
      %dma_wait3A_147 = arith.constant 0 : i32
      %dma_wait3A_148 = arith.constant 0 : i32
      %dma_wait3A_149 = tpu.memref_slice %arg3[%add3A, %dma_wait3A_147, %dma_wait3A_148] : memref<32x5x125xi32, #tpu.memory_space<hbm>> -> memref<1x5x125xi32, #tpu.memory_space<hbm>>
      %dma_wait3A_150 = tpu.memref_squeeze %dma_wait3A_149 : memref<1x5x125xi32, #tpu.memory_space<hbm>> -> memref<5x125xi32, #tpu.memory_space<hbm>>
      %dma_wait3A_151 = arith.constant 0 : i32
      %dma_wait3A_152 = arith.constant 0 : i32
      %dma_wait3A_153 = tpu.memref_slice %arg3[%add3A, %dma_wait3A_151, %dma_wait3A_152] : memref<32x5x125xi32, #tpu.memory_space<hbm>> -> memref<1x5x125xi32, #tpu.memory_space<hbm>>
      %dma_wait3A_154 = tpu.memref_squeeze %dma_wait3A_153 : memref<1x5x125xi32, #tpu.memory_space<hbm>> -> memref<5x125xi32, #tpu.memory_space<hbm>>
      tpu.wait_dma2 semaphore(%run_scoped3A : memref<!tpu.dma_semaphore, #tpu.memory_space<semaphore_mem>>) src(%dma_wait3A_154 : memref<5x125xi32, #tpu.memory_space<hbm>>) dst(%arg7 : memref<5x125xi32, #tpu.memory_space<vmem>>)
      tpu.yield
    }) : () -> ()
    %dma_start3A = arith.constant 0 : i32
    %dma_start3A_1 = arith.constant 0 : i32
    %dma_start3A_2 = tpu.memref_slice %arg6[%dma_start3A, %dma_start3A_1] : memref<5x125xi32, #tpu.memory_space<vmem>> -> memref<1x125xi32, #tpu.memory_space<vmem>>
    %dma_start3A_3 = tpu.memref_squeeze %dma_start3A_2 : memref<1x125xi32, #tpu.memory_space<vmem>> -> memref<125xi32, #tpu.memory_space<vmem>>
    %dma_start3A_4 = arith.constant 0 : i32
    %dma_start3A_5 = arith.constant 0 : i32
    %dma_start3A_6 = tpu.memref_slice %arg4[%dma_start3A_4, %dma_start3A_5] : memref<20000x384xf32, #tpu.memory_space<hbm>> -> memref<20000x384xf32, #tpu.memory_space<hbm>>
    tpu.enqueue_indirect_dma source(%dma_start3A_6 : memref<20000x384xf32, #tpu.memory_space<hbm>>) target(%arg8 : memref<125x384xf32, #tpu.memory_space<vmem>>) offsets(%dma_start3A_3 : memref<125xi32, #tpu.memory_space<vmem>>) semaphore(%arg10 : memref<!tpu.dma_semaphore, #tpu.memory_space<semaphore_mem>>)
    %dma_wait3A = arith.constant 0 : i32
    %dma_wait3A_7 = arith.constant 0 : i32
    %dma_wait3A_8 = tpu.memref_slice %arg6[%dma_wait3A, %dma_wait3A_7] : memref<5x125xi32, #tpu.memory_space<vmem>> -> memref<1x125xi32, #tpu.memory_space<vmem>>
    %dma_wait3A_9 = tpu.memref_squeeze %dma_wait3A_8 : memref<1x125xi32, #tpu.memory_space<vmem>> -> memref<125xi32, #tpu.memory_space<vmem>>
    %dma_wait3A_10 = arith.constant 0 : i32
    %dma_wait3A_11 = arith.constant 0 : i32
    %dma_wait3A_12 = tpu.memref_slice %arg4[%dma_wait3A_10, %dma_wait3A_11] : memref<20000x384xf32, #tpu.memory_space<hbm>> -> memref<20000x384xf32, #tpu.memory_space<hbm>>
    tpu.wait_indirect_dma semaphore(%arg10 : memref<!tpu.dma_semaphore, #tpu.memory_space<semaphore_mem>>) src(%dma_wait3A_12 : memref<20000x384xf32, #tpu.memory_space<hbm>>) dst(%arg8 : memref<125x384xf32, #tpu.memory_space<vmem>>)
    %dma_start3A_13 = arith.constant 1 : i32
    %dma_start3A_14 = arith.constant 0 : i32
    %dma_start3A_15 = tpu.memref_slice %arg6[%dma_start3A_13, %dma_start3A_14] : memref<5x125xi32, #tpu.memory_space<vmem>> -> memref<1x125xi32, #tpu.memory_space<vmem>>
    %dma_start3A_16 = tpu.memref_squeeze %dma_start3A_15 : memref<1x125xi32, #tpu.memory_space<vmem>> -> memref<125xi32, #tpu.memory_space<vmem>>
    %dma_start3A_17 = arith.constant 0 : i32
    %dma_start3A_18 = arith.constant 0 : i32
    %dma_start3A_19 = tpu.memref_slice %arg4[%dma_start3A_17, %dma_start3A_18] : memref<20000x384xf32, #tpu.memory_space<hbm>> -> memref<20000x384xf32, #tpu.memory_space<hbm>>
    tpu.enqueue_indirect_dma source(%dma_start3A_19 : memref<20000x384xf32, #tpu.memory_space<hbm>>) target(%arg9 : memref<125x384xf32, #tpu.memory_space<vmem>>) offsets(%dma_start3A_16 : memref<125xi32, #tpu.memory_space<vmem>>) semaphore(%arg11 : memref<!tpu.dma_semaphore, #tpu.memory_space<semaphore_mem>>)
    %dma_start3A_20 = arith.constant 0 : i32
    %dma_start3A_21 = arith.constant 0 : i32
    %dma_start3A_22 = tpu.memref_slice %arg7[%dma_start3A_20, %dma_start3A_21] : memref<5x125xi32, #tpu.memory_space<vmem>> -> memref<1x125xi32, #tpu.memory_space<vmem>>
    %dma_start3A_23 = tpu.memref_squeeze %dma_start3A_22 : memref<1x125xi32, #tpu.memory_space<vmem>> -> memref<125xi32, #tpu.memory_space<vmem>>
    %dma_start3A_24 = arith.constant 0 : i32
    %dma_start3A_25 = arith.constant 0 : i32
    %dma_start3A_26 = tpu.memref_slice %arg5[%dma_start3A_24, %dma_start3A_25] : memref<23552x384xf32, #tpu.memory_space<hbm>> -> memref<23552x384xf32, #tpu.memory_space<hbm>>
    tpu.enqueue_indirect_dma source(%arg8 : memref<125x384xf32, #tpu.memory_space<vmem>>) target(%dma_start3A_26 : memref<23552x384xf32, #tpu.memory_space<hbm>>) offsets(%dma_start3A_23 : memref<125xi32, #tpu.memory_space<vmem>>) semaphore(%arg12 : memref<!tpu.dma_semaphore, #tpu.memory_space<semaphore_mem>>)
    %dma_wait3A_27 = arith.constant 1 : i32
    %dma_wait3A_28 = arith.constant 0 : i32
    %dma_wait3A_29 = tpu.memref_slice %arg6[%dma_wait3A_27, %dma_wait3A_28] : memref<5x125xi32, #tpu.memory_space<vmem>> -> memref<1x125xi32, #tpu.memory_space<vmem>>
    %dma_wait3A_30 = tpu.memref_squeeze %dma_wait3A_29 : memref<1x125xi32, #tpu.memory_space<vmem>> -> memref<125xi32, #tpu.memory_space<vmem>>
    %dma_wait3A_31 = arith.constant 0 : i32
    %dma_wait3A_32 = arith.constant 0 : i32
    %dma_wait3A_33 = tpu.memref_slice %arg4[%dma_wait3A_31, %dma_wait3A_32] : memref<20000x384xf32, #tpu.memory_space<hbm>> -> memref<20000x384xf32, #tpu.memory_space<hbm>>
    tpu.wait_indirect_dma semaphore(%arg11 : memref<!tpu.dma_semaphore, #tpu.memory_space<semaphore_mem>>) src(%dma_wait3A_33 : memref<20000x384xf32, #tpu.memory_space<hbm>>) dst(%arg9 : memref<125x384xf32, #tpu.memory_space<vmem>>)
    %dma_wait3A_34 = arith.constant 0 : i32
    %dma_wait3A_35 = arith.constant 0 : i32
    %dma_wait3A_36 = tpu.memref_slice %arg7[%dma_wait3A_34, %dma_wait3A_35] : memref<5x125xi32, #tpu.memory_space<vmem>> -> memref<1x125xi32, #tpu.memory_space<vmem>>
    %dma_wait3A_37 = tpu.memref_squeeze %dma_wait3A_36 : memref<1x125xi32, #tpu.memory_space<vmem>> -> memref<125xi32, #tpu.memory_space<vmem>>
    %dma_wait3A_38 = arith.constant 0 : i32
    %dma_wait3A_39 = arith.constant 0 : i32
    %dma_wait3A_40 = tpu.memref_slice %arg5[%dma_wait3A_38, %dma_wait3A_39] : memref<23552x384xf32, #tpu.memory_space<hbm>> -> memref<23552x384xf32, #tpu.memory_space<hbm>>
    tpu.wait_indirect_dma semaphore(%arg12 : memref<!tpu.dma_semaphore, #tpu.memory_space<semaphore_mem>>) src(%arg8 : memref<125x384xf32, #tpu.memory_space<vmem>>) dst(%dma_wait3A_40 : memref<23552x384xf32, #tpu.memory_space<hbm>>)
    %dma_start3A_41 = arith.constant 2 : i32
    %dma_start3A_42 = arith.constant 0 : i32
    %dma_start3A_43 = tpu.memref_slice %arg6[%dma_start3A_41, %dma_start3A_42] : memref<5x125xi32, #tpu.memory_space<vmem>> -> memref<1x125xi32, #tpu.memory_space<vmem>>
    %dma_start3A_44 = tpu.memref_squeeze %dma_start3A_43 : memref<1x125xi32, #tpu.memory_space<vmem>> -> memref<125xi32, #tpu.memory_space<vmem>>
    %dma_start3A_45 = arith.constant 0 : i32
    %dma_start3A_46 = arith.constant 0 : i32
    %dma_start3A_47 = tpu.memref_slice %arg4[%dma_start3A_45, %dma_start3A_46] : memref<20000x384xf32, #tpu.memory_space<hbm>> -> memref<20000x384xf32, #tpu.memory_space<hbm>>
    tpu.enqueue_indirect_dma source(%dma_start3A_47 : memref<20000x384xf32, #tpu.memory_space<hbm>>) target(%arg8 : memref<125x384xf32, #tpu.memory_space<vmem>>) offsets(%dma_start3A_44 : memref<125xi32, #tpu.memory_space<vmem>>) semaphore(%arg10 : memref<!tpu.dma_semaphore, #tpu.memory_space<semaphore_mem>>)
    %dma_start3A_48 = arith.constant 1 : i32
    %dma_start3A_49 = arith.constant 0 : i32
    %dma_start3A_50 = tpu.memref_slice %arg7[%dma_start3A_48, %dma_start3A_49] : memref<5x125xi32, #tpu.memory_space<vmem>> -> memref<1x125xi32, #tpu.memory_space<vmem>>
    %dma_start3A_51 = tpu.memref_squeeze %dma_start3A_50 : memref<1x125xi32, #tpu.memory_space<vmem>> -> memref<125xi32, #tpu.memory_space<vmem>>
    %dma_start3A_52 = arith.constant 0 : i32
    %dma_start3A_53 = arith.constant 0 : i32
    %dma_start3A_54 = tpu.memref_slice %arg5[%dma_start3A_52, %dma_start3A_53] : memref<23552x384xf32, #tpu.memory_space<hbm>> -> memref<23552x384xf32, #tpu.memory_space<hbm>>
    tpu.enqueue_indirect_dma source(%arg9 : memref<125x384xf32, #tpu.memory_space<vmem>>) target(%dma_start3A_54 : memref<23552x384xf32, #tpu.memory_space<hbm>>) offsets(%dma_start3A_51 : memref<125xi32, #tpu.memory_space<vmem>>) semaphore(%arg13 : memref<!tpu.dma_semaphore, #tpu.memory_space<semaphore_mem>>)
    %dma_wait3A_55 = arith.constant 2 : i32
    %dma_wait3A_56 = arith.constant 0 : i32
    %dma_wait3A_57 = tpu.memref_slice %arg6[%dma_wait3A_55, %dma_wait3A_56] : memref<5x125xi32, #tpu.memory_space<vmem>> -> memref<1x125xi32, #tpu.memory_space<vmem>>
    %dma_wait3A_58 = tpu.memref_squeeze %dma_wait3A_57 : memref<1x125xi32, #tpu.memory_space<vmem>> -> memref<125xi32, #tpu.memory_space<vmem>>
    %dma_wait3A_59 = arith.constant 0 : i32
    %dma_wait3A_60 = arith.constant 0 : i32
    %dma_wait3A_61 = tpu.memref_slice %arg4[%dma_wait3A_59, %dma_wait3A_60] : memref<20000x384xf32, #tpu.memory_space<hbm>> -> memref<20000x384xf32, #tpu.memory_space<hbm>>
    tpu.wait_indirect_dma semaphore(%arg10 : memref<!tpu.dma_semaphore, #tpu.memory_space<semaphore_mem>>) src(%dma_wait3A_61 : memref<20000x384xf32, #tpu.memory_space<hbm>>) dst(%arg8 : memref<125x384xf32, #tpu.memory_space<vmem>>)
    %dma_wait3A_62 = arith.constant 1 : i32
    %dma_wait3A_63 = arith.constant 0 : i32
    %dma_wait3A_64 = tpu.memref_slice %arg7[%dma_wait3A_62, %dma_wait3A_63] : memref<5x125xi32, #tpu.memory_space<vmem>> -> memref<1x125xi32, #tpu.memory_space<vmem>>
    %dma_wait3A_65 = tpu.memref_squeeze %dma_wait3A_64 : memref<1x125xi32, #tpu.memory_space<vmem>> -> memref<125xi32, #tpu.memory_space<vmem>>
    %dma_wait3A_66 = arith.constant 0 : i32
    %dma_wait3A_67 = arith.constant 0 : i32
    %dma_wait3A_68 = tpu.memref_slice %arg5[%dma_wait3A_66, %dma_wait3A_67] : memref<23552x384xf32, #tpu.memory_space<hbm>> -> memref<23552x384xf32, #tpu.memory_space<hbm>>
    tpu.wait_indirect_dma semaphore(%arg13 : memref<!tpu.dma_semaphore, #tpu.memory_space<semaphore_mem>>) src(%arg9 : memref<125x384xf32, #tpu.memory_space<vmem>>) dst(%dma_wait3A_68 : memref<23552x384xf32, #tpu.memory_space<hbm>>)
    %dma_start3A_69 = arith.constant 3 : i32
    %dma_start3A_70 = arith.constant 0 : i32
    %dma_start3A_71 = tpu.memref_slice %arg6[%dma_start3A_69, %dma_start3A_70] : memref<5x125xi32, #tpu.memory_space<vmem>> -> memref<1x125xi32, #tpu.memory_space<vmem>>
    %dma_start3A_72 = tpu.memref_squeeze %dma_start3A_71 : memref<1x125xi32, #tpu.memory_space<vmem>> -> memref<125xi32, #tpu.memory_space<vmem>>
    %dma_start3A_73 = arith.constant 0 : i32
    %dma_start3A_74 = arith.constant 0 : i32
    %dma_start3A_75 = tpu.memref_slice %arg4[%dma_start3A_73, %dma_start3A_74] : memref<20000x384xf32, #tpu.memory_space<hbm>> -> memref<20000x384xf32, #tpu.memory_space<hbm>>
    tpu.enqueue_indirect_dma source(%dma_start3A_75 : memref<20000x384xf32, #tpu.memory_space<hbm>>) target(%arg9 : memref<125x384xf32, #tpu.memory_space<vmem>>) offsets(%dma_start3A_72 : memref<125xi32, #tpu.memory_space<vmem>>) semaphore(%arg11 : memref<!tpu.dma_semaphore, #tpu.memory_space<semaphore_mem>>)
    %dma_start3A_76 = arith.constant 2 : i32
    %dma_start3A_77 = arith.constant 0 : i32
    %dma_start3A_78 = tpu.memref_slice %arg7[%dma_start3A_76, %dma_start3A_77] : memref<5x125xi32, #tpu.memory_space<vmem>> -> memref<1x125xi32, #tpu.memory_space<vmem>>
    %dma_start3A_79 = tpu.memref_squeeze %dma_start3A_78 : memref<1x125xi32, #tpu.memory_space<vmem>> -> memref<125xi32, #tpu.memory_space<vmem>>
    %dma_start3A_80 = arith.constant 0 : i32
    %dma_start3A_81 = arith.constant 0 : i32
    %dma_start3A_82 = tpu.memref_slice %arg5[%dma_start3A_80, %dma_start3A_81] : memref<23552x384xf32, #tpu.memory_space<hbm>> -> memref<23552x384xf32, #tpu.memory_space<hbm>>
    tpu.enqueue_indirect_dma source(%arg8 : memref<125x384xf32, #tpu.memory_space<vmem>>) target(%dma_start3A_82 : memref<23552x384xf32, #tpu.memory_space<hbm>>) offsets(%dma_start3A_79 : memref<125xi32, #tpu.memory_space<vmem>>) semaphore(%arg12 : memref<!tpu.dma_semaphore, #tpu.memory_space<semaphore_mem>>)
    %dma_wait3A_83 = arith.constant 3 : i32
    %dma_wait3A_84 = arith.constant 0 : i32
    %dma_wait3A_85 = tpu.memref_slice %arg6[%dma_wait3A_83, %dma_wait3A_84] : memref<5x125xi32, #tpu.memory_space<vmem>> -> memref<1x125xi32, #tpu.memory_space<vmem>>
    %dma_wait3A_86 = tpu.memref_squeeze %dma_wait3A_85 : memref<1x125xi32, #tpu.memory_space<vmem>> -> memref<125xi32, #tpu.memory_space<vmem>>
    %dma_wait3A_87 = arith.constant 0 : i32
    %dma_wait3A_88 = arith.constant 0 : i32
    %dma_wait3A_89 = tpu.memref_slice %arg4[%dma_wait3A_87, %dma_wait3A_88] : memref<20000x384xf32, #tpu.memory_space<hbm>> -> memref<20000x384xf32, #tpu.memory_space<hbm>>
    tpu.wait_indirect_dma semaphore(%arg11 : memref<!tpu.dma_semaphore, #tpu.memory_space<semaphore_mem>>) src(%dma_wait3A_89 : memref<20000x384xf32, #tpu.memory_space<hbm>>) dst(%arg9 : memref<125x384xf32, #tpu.memory_space<vmem>>)
    %dma_wait3A_90 = arith.constant 2 : i32
    %dma_wait3A_91 = arith.constant 0 : i32
    %dma_wait3A_92 = tpu.memref_slice %arg7[%dma_wait3A_90, %dma_wait3A_91] : memref<5x125xi32, #tpu.memory_space<vmem>> -> memref<1x125xi32, #tpu.memory_space<vmem>>
    %dma_wait3A_93 = tpu.memref_squeeze %dma_wait3A_92 : memref<1x125xi32, #tpu.memory_space<vmem>> -> memref<125xi32, #tpu.memory_space<vmem>>
    %dma_wait3A_94 = arith.constant 0 : i32
    %dma_wait3A_95 = arith.constant 0 : i32
    %dma_wait3A_96 = tpu.memref_slice %arg5[%dma_wait3A_94, %dma_wait3A_95] : memref<23552x384xf32, #tpu.memory_space<hbm>> -> memref<23552x384xf32, #tpu.memory_space<hbm>>
    tpu.wait_indirect_dma semaphore(%arg12 : memref<!tpu.dma_semaphore, #tpu.memory_space<semaphore_mem>>) src(%arg8 : memref<125x384xf32, #tpu.memory_space<vmem>>) dst(%dma_wait3A_96 : memref<23552x384xf32, #tpu.memory_space<hbm>>)
    %dma_start3A_97 = arith.constant 4 : i32
    %dma_start3A_98 = arith.constant 0 : i32
    %dma_start3A_99 = tpu.memref_slice %arg6[%dma_start3A_97, %dma_start3A_98] : memref<5x125xi32, #tpu.memory_space<vmem>> -> memref<1x125xi32, #tpu.memory_space<vmem>>
    %dma_start3A_100 = tpu.memref_squeeze %dma_start3A_99 : memref<1x125xi32, #tpu.memory_space<vmem>> -> memref<125xi32, #tpu.memory_space<vmem>>
    %dma_start3A_101 = arith.constant 0 : i32
    %dma_start3A_102 = arith.constant 0 : i32
    %dma_start3A_103 = tpu.memref_slice %arg4[%dma_start3A_101, %dma_start3A_102] : memref<20000x384xf32, #tpu.memory_space<hbm>> -> memref<20000x384xf32, #tpu.memory_space<hbm>>
    tpu.enqueue_indirect_dma source(%dma_start3A_103 : memref<20000x384xf32, #tpu.memory_space<hbm>>) target(%arg8 : memref<125x384xf32, #tpu.memory_space<vmem>>) offsets(%dma_start3A_100 : memref<125xi32, #tpu.memory_space<vmem>>) semaphore(%arg10 : memref<!tpu.dma_semaphore, #tpu.memory_space<semaphore_mem>>)
    %dma_start3A_104 = arith.constant 3 : i32
    %dma_start3A_105 = arith.constant 0 : i32
    %dma_start3A_106 = tpu.memref_slice %arg7[%dma_start3A_104, %dma_start3A_105] : memref<5x125xi32, #tpu.memory_space<vmem>> -> memref<1x125xi32, #tpu.memory_space<vmem>>
    %dma_start3A_107 = tpu.memref_squeeze %dma_start3A_106 : memref<1x125xi32, #tpu.memory_space<vmem>> -> memref<125xi32, #tpu.memory_space<vmem>>
    %dma_start3A_108 = arith.constant 0 : i32
    %dma_start3A_109 = arith.constant 0 : i32
    %dma_start3A_110 = tpu.memref_slice %arg5[%dma_start3A_108, %dma_start3A_109] : memref<23552x384xf32, #tpu.memory_space<hbm>> -> memref<23552x384xf32, #tpu.memory_space<hbm>>
    tpu.enqueue_indirect_dma source(%arg9 : memref<125x384xf32, #tpu.memory_space<vmem>>) target(%dma_start3A_110 : memref<23552x384xf32, #tpu.memory_space<hbm>>) offsets(%dma_start3A_107 : memref<125xi32, #tpu.memory_space<vmem>>) semaphore(%arg13 : memref<!tpu.dma_semaphore, #tpu.memory_space<semaphore_mem>>)
    %dma_wait3A_111 = arith.constant 4 : i32
    %dma_wait3A_112 = arith.constant 0 : i32
    %dma_wait3A_113 = tpu.memref_slice %arg6[%dma_wait3A_111, %dma_wait3A_112] : memref<5x125xi32, #tpu.memory_space<vmem>> -> memref<1x125xi32, #tpu.memory_space<vmem>>
    %dma_wait3A_114 = tpu.memref_squeeze %dma_wait3A_113 : memref<1x125xi32, #tpu.memory_space<vmem>> -> memref<125xi32, #tpu.memory_space<vmem>>
    %dma_wait3A_115 = arith.constant 0 : i32
    %dma_wait3A_116 = arith.constant 0 : i32
    %dma_wait3A_117 = tpu.memref_slice %arg4[%dma_wait3A_115, %dma_wait3A_116] : memref<20000x384xf32, #tpu.memory_space<hbm>> -> memref<20000x384xf32, #tpu.memory_space<hbm>>
    tpu.wait_indirect_dma semaphore(%arg10 : memref<!tpu.dma_semaphore, #tpu.memory_space<semaphore_mem>>) src(%dma_wait3A_117 : memref<20000x384xf32, #tpu.memory_space<hbm>>) dst(%arg8 : memref<125x384xf32, #tpu.memory_space<vmem>>)
    %dma_start3A_118 = arith.constant 4 : i32
    %dma_start3A_119 = arith.constant 0 : i32
    %dma_start3A_120 = tpu.memref_slice %arg7[%dma_start3A_118, %dma_start3A_119] : memref<5x125xi32, #tpu.memory_space<vmem>> -> memref<1x125xi32, #tpu.memory_space<vmem>>
    %dma_start3A_121 = tpu.memref_squeeze %dma_start3A_120 : memref<1x125xi32, #tpu.memory_space<vmem>> -> memref<125xi32, #tpu.memory_space<vmem>>
    %dma_start3A_122 = arith.constant 0 : i32
    %dma_start3A_123 = arith.constant 0 : i32
    %dma_start3A_124 = tpu.memref_slice %arg5[%dma_start3A_122, %dma_start3A_123] : memref<23552x384xf32, #tpu.memory_space<hbm>> -> memref<23552x384xf32, #tpu.memory_space<hbm>>
    tpu.enqueue_indirect_dma source(%arg8 : memref<125x384xf32, #tpu.memory_space<vmem>>) target(%dma_start3A_124 : memref<23552x384xf32, #tpu.memory_space<hbm>>) offsets(%dma_start3A_121 : memref<125xi32, #tpu.memory_space<vmem>>) semaphore(%arg12 : memref<!tpu.dma_semaphore, #tpu.memory_space<semaphore_mem>>)
    %dma_wait3A_125 = arith.constant 4 : i32
    %dma_wait3A_126 = arith.constant 0 : i32
    %dma_wait3A_127 = tpu.memref_slice %arg7[%dma_wait3A_125, %dma_wait3A_126] : memref<5x125xi32, #tpu.memory_space<vmem>> -> memref<1x125xi32, #tpu.memory_space<vmem>>
    %dma_wait3A_128 = tpu.memref_squeeze %dma_wait3A_127 : memref<1x125xi32, #tpu.memory_space<vmem>> -> memref<125xi32, #tpu.memory_space<vmem>>
    %dma_wait3A_129 = arith.constant 0 : i32
    %dma_wait3A_130 = arith.constant 0 : i32
    %dma_wait3A_131 = tpu.memref_slice %arg5[%dma_wait3A_129, %dma_wait3A_130] : memref<23552x384xf32, #tpu.memory_space<hbm>> -> memref<23552x384xf32, #tpu.memory_space<hbm>>
    tpu.wait_indirect_dma semaphore(%arg12 : memref<!tpu.dma_semaphore, #tpu.memory_space<semaphore_mem>>) src(%arg8 : memref<125x384xf32, #tpu.memory_space<vmem>>) dst(%dma_wait3A_131 : memref<23552x384xf32, #tpu.memory_space<hbm>>)
    %dma_wait3A_132 = arith.constant 3 : i32
    %dma_wait3A_133 = arith.constant 0 : i32
    %dma_wait3A_134 = tpu.memref_slice %arg7[%dma_wait3A_132, %dma_wait3A_133] : memref<5x125xi32, #tpu.memory_space<vmem>> -> memref<1x125xi32, #tpu.memory_space<vmem>>
    %dma_wait3A_135 = tpu.memref_squeeze %dma_wait3A_134 : memref<1x125xi32, #tpu.memory_space<vmem>> -> memref<125xi32, #tpu.memory_space<vmem>>
    %dma_wait3A_136 = arith.constant 0 : i32
    %dma_wait3A_137 = arith.constant 0 : i32
    %dma_wait3A_138 = tpu.memref_slice %arg5[%dma_wait3A_136, %dma_wait3A_137] : memref<23552x384xf32, #tpu.memory_space<hbm>> -> memref<23552x384xf32, #tpu.memory_space<hbm>>
    tpu.wait_indirect_dma semaphore(%arg13 : memref<!tpu.dma_semaphore, #tpu.memory_space<semaphore_mem>>) src(%arg9 : memref<125x384xf32, #tpu.memory_space<vmem>>) dst(%dma_wait3A_138 : memref<23552x384xf32, #tpu.memory_space<hbm>>)
    return
  }
}

module attributes {stable_mosaic.version = 14 : i64} {
  func.func @_mlp_body(%arg0: i32, %arg1: memref<23xi32, #tpu.memory_space<smem>>, %arg2: memref<23xi32, #tpu.memory_space<smem>>, %arg3: memref<1024x384xf32, #tpu.memory_space<vmem>>, %arg4: memref<1x384x1280xf32, #tpu.memory_space<vmem>>, %arg5: memref<1x1x1280xf32, #tpu.memory_space<vmem>>, %arg6: memref<1x8x160x128xf32, #tpu.memory_space<vmem>>, %arg7: memref<1x8x1x128xf32, #tpu.memory_space<vmem>>, %arg8: memref<1x8x128x96xf32, #tpu.memory_space<vmem>>, %arg9: memref<1x8x1x96xf32, #tpu.memory_space<vmem>>, %arg10: memref<1x8x96x1xf32, #tpu.memory_space<vmem>>, %arg11: memref<1x8x1x1xf32, #tpu.memory_space<vmem>>, %arg12: memref<1x1xf32, #tpu.memory_space<vmem>>) attributes {dimension_semantics = [#tpu.dimension_semantics<arbitrary>], iteration_bounds = array<i64: 23>, scalar_prefetch = 2 : i64, scratch_operands = 0 : i64, tpu.core_type = #tpu.core_type<tc>, window_params = [{transform_indices = @transform_0, window_bounds = array<i64: 1024, 384>}, {transform_indices = @transform_1, window_bounds = array<i64: 1, 384, 1280>}, {transform_indices = @transform_2, window_bounds = array<i64: 1, 1, 1280>}, {transform_indices = @transform_3, window_bounds = array<i64: 1, 8, 160, 128>}, {transform_indices = @transform_4, window_bounds = array<i64: 1, 8, 1, 128>}, {transform_indices = @transform_5, window_bounds = array<i64: 1, 8, 128, 96>}, {transform_indices = @transform_6, window_bounds = array<i64: 1, 8, 1, 96>}, {transform_indices = @transform_7, window_bounds = array<i64: 1, 8, 96, 1>}, {transform_indices = @transform_8, window_bounds = array<i64: 1, 8, 1, 1>}, {pipeline_mode = #tpu.pipeline_mode<synchronous>, transform_indices = @transform_9, window_bounds = array<i64: 1, 1>}]} {
    %get3A = arith.index_cast %arg0 : i32 to index
    %get3A_0 = memref.load %arg2[%get3A] : memref<23xi32, #tpu.memory_space<smem>>
    %eq3A = arith.constant 0 : i32
    %eq3A_1 = arith.cmpi eq, %arg0, %eq3A : i32
    %convert_element_type3A = arith.extui %eq3A_1 : i1 to i32
    %cond3A = arith.constant 0 : i32
    %cond3A_2 = arith.cmpi ne, %convert_element_type3A, %cond3A : i32
    scf.if %cond3A_2 {
      %broadcast_in_dim3A = arith.constant 0.000000e+00 : f32
      %broadcast_in_dim3A_7 = vector.broadcast %broadcast_in_dim3A : f32 to vector<1x1xf32>
      %swap3A = arith.constant 0 : index
      %swap3A_8 = arith.constant 0 : index
      %swap3A_9 = vector.load %arg12[%swap3A, %swap3A_8] : memref<1x1xf32, #tpu.memory_space<vmem>>, vector<1x1xf32>
      tpu.vector_store %arg12[%swap3A, %swap3A_8], %broadcast_in_dim3A_7 {strides = array<i32>} : memref<1x1xf32, #tpu.memory_space<vmem>>, vector<1x1xf32>,
    } else {
    }
    %gt3A = arith.constant 0 : i32
    %gt3A_3 = arith.cmpi sgt, %get3A_0, %gt3A : i32
    %convert_element_type3A_4 = arith.extui %gt3A_3 : i1 to i32
    %cond3A_5 = arith.constant 0 : i32
    %cond3A_6 = arith.cmpi ne, %convert_element_type3A_4, %cond3A_5 : i32
    scf.if %cond3A_6 {
      %get3A_7 = arith.constant 0 : index
      %get3A_8 = arith.constant 0 : index
      %get3A_9 = vector.load %arg3[%get3A_7, %get3A_8] : memref<1024x384xf32, #tpu.memory_space<vmem>>, vector<1024x384xf32>
      %iota3A = tpu.iota {dimensions = array<i32: 0>} : vector<1024x1xi32>
      %lt3A = vector.broadcast %get3A_0 : i32 to vector<1024x1xi32>
      %lt3A_10 = arith.cmpi slt, %iota3A, %lt3A : vector<1024x1xi32>
      %get3A_11 = arith.constant 0 : index
      %get3A_12 = arith.constant 0 : index
      %get3A_13 = arith.constant 0 : index
      %get3A_14 = vector.load %arg4[%get3A_11, %get3A_12, %get3A_13] : memref<1x384x1280xf32, #tpu.memory_space<vmem>>, vector<1x384x1280xf32>
      %get3A_15 = vector.shape_cast %get3A_14 : vector<1x384x1280xf32> to vector<384x1280xf32>
      %dot_general3A = arith.constant dense<0.000000e+00> : vector<1024x1280xf32>
      %dot_general3A_16 = tpu.matmul %get3A_9, %get3A_15, %dot_general3A {dimension_numbers = #tpu.dot_dimension_numbers<[1], [0], [0], [1], [0, 0, 1, 1], [], []>, transpose_lhs_hint = false} : vector<1024x384xf32>, vector<384x1280xf32>, vector<1024x1280xf32> -> vector<1024x1280xf32>
      %get3A_17 = arith.constant 0 : index
      %get3A_18 = arith.constant 0 : index
      %get3A_19 = arith.constant 0 : index
      %get3A_20 = vector.load %arg5[%get3A_17, %get3A_18, %get3A_19] : memref<1x1x1280xf32, #tpu.memory_space<vmem>>, vector<1x1x1280xf32>
      %get3A_21 = vector.shape_cast %get3A_20 : vector<1x1x1280xf32> to vector<1x1280xf32>
      %add3A = vector.broadcast %get3A_21 : vector<1x1280xf32> to vector<1024x1280xf32>
      %add3A_22 = arith.addf %dot_general3A_16, %add3A : vector<1024x1280xf32>
      %broadcast_in_dim3A = arith.constant 0.000000e+00 : f32
      %broadcast_in_dim3A_23 = vector.broadcast %broadcast_in_dim3A : f32 to vector<1024x1xf32>
      %slice3A = vector.extract_strided_slice %add3A_22 {offsets = [0, 0], sizes = [1024, 160], strides = [1, 1]} : vector<1024x1280xf32> to vector<1024x160xf32>
      %gt3A_24 = arith.constant 0.000000e+00 : f32
      %gt3A_25 = vector.broadcast %gt3A_24 : f32 to vector<1024x160xf32>
      %gt3A_26 = arith.cmpf ogt, %slice3A, %gt3A_25 : vector<1024x160xf32>
      %exp3A = math.exp %slice3A : vector<1024x160xf32>
      %sub3A = arith.constant 1.000000e+00 : f32
      %sub3A_27 = vector.broadcast %sub3A : f32 to vector<1024x160xf32>
      %sub3A_28 = arith.subf %exp3A, %sub3A_27 : vector<1024x160xf32>
      %select_n3A = arith.select %gt3A_26, %slice3A, %sub3A_28 : vector<1024x160xi1>, vector<1024x160xf32>
      %get3A_29 = arith.constant 0 : index
      %get3A_30 = arith.constant 0 : index
      %get3A_31 = arith.constant 0 : index
      %get3A_32 = arith.constant 0 : index
      %get3A_33 = vector.load %arg6[%get3A_29, %get3A_30, %get3A_31, %get3A_32] : memref<1x8x160x128xf32, #tpu.memory_space<vmem>>, vector<1x1x160x128xf32>
      %get3A_34 = vector.shape_cast %get3A_33 : vector<1x1x160x128xf32> to vector<160x128xf32>
      %dot_general3A_35 = arith.constant dense<0.000000e+00> : vector<1024x128xf32>
      %dot_general3A_36 = tpu.matmul %select_n3A, %get3A_34, %dot_general3A_35 {dimension_numbers = #tpu.dot_dimension_numbers<[1], [0], [0], [1], [0, 0, 1, 1], [], []>, transpose_lhs_hint = false} : vector<1024x160xf32>, vector<160x128xf32>, vector<1024x128xf32> -> vector<1024x128xf32>
      %get3A_37 = arith.constant 0 : index
      %get3A_38 = arith.constant 0 : index
      %get3A_39 = arith.constant 0 : index
      %get3A_40 = arith.constant 0 : index
      %get3A_41 = vector.load %arg7[%get3A_37, %get3A_38, %get3A_39, %get3A_40] : memref<1x8x1x128xf32, #tpu.memory_space<vmem>>, vector<1x1x1x128xf32>
      %get3A_42 = vector.shape_cast %get3A_41 : vector<1x1x1x128xf32> to vector<1x128xf32>
      %add3A_43 = vector.broadcast %get3A_42 : vector<1x128xf32> to vector<1024x128xf32>
      %add3A_44 = arith.addf %dot_general3A_36, %add3A_43 : vector<1024x128xf32>
      %gt3A_45 = arith.constant 0.000000e+00 : f32
      %gt3A_46 = vector.broadcast %gt3A_45 : f32 to vector<1024x128xf32>
      %gt3A_47 = arith.cmpf ogt, %add3A_44, %gt3A_46 : vector<1024x128xf32>
      %exp3A_48 = math.exp %add3A_44 : vector<1024x128xf32>
      %sub3A_49 = arith.constant 1.000000e+00 : f32
      %sub3A_50 = vector.broadcast %sub3A_49 : f32 to vector<1024x128xf32>
      %sub3A_51 = arith.subf %exp3A_48, %sub3A_50 : vector<1024x128xf32>
      %select_n3A_52 = arith.select %gt3A_47, %add3A_44, %sub3A_51 : vector<1024x128xi1>, vector<1024x128xf32>
      %get3A_53 = arith.constant 0 : index
      %get3A_54 = arith.constant 0 : index
      %get3A_55 = arith.constant 0 : index
      %get3A_56 = arith.constant 0 : index
      %get3A_57 = vector.load %arg8[%get3A_53, %get3A_54, %get3A_55, %get3A_56] : memref<1x8x128x96xf32, #tpu.memory_space<vmem>>, vector<1x1x128x96xf32>
      %get3A_58 = vector.shape_cast %get3A_57 : vector<1x1x128x96xf32> to vector<128x96xf32>
      %dot_general3A_59 = arith.constant dense<0.000000e+00> : vector<1024x96xf32>
      %dot_general3A_60 = tpu.matmul %select_n3A_52, %get3A_58, %dot_general3A_59 {dimension_numbers = #tpu.dot_dimension_numbers<[1], [0], [0], [1], [0, 0, 1, 1], [], []>, transpose_lhs_hint = false} : vector<1024x128xf32>, vector<128x96xf32>, vector<1024x96xf32> -> vector<1024x96xf32>
      %get3A_61 = arith.constant 0 : index
      %get3A_62 = arith.constant 0 : index
      %get3A_63 = arith.constant 0 : index
      %get3A_64 = arith.constant 0 : index
      %get3A_65 = vector.load %arg9[%get3A_61, %get3A_62, %get3A_63, %get3A_64] : memref<1x8x1x96xf32, #tpu.memory_space<vmem>>, vector<1x1x1x96xf32>
      %get3A_66 = vector.shape_cast %get3A_65 : vector<1x1x1x96xf32> to vector<1x96xf32>
      %add3A_67 = vector.broadcast %get3A_66 : vector<1x96xf32> to vector<1024x96xf32>
      %add3A_68 = arith.addf %dot_general3A_60, %add3A_67 : vector<1024x96xf32>
      %gt3A_69 = arith.constant 0.000000e+00 : f32
      %gt3A_70 = vector.broadcast %gt3A_69 : f32 to vector<1024x96xf32>
      %gt3A_71 = arith.cmpf ogt, %add3A_68, %gt3A_70 : vector<1024x96xf32>
      %exp3A_72 = math.exp %add3A_68 : vector<1024x96xf32>
      %sub3A_73 = arith.constant 1.000000e+00 : f32
      %sub3A_74 = vector.broadcast %sub3A_73 : f32 to vector<1024x96xf32>
      %sub3A_75 = arith.subf %exp3A_72, %sub3A_74 : vector<1024x96xf32>
      %select_n3A_76 = arith.select %gt3A_71, %add3A_68, %sub3A_75 : vector<1024x96xi1>, vector<1024x96xf32>
      %get3A_77 = arith.constant 0 : index
      %get3A_78 = arith.constant 0 : index
      %get3A_79 = arith.constant 0 : index
      %get3A_80 = arith.constant 0 : index
      %get3A_81 = vector.load %arg10[%get3A_77, %get3A_78, %get3A_79, %get3A_80] : memref<1x8x96x1xf32, #tpu.memory_space<vmem>>, vector<1x1x96x1xf32>
      %get3A_82 = vector.shape_cast %get3A_81 : vector<1x1x96x1xf32> to vector<96x1xf32>
      %dot_general3A_83 = arith.constant dense<0.000000e+00> : vector<1024x1xf32>
      %dot_general3A_84 = tpu.matmul %select_n3A_76, %get3A_82, %dot_general3A_83 {dimension_numbers = #tpu.dot_dimension_numbers<[1], [0], [0], [1], [0, 0, 1, 1], [], []>, transpose_lhs_hint = false} : vector<1024x96xf32>, vector<96x1xf32>, vector<1024x1xf32> -> vector<1024x1xf32>
      %add3A_85 = arith.addf %broadcast_in_dim3A_23, %dot_general3A_84 : vector<1024x1xf32>
      %get3A_86 = arith.constant 0 : index
      %get3A_87 = arith.constant 0 : index
      %get3A_88 = arith.constant 0 : index
      %get3A_89 = arith.constant 0 : index
      %get3A_90 = vector.load %arg11[%get3A_86, %get3A_87, %get3A_88, %get3A_89] : memref<1x8x1x1xf32, #tpu.memory_space<vmem>>, vector<1x1x1x1xf32>
      %get3A_91 = vector.extract %get3A_90[0, 0, 0, 0] : f32 from vector<1x1x1x1xf32>
      %add3A_92 = arith.constant 0.000000e+00 : f32
      %add3A_93 = arith.addf %add3A_92, %get3A_91 : f32
      %slice3A_94 = vector.extract_strided_slice %add3A_22 {offsets = [0, 160], sizes = [1024, 160], strides = [1, 1]} : vector<1024x1280xf32> to vector<1024x160xf32>
      %gt3A_95 = arith.constant 0.000000e+00 : f32
      %gt3A_96 = vector.broadcast %gt3A_95 : f32 to vector<1024x160xf32>
      %gt3A_97 = arith.cmpf ogt, %slice3A_94, %gt3A_96 : vector<1024x160xf32>
      %exp3A_98 = math.exp %slice3A_94 : vector<1024x160xf32>
      %sub3A_99 = arith.constant 1.000000e+00 : f32
      %sub3A_100 = vector.broadcast %sub3A_99 : f32 to vector<1024x160xf32>
      %sub3A_101 = arith.subf %exp3A_98, %sub3A_100 : vector<1024x160xf32>
      %select_n3A_102 = arith.select %gt3A_97, %slice3A_94, %sub3A_101 : vector<1024x160xi1>, vector<1024x160xf32>
      %get3A_103 = arith.constant 0 : index
      %get3A_104 = arith.constant 1 : index
      %get3A_105 = arith.constant 0 : index
      %get3A_106 = arith.constant 0 : index
      %get3A_107 = vector.load %arg6[%get3A_103, %get3A_104, %get3A_105, %get3A_106] : memref<1x8x160x128xf32, #tpu.memory_space<vmem>>, vector<1x1x160x128xf32>
      %get3A_108 = vector.shape_cast %get3A_107 : vector<1x1x160x128xf32> to vector<160x128xf32>
      %dot_general3A_109 = arith.constant dense<0.000000e+00> : vector<1024x128xf32>
      %dot_general3A_110 = tpu.matmul %select_n3A_102, %get3A_108, %dot_general3A_109 {dimension_numbers = #tpu.dot_dimension_numbers<[1], [0], [0], [1], [0, 0, 1, 1], [], []>, transpose_lhs_hint = false} : vector<1024x160xf32>, vector<160x128xf32>, vector<1024x128xf32> -> vector<1024x128xf32>
      %get3A_111 = arith.constant 0 : index
      %get3A_112 = arith.constant 1 : index
      %get3A_113 = arith.constant 0 : index
      %get3A_114 = arith.constant 0 : index
      %get3A_115 = vector.load %arg7[%get3A_111, %get3A_112, %get3A_113, %get3A_114] : memref<1x8x1x128xf32, #tpu.memory_space<vmem>>, vector<1x1x1x128xf32>
      %get3A_116 = vector.shape_cast %get3A_115 : vector<1x1x1x128xf32> to vector<1x128xf32>
      %add3A_117 = vector.broadcast %get3A_116 : vector<1x128xf32> to vector<1024x128xf32>
      %add3A_118 = arith.addf %dot_general3A_110, %add3A_117 : vector<1024x128xf32>
      %gt3A_119 = arith.constant 0.000000e+00 : f32
      %gt3A_120 = vector.broadcast %gt3A_119 : f32 to vector<1024x128xf32>
      %gt3A_121 = arith.cmpf ogt, %add3A_118, %gt3A_120 : vector<1024x128xf32>
      %exp3A_122 = math.exp %add3A_118 : vector<1024x128xf32>
      %sub3A_123 = arith.constant 1.000000e+00 : f32
      %sub3A_124 = vector.broadcast %sub3A_123 : f32 to vector<1024x128xf32>
      %sub3A_125 = arith.subf %exp3A_122, %sub3A_124 : vector<1024x128xf32>
      %select_n3A_126 = arith.select %gt3A_121, %add3A_118, %sub3A_125 : vector<1024x128xi1>, vector<1024x128xf32>
      %get3A_127 = arith.constant 0 : index
      %get3A_128 = arith.constant 1 : index
      %get3A_129 = arith.constant 0 : index
      %get3A_130 = arith.constant 0 : index
      %get3A_131 = vector.load %arg8[%get3A_127, %get3A_128, %get3A_129, %get3A_130] : memref<1x8x128x96xf32, #tpu.memory_space<vmem>>, vector<1x1x128x96xf32>
      %get3A_132 = vector.shape_cast %get3A_131 : vector<1x1x128x96xf32> to vector<128x96xf32>
      %dot_general3A_133 = arith.constant dense<0.000000e+00> : vector<1024x96xf32>
      %dot_general3A_134 = tpu.matmul %select_n3A_126, %get3A_132, %dot_general3A_133 {dimension_numbers = #tpu.dot_dimension_numbers<[1], [0], [0], [1], [0, 0, 1, 1], [], []>, transpose_lhs_hint = false} : vector<1024x128xf32>, vector<128x96xf32>, vector<1024x96xf32> -> vector<1024x96xf32>
      %get3A_135 = arith.constant 0 : index
      %get3A_136 = arith.constant 1 : index
      %get3A_137 = arith.constant 0 : index
      %get3A_138 = arith.constant 0 : index
      %get3A_139 = vector.load %arg9[%get3A_135, %get3A_136, %get3A_137, %get3A_138] : memref<1x8x1x96xf32, #tpu.memory_space<vmem>>, vector<1x1x1x96xf32>
      %get3A_140 = vector.shape_cast %get3A_139 : vector<1x1x1x96xf32> to vector<1x96xf32>
      %add3A_141 = vector.broadcast %get3A_140 : vector<1x96xf32> to vector<1024x96xf32>
      %add3A_142 = arith.addf %dot_general3A_134, %add3A_141 : vector<1024x96xf32>
      %gt3A_143 = arith.constant 0.000000e+00 : f32
      %gt3A_144 = vector.broadcast %gt3A_143 : f32 to vector<1024x96xf32>
      %gt3A_145 = arith.cmpf ogt, %add3A_142, %gt3A_144 : vector<1024x96xf32>
      %exp3A_146 = math.exp %add3A_142 : vector<1024x96xf32>
      %sub3A_147 = arith.constant 1.000000e+00 : f32
      %sub3A_148 = vector.broadcast %sub3A_147 : f32 to vector<1024x96xf32>
      %sub3A_149 = arith.subf %exp3A_146, %sub3A_148 : vector<1024x96xf32>
      %select_n3A_150 = arith.select %gt3A_145, %add3A_142, %sub3A_149 : vector<1024x96xi1>, vector<1024x96xf32>
      %get3A_151 = arith.constant 0 : index
      %get3A_152 = arith.constant 1 : index
      %get3A_153 = arith.constant 0 : index
      %get3A_154 = arith.constant 0 : index
      %get3A_155 = vector.load %arg10[%get3A_151, %get3A_152, %get3A_153, %get3A_154] : memref<1x8x96x1xf32, #tpu.memory_space<vmem>>, vector<1x1x96x1xf32>
      %get3A_156 = vector.shape_cast %get3A_155 : vector<1x1x96x1xf32> to vector<96x1xf32>
      %dot_general3A_157 = arith.constant dense<0.000000e+00> : vector<1024x1xf32>
      %dot_general3A_158 = tpu.matmul %select_n3A_150, %get3A_156, %dot_general3A_157 {dimension_numbers = #tpu.dot_dimension_numbers<[1], [0], [0], [1], [0, 0, 1, 1], [], []>, transpose_lhs_hint = false} : vector<1024x96xf32>, vector<96x1xf32>, vector<1024x1xf32> -> vector<1024x1xf32>
      %add3A_159 = arith.addf %add3A_85, %dot_general3A_158 : vector<1024x1xf32>
      %get3A_160 = arith.constant 0 : index
      %get3A_161 = arith.constant 1 : index
      %get3A_162 = arith.constant 0 : index
      %get3A_163 = arith.constant 0 : index
      %get3A_164 = vector.load %arg11[%get3A_160, %get3A_161, %get3A_162, %get3A_163] : memref<1x8x1x1xf32, #tpu.memory_space<vmem>>, vector<1x1x1x1xf32>
      %get3A_165 = vector.extract %get3A_164[0, 0, 0, 0] : f32 from vector<1x1x1x1xf32>
      %add3A_166 = arith.addf %add3A_93, %get3A_165 : f32
      %slice3A_167 = vector.extract_strided_slice %add3A_22 {offsets = [0, 320], sizes = [1024, 160], strides = [1, 1]} : vector<1024x1280xf32> to vector<1024x160xf32>
      %gt3A_168 = arith.constant 0.000000e+00 : f32
      %gt3A_169 = vector.broadcast %gt3A_168 : f32 to vector<1024x160xf32>
      %gt3A_170 = arith.cmpf ogt, %slice3A_167, %gt3A_169 : vector<1024x160xf32>
      %exp3A_171 = math.exp %slice3A_167 : vector<1024x160xf32>
      %sub3A_172 = arith.constant 1.000000e+00 : f32
      %sub3A_173 = vector.broadcast %sub3A_172 : f32 to vector<1024x160xf32>
      %sub3A_174 = arith.subf %exp3A_171, %sub3A_173 : vector<1024x160xf32>
      %select_n3A_175 = arith.select %gt3A_170, %slice3A_167, %sub3A_174 : vector<1024x160xi1>, vector<1024x160xf32>
      %get3A_176 = arith.constant 0 : index
      %get3A_177 = arith.constant 2 : index
      %get3A_178 = arith.constant 0 : index
      %get3A_179 = arith.constant 0 : index
      %get3A_180 = vector.load %arg6[%get3A_176, %get3A_177, %get3A_178, %get3A_179] : memref<1x8x160x128xf32, #tpu.memory_space<vmem>>, vector<1x1x160x128xf32>
      %get3A_181 = vector.shape_cast %get3A_180 : vector<1x1x160x128xf32> to vector<160x128xf32>
      %dot_general3A_182 = arith.constant dense<0.000000e+00> : vector<1024x128xf32>
      %dot_general3A_183 = tpu.matmul %select_n3A_175, %get3A_181, %dot_general3A_182 {dimension_numbers = #tpu.dot_dimension_numbers<[1], [0], [0], [1], [0, 0, 1, 1], [], []>, transpose_lhs_hint = false} : vector<1024x160xf32>, vector<160x128xf32>, vector<1024x128xf32> -> vector<1024x128xf32>
      %get3A_184 = arith.constant 0 : index
      %get3A_185 = arith.constant 2 : index
      %get3A_186 = arith.constant 0 : index
      %get3A_187 = arith.constant 0 : index
      %get3A_188 = vector.load %arg7[%get3A_184, %get3A_185, %get3A_186, %get3A_187] : memref<1x8x1x128xf32, #tpu.memory_space<vmem>>, vector<1x1x1x128xf32>
      %get3A_189 = vector.shape_cast %get3A_188 : vector<1x1x1x128xf32> to vector<1x128xf32>
      %add3A_190 = vector.broadcast %get3A_189 : vector<1x128xf32> to vector<1024x128xf32>
      %add3A_191 = arith.addf %dot_general3A_183, %add3A_190 : vector<1024x128xf32>
      %gt3A_192 = arith.constant 0.000000e+00 : f32
      %gt3A_193 = vector.broadcast %gt3A_192 : f32 to vector<1024x128xf32>
      %gt3A_194 = arith.cmpf ogt, %add3A_191, %gt3A_193 : vector<1024x128xf32>
      %exp3A_195 = math.exp %add3A_191 : vector<1024x128xf32>
      %sub3A_196 = arith.constant 1.000000e+00 : f32
      %sub3A_197 = vector.broadcast %sub3A_196 : f32 to vector<1024x128xf32>
      %sub3A_198 = arith.subf %exp3A_195, %sub3A_197 : vector<1024x128xf32>
      %select_n3A_199 = arith.select %gt3A_194, %add3A_191, %sub3A_198 : vector<1024x128xi1>, vector<1024x128xf32>
      %get3A_200 = arith.constant 0 : index
      %get3A_201 = arith.constant 2 : index
      %get3A_202 = arith.constant 0 : index
      %get3A_203 = arith.constant 0 : index
      %get3A_204 = vector.load %arg8[%get3A_200, %get3A_201, %get3A_202, %get3A_203] : memref<1x8x128x96xf32, #tpu.memory_space<vmem>>, vector<1x1x128x96xf32>
      %get3A_205 = vector.shape_cast %get3A_204 : vector<1x1x128x96xf32> to vector<128x96xf32>
      %dot_general3A_206 = arith.constant dense<0.000000e+00> : vector<1024x96xf32>
      %dot_general3A_207 = tpu.matmul %select_n3A_199, %get3A_205, %dot_general3A_206 {dimension_numbers = #tpu.dot_dimension_numbers<[1], [0], [0], [1], [0, 0, 1, 1], [], []>, transpose_lhs_hint = false} : vector<1024x128xf32>, vector<128x96xf32>, vector<1024x96xf32> -> vector<1024x96xf32>
      %get3A_208 = arith.constant 0 : index
      %get3A_209 = arith.constant 2 : index
      %get3A_210 = arith.constant 0 : index
      %get3A_211 = arith.constant 0 : index
      %get3A_212 = vector.load %arg9[%get3A_208, %get3A_209, %get3A_210, %get3A_211] : memref<1x8x1x96xf32, #tpu.memory_space<vmem>>, vector<1x1x1x96xf32>
      %get3A_213 = vector.shape_cast %get3A_212 : vector<1x1x1x96xf32> to vector<1x96xf32>
      %add3A_214 = vector.broadcast %get3A_213 : vector<1x96xf32> to vector<1024x96xf32>
      %add3A_215 = arith.addf %dot_general3A_207, %add3A_214 : vector<1024x96xf32>
      %gt3A_216 = arith.constant 0.000000e+00 : f32
      %gt3A_217 = vector.broadcast %gt3A_216 : f32 to vector<1024x96xf32>
      %gt3A_218 = arith.cmpf ogt, %add3A_215, %gt3A_217 : vector<1024x96xf32>
      %exp3A_219 = math.exp %add3A_215 : vector<1024x96xf32>
      %sub3A_220 = arith.constant 1.000000e+00 : f32
      %sub3A_221 = vector.broadcast %sub3A_220 : f32 to vector<1024x96xf32>
      %sub3A_222 = arith.subf %exp3A_219, %sub3A_221 : vector<1024x96xf32>
      %select_n3A_223 = arith.select %gt3A_218, %add3A_215, %sub3A_222 : vector<1024x96xi1>, vector<1024x96xf32>
      %get3A_224 = arith.constant 0 : index
      %get3A_225 = arith.constant 2 : index
      %get3A_226 = arith.constant 0 : index
      %get3A_227 = arith.constant 0 : index
      %get3A_228 = vector.load %arg10[%get3A_224, %get3A_225, %get3A_226, %get3A_227] : memref<1x8x96x1xf32, #tpu.memory_space<vmem>>, vector<1x1x96x1xf32>
      %get3A_229 = vector.shape_cast %get3A_228 : vector<1x1x96x1xf32> to vector<96x1xf32>
      %dot_general3A_230 = arith.constant dense<0.000000e+00> : vector<1024x1xf32>
      %dot_general3A_231 = tpu.matmul %select_n3A_223, %get3A_229, %dot_general3A_230 {dimension_numbers = #tpu.dot_dimension_numbers<[1], [0], [0], [1], [0, 0, 1, 1], [], []>, transpose_lhs_hint = false} : vector<1024x96xf32>, vector<96x1xf32>, vector<1024x1xf32> -> vector<1024x1xf32>
      %add3A_232 = arith.addf %add3A_159, %dot_general3A_231 : vector<1024x1xf32>
      %get3A_233 = arith.constant 0 : index
      %get3A_234 = arith.constant 2 : index
      %get3A_235 = arith.constant 0 : index
      %get3A_236 = arith.constant 0 : index
      %get3A_237 = vector.load %arg11[%get3A_233, %get3A_234, %get3A_235, %get3A_236] : memref<1x8x1x1xf32, #tpu.memory_space<vmem>>, vector<1x1x1x1xf32>
      %get3A_238 = vector.extract %get3A_237[0, 0, 0, 0] : f32 from vector<1x1x1x1xf32>
      %add3A_239 = arith.addf %add3A_166, %get3A_238 : f32
      %slice3A_240 = vector.extract_strided_slice %add3A_22 {offsets = [0, 480], sizes = [1024, 160], strides = [1, 1]} : vector<1024x1280xf32> to vector<1024x160xf32>
      %gt3A_241 = arith.constant 0.000000e+00 : f32
      %gt3A_242 = vector.broadcast %gt3A_241 : f32 to vector<1024x160xf32>
      %gt3A_243 = arith.cmpf ogt, %slice3A_240, %gt3A_242 : vector<1024x160xf32>
      %exp3A_244 = math.exp %slice3A_240 : vector<1024x160xf32>
      %sub3A_245 = arith.constant 1.000000e+00 : f32
      %sub3A_246 = vector.broadcast %sub3A_245 : f32 to vector<1024x160xf32>
      %sub3A_247 = arith.subf %exp3A_244, %sub3A_246 : vector<1024x160xf32>
      %select_n3A_248 = arith.select %gt3A_243, %slice3A_240, %sub3A_247 : vector<1024x160xi1>, vector<1024x160xf32>
      %get3A_249 = arith.constant 0 : index
      %get3A_250 = arith.constant 3 : index
      %get3A_251 = arith.constant 0 : index
      %get3A_252 = arith.constant 0 : index
      %get3A_253 = vector.load %arg6[%get3A_249, %get3A_250, %get3A_251, %get3A_252] : memref<1x8x160x128xf32, #tpu.memory_space<vmem>>, vector<1x1x160x128xf32>
      %get3A_254 = vector.shape_cast %get3A_253 : vector<1x1x160x128xf32> to vector<160x128xf32>
      %dot_general3A_255 = arith.constant dense<0.000000e+00> : vector<1024x128xf32>
      %dot_general3A_256 = tpu.matmul %select_n3A_248, %get3A_254, %dot_general3A_255 {dimension_numbers = #tpu.dot_dimension_numbers<[1], [0], [0], [1], [0, 0, 1, 1], [], []>, transpose_lhs_hint = false} : vector<1024x160xf32>, vector<160x128xf32>, vector<1024x128xf32> -> vector<1024x128xf32>
      %get3A_257 = arith.constant 0 : index
      %get3A_258 = arith.constant 3 : index
      %get3A_259 = arith.constant 0 : index
      %get3A_260 = arith.constant 0 : index
      %get3A_261 = vector.load %arg7[%get3A_257, %get3A_258, %get3A_259, %get3A_260] : memref<1x8x1x128xf32, #tpu.memory_space<vmem>>, vector<1x1x1x128xf32>
      %get3A_262 = vector.shape_cast %get3A_261 : vector<1x1x1x128xf32> to vector<1x128xf32>
      %add3A_263 = vector.broadcast %get3A_262 : vector<1x128xf32> to vector<1024x128xf32>
      %add3A_264 = arith.addf %dot_general3A_256, %add3A_263 : vector<1024x128xf32>
      %gt3A_265 = arith.constant 0.000000e+00 : f32
      %gt3A_266 = vector.broadcast %gt3A_265 : f32 to vector<1024x128xf32>
      %gt3A_267 = arith.cmpf ogt, %add3A_264, %gt3A_266 : vector<1024x128xf32>
      %exp3A_268 = math.exp %add3A_264 : vector<1024x128xf32>
      %sub3A_269 = arith.constant 1.000000e+00 : f32
      %sub3A_270 = vector.broadcast %sub3A_269 : f32 to vector<1024x128xf32>
      %sub3A_271 = arith.subf %exp3A_268, %sub3A_270 : vector<1024x128xf32>
      %select_n3A_272 = arith.select %gt3A_267, %add3A_264, %sub3A_271 : vector<1024x128xi1>, vector<1024x128xf32>
      %get3A_273 = arith.constant 0 : index
      %get3A_274 = arith.constant 3 : index
      %get3A_275 = arith.constant 0 : index
      %get3A_276 = arith.constant 0 : index
      %get3A_277 = vector.load %arg8[%get3A_273, %get3A_274, %get3A_275, %get3A_276] : memref<1x8x128x96xf32, #tpu.memory_space<vmem>>, vector<1x1x128x96xf32>
      %get3A_278 = vector.shape_cast %get3A_277 : vector<1x1x128x96xf32> to vector<128x96xf32>
      %dot_general3A_279 = arith.constant dense<0.000000e+00> : vector<1024x96xf32>
      %dot_general3A_280 = tpu.matmul %select_n3A_272, %get3A_278, %dot_general3A_279 {dimension_numbers = #tpu.dot_dimension_numbers<[1], [0], [0], [1], [0, 0, 1, 1], [], []>, transpose_lhs_hint = false} : vector<1024x128xf32>, vector<128x96xf32>, vector<1024x96xf32> -> vector<1024x96xf32>
      %get3A_281 = arith.constant 0 : index
      %get3A_282 = arith.constant 3 : index
      %get3A_283 = arith.constant 0 : index
      %get3A_284 = arith.constant 0 : index
      %get3A_285 = vector.load %arg9[%get3A_281, %get3A_282, %get3A_283, %get3A_284] : memref<1x8x1x96xf32, #tpu.memory_space<vmem>>, vector<1x1x1x96xf32>
      %get3A_286 = vector.shape_cast %get3A_285 : vector<1x1x1x96xf32> to vector<1x96xf32>
      %add3A_287 = vector.broadcast %get3A_286 : vector<1x96xf32> to vector<1024x96xf32>
      %add3A_288 = arith.addf %dot_general3A_280, %add3A_287 : vector<1024x96xf32>
      %gt3A_289 = arith.constant 0.000000e+00 : f32
      %gt3A_290 = vector.broadcast %gt3A_289 : f32 to vector<1024x96xf32>
      %gt3A_291 = arith.cmpf ogt, %add3A_288, %gt3A_290 : vector<1024x96xf32>
      %exp3A_292 = math.exp %add3A_288 : vector<1024x96xf32>
      %sub3A_293 = arith.constant 1.000000e+00 : f32
      %sub3A_294 = vector.broadcast %sub3A_293 : f32 to vector<1024x96xf32>
      %sub3A_295 = arith.subf %exp3A_292, %sub3A_294 : vector<1024x96xf32>
      %select_n3A_296 = arith.select %gt3A_291, %add3A_288, %sub3A_295 : vector<1024x96xi1>, vector<1024x96xf32>
      %get3A_297 = arith.constant 0 : index
      %get3A_298 = arith.constant 3 : index
      %get3A_299 = arith.constant 0 : index
      %get3A_300 = arith.constant 0 : index
      %get3A_301 = vector.load %arg10[%get3A_297, %get3A_298, %get3A_299, %get3A_300] : memref<1x8x96x1xf32, #tpu.memory_space<vmem>>, vector<1x1x96x1xf32>
      %get3A_302 = vector.shape_cast %get3A_301 : vector<1x1x96x1xf32> to vector<96x1xf32>
      %dot_general3A_303 = arith.constant dense<0.000000e+00> : vector<1024x1xf32>
      %dot_general3A_304 = tpu.matmul %select_n3A_296, %get3A_302, %dot_general3A_303 {dimension_numbers = #tpu.dot_dimension_numbers<[1], [0], [0], [1], [0, 0, 1, 1], [], []>, transpose_lhs_hint = false} : vector<1024x96xf32>, vector<96x1xf32>, vector<1024x1xf32> -> vector<1024x1xf32>
      %add3A_305 = arith.addf %add3A_232, %dot_general3A_304 : vector<1024x1xf32>
      %get3A_306 = arith.constant 0 : index
      %get3A_307 = arith.constant 3 : index
      %get3A_308 = arith.constant 0 : index
      %get3A_309 = arith.constant 0 : index
      %get3A_310 = vector.load %arg11[%get3A_306, %get3A_307, %get3A_308, %get3A_309] : memref<1x8x1x1xf32, #tpu.memory_space<vmem>>, vector<1x1x1x1xf32>
      %get3A_311 = vector.extract %get3A_310[0, 0, 0, 0] : f32 from vector<1x1x1x1xf32>
      %add3A_312 = arith.addf %add3A_239, %get3A_311 : f32
      %slice3A_313 = vector.extract_strided_slice %add3A_22 {offsets = [0, 640], sizes = [1024, 160], strides = [1, 1]} : vector<1024x1280xf32> to vector<1024x160xf32>
      %gt3A_314 = arith.constant 0.000000e+00 : f32
      %gt3A_315 = vector.broadcast %gt3A_314 : f32 to vector<1024x160xf32>
      %gt3A_316 = arith.cmpf ogt, %slice3A_313, %gt3A_315 : vector<1024x160xf32>
      %exp3A_317 = math.exp %slice3A_313 : vector<1024x160xf32>
      %sub3A_318 = arith.constant 1.000000e+00 : f32
      %sub3A_319 = vector.broadcast %sub3A_318 : f32 to vector<1024x160xf32>
      %sub3A_320 = arith.subf %exp3A_317, %sub3A_319 : vector<1024x160xf32>
      %select_n3A_321 = arith.select %gt3A_316, %slice3A_313, %sub3A_320 : vector<1024x160xi1>, vector<1024x160xf32>
      %get3A_322 = arith.constant 0 : index
      %get3A_323 = arith.constant 4 : index
      %get3A_324 = arith.constant 0 : index
      %get3A_325 = arith.constant 0 : index
      %get3A_326 = vector.load %arg6[%get3A_322, %get3A_323, %get3A_324, %get3A_325] : memref<1x8x160x128xf32, #tpu.memory_space<vmem>>, vector<1x1x160x128xf32>
      %get3A_327 = vector.shape_cast %get3A_326 : vector<1x1x160x128xf32> to vector<160x128xf32>
      %dot_general3A_328 = arith.constant dense<0.000000e+00> : vector<1024x128xf32>
      %dot_general3A_329 = tpu.matmul %select_n3A_321, %get3A_327, %dot_general3A_328 {dimension_numbers = #tpu.dot_dimension_numbers<[1], [0], [0], [1], [0, 0, 1, 1], [], []>, transpose_lhs_hint = false} : vector<1024x160xf32>, vector<160x128xf32>, vector<1024x128xf32> -> vector<1024x128xf32>
      %get3A_330 = arith.constant 0 : index
      %get3A_331 = arith.constant 4 : index
      %get3A_332 = arith.constant 0 : index
      %get3A_333 = arith.constant 0 : index
      %get3A_334 = vector.load %arg7[%get3A_330, %get3A_331, %get3A_332, %get3A_333] : memref<1x8x1x128xf32, #tpu.memory_space<vmem>>, vector<1x1x1x128xf32>
      %get3A_335 = vector.shape_cast %get3A_334 : vector<1x1x1x128xf32> to vector<1x128xf32>
      %add3A_336 = vector.broadcast %get3A_335 : vector<1x128xf32> to vector<1024x128xf32>
      %add3A_337 = arith.addf %dot_general3A_329, %add3A_336 : vector<1024x128xf32>
      %gt3A_338 = arith.constant 0.000000e+00 : f32
      %gt3A_339 = vector.broadcast %gt3A_338 : f32 to vector<1024x128xf32>
      %gt3A_340 = arith.cmpf ogt, %add3A_337, %gt3A_339 : vector<1024x128xf32>
      %exp3A_341 = math.exp %add3A_337 : vector<1024x128xf32>
      %sub3A_342 = arith.constant 1.000000e+00 : f32
      %sub3A_343 = vector.broadcast %sub3A_342 : f32 to vector<1024x128xf32>
      %sub3A_344 = arith.subf %exp3A_341, %sub3A_343 : vector<1024x128xf32>
      %select_n3A_345 = arith.select %gt3A_340, %add3A_337, %sub3A_344 : vector<1024x128xi1>, vector<1024x128xf32>
      %get3A_346 = arith.constant 0 : index
      %get3A_347 = arith.constant 4 : index
      %get3A_348 = arith.constant 0 : index
      %get3A_349 = arith.constant 0 : index
      %get3A_350 = vector.load %arg8[%get3A_346, %get3A_347, %get3A_348, %get3A_349] : memref<1x8x128x96xf32, #tpu.memory_space<vmem>>, vector<1x1x128x96xf32>
      %get3A_351 = vector.shape_cast %get3A_350 : vector<1x1x128x96xf32> to vector<128x96xf32>
      %dot_general3A_352 = arith.constant dense<0.000000e+00> : vector<1024x96xf32>
      %dot_general3A_353 = tpu.matmul %select_n3A_345, %get3A_351, %dot_general3A_352 {dimension_numbers = #tpu.dot_dimension_numbers<[1], [0], [0], [1], [0, 0, 1, 1], [], []>, transpose_lhs_hint = false} : vector<1024x128xf32>, vector<128x96xf32>, vector<1024x96xf32> -> vector<1024x96xf32>
      %get3A_354 = arith.constant 0 : index
      %get3A_355 = arith.constant 4 : index
      %get3A_356 = arith.constant 0 : index
      %get3A_357 = arith.constant 0 : index
      %get3A_358 = vector.load %arg9[%get3A_354, %get3A_355, %get3A_356, %get3A_357] : memref<1x8x1x96xf32, #tpu.memory_space<vmem>>, vector<1x1x1x96xf32>
      %get3A_359 = vector.shape_cast %get3A_358 : vector<1x1x1x96xf32> to vector<1x96xf32>
      %add3A_360 = vector.broadcast %get3A_359 : vector<1x96xf32> to vector<1024x96xf32>
      %add3A_361 = arith.addf %dot_general3A_353, %add3A_360 : vector<1024x96xf32>
      %gt3A_362 = arith.constant 0.000000e+00 : f32
      %gt3A_363 = vector.broadcast %gt3A_362 : f32 to vector<1024x96xf32>
      %gt3A_364 = arith.cmpf ogt, %add3A_361, %gt3A_363 : vector<1024x96xf32>
      %exp3A_365 = math.exp %add3A_361 : vector<1024x96xf32>
      %sub3A_366 = arith.constant 1.000000e+00 : f32
      %sub3A_367 = vector.broadcast %sub3A_366 : f32 to vector<1024x96xf32>
      %sub3A_368 = arith.subf %exp3A_365, %sub3A_367 : vector<1024x96xf32>
      %select_n3A_369 = arith.select %gt3A_364, %add3A_361, %sub3A_368 : vector<1024x96xi1>, vector<1024x96xf32>
      %get3A_370 = arith.constant 0 : index
      %get3A_371 = arith.constant 4 : index
      %get3A_372 = arith.constant 0 : index
      %get3A_373 = arith.constant 0 : index
      %get3A_374 = vector.load %arg10[%get3A_370, %get3A_371, %get3A_372, %get3A_373] : memref<1x8x96x1xf32, #tpu.memory_space<vmem>>, vector<1x1x96x1xf32>
      %get3A_375 = vector.shape_cast %get3A_374 : vector<1x1x96x1xf32> to vector<96x1xf32>
      %dot_general3A_376 = arith.constant dense<0.000000e+00> : vector<1024x1xf32>
      %dot_general3A_377 = tpu.matmul %select_n3A_369, %get3A_375, %dot_general3A_376 {dimension_numbers = #tpu.dot_dimension_numbers<[1], [0], [0], [1], [0, 0, 1, 1], [], []>, transpose_lhs_hint = false} : vector<1024x96xf32>, vector<96x1xf32>, vector<1024x1xf32> -> vector<1024x1xf32>
      %add3A_378 = arith.addf %add3A_305, %dot_general3A_377 : vector<1024x1xf32>
      %get3A_379 = arith.constant 0 : index
      %get3A_380 = arith.constant 4 : index
      %get3A_381 = arith.constant 0 : index
      %get3A_382 = arith.constant 0 : index
      %get3A_383 = vector.load %arg11[%get3A_379, %get3A_380, %get3A_381, %get3A_382] : memref<1x8x1x1xf32, #tpu.memory_space<vmem>>, vector<1x1x1x1xf32>
      %get3A_384 = vector.extract %get3A_383[0, 0, 0, 0] : f32 from vector<1x1x1x1xf32>
      %add3A_385 = arith.addf %add3A_312, %get3A_384 : f32
      %slice3A_386 = vector.extract_strided_slice %add3A_22 {offsets = [0, 800], sizes = [1024, 160], strides = [1, 1]} : vector<1024x1280xf32> to vector<1024x160xf32>
      %gt3A_387 = arith.constant 0.000000e+00 : f32
      %gt3A_388 = vector.broadcast %gt3A_387 : f32 to vector<1024x160xf32>
      %gt3A_389 = arith.cmpf ogt, %slice3A_386, %gt3A_388 : vector<1024x160xf32>
      %exp3A_390 = math.exp %slice3A_386 : vector<1024x160xf32>
      %sub3A_391 = arith.constant 1.000000e+00 : f32
      %sub3A_392 = vector.broadcast %sub3A_391 : f32 to vector<1024x160xf32>
      %sub3A_393 = arith.subf %exp3A_390, %sub3A_392 : vector<1024x160xf32>
      %select_n3A_394 = arith.select %gt3A_389, %slice3A_386, %sub3A_393 : vector<1024x160xi1>, vector<1024x160xf32>
      %get3A_395 = arith.constant 0 : index
      %get3A_396 = arith.constant 5 : index
      %get3A_397 = arith.constant 0 : index
      %get3A_398 = arith.constant 0 : index
      %get3A_399 = vector.load %arg6[%get3A_395, %get3A_396, %get3A_397, %get3A_398] : memref<1x8x160x128xf32, #tpu.memory_space<vmem>>, vector<1x1x160x128xf32>
      %get3A_400 = vector.shape_cast %get3A_399 : vector<1x1x160x128xf32> to vector<160x128xf32>
      %dot_general3A_401 = arith.constant dense<0.000000e+00> : vector<1024x128xf32>
      %dot_general3A_402 = tpu.matmul %select_n3A_394, %get3A_400, %dot_general3A_401 {dimension_numbers = #tpu.dot_dimension_numbers<[1], [0], [0], [1], [0, 0, 1, 1], [], []>, transpose_lhs_hint = false} : vector<1024x160xf32>, vector<160x128xf32>, vector<1024x128xf32> -> vector<1024x128xf32>
      %get3A_403 = arith.constant 0 : index
      %get3A_404 = arith.constant 5 : index
      %get3A_405 = arith.constant 0 : index
      %get3A_406 = arith.constant 0 : index
      %get3A_407 = vector.load %arg7[%get3A_403, %get3A_404, %get3A_405, %get3A_406] : memref<1x8x1x128xf32, #tpu.memory_space<vmem>>, vector<1x1x1x128xf32>
      %get3A_408 = vector.shape_cast %get3A_407 : vector<1x1x1x128xf32> to vector<1x128xf32>
      %add3A_409 = vector.broadcast %get3A_408 : vector<1x128xf32> to vector<1024x128xf32>
      %add3A_410 = arith.addf %dot_general3A_402, %add3A_409 : vector<1024x128xf32>
      %gt3A_411 = arith.constant 0.000000e+00 : f32
      %gt3A_412 = vector.broadcast %gt3A_411 : f32 to vector<1024x128xf32>
      %gt3A_413 = arith.cmpf ogt, %add3A_410, %gt3A_412 : vector<1024x128xf32>
      %exp3A_414 = math.exp %add3A_410 : vector<1024x128xf32>
      %sub3A_415 = arith.constant 1.000000e+00 : f32
      %sub3A_416 = vector.broadcast %sub3A_415 : f32 to vector<1024x128xf32>
      %sub3A_417 = arith.subf %exp3A_414, %sub3A_416 : vector<1024x128xf32>
      %select_n3A_418 = arith.select %gt3A_413, %add3A_410, %sub3A_417 : vector<1024x128xi1>, vector<1024x128xf32>
      %get3A_419 = arith.constant 0 : index
      %get3A_420 = arith.constant 5 : index
      %get3A_421 = arith.constant 0 : index
      %get3A_422 = arith.constant 0 : index
      %get3A_423 = vector.load %arg8[%get3A_419, %get3A_420, %get3A_421, %get3A_422] : memref<1x8x128x96xf32, #tpu.memory_space<vmem>>, vector<1x1x128x96xf32>
      %get3A_424 = vector.shape_cast %get3A_423 : vector<1x1x128x96xf32> to vector<128x96xf32>
      %dot_general3A_425 = arith.constant dense<0.000000e+00> : vector<1024x96xf32>
      %dot_general3A_426 = tpu.matmul %select_n3A_418, %get3A_424, %dot_general3A_425 {dimension_numbers = #tpu.dot_dimension_numbers<[1], [0], [0], [1], [0, 0, 1, 1], [], []>, transpose_lhs_hint = false} : vector<1024x128xf32>, vector<128x96xf32>, vector<1024x96xf32> -> vector<1024x96xf32>
      %get3A_427 = arith.constant 0 : index
      %get3A_428 = arith.constant 5 : index
      %get3A_429 = arith.constant 0 : index
      %get3A_430 = arith.constant 0 : index
      %get3A_431 = vector.load %arg9[%get3A_427, %get3A_428, %get3A_429, %get3A_430] : memref<1x8x1x96xf32, #tpu.memory_space<vmem>>, vector<1x1x1x96xf32>
      %get3A_432 = vector.shape_cast %get3A_431 : vector<1x1x1x96xf32> to vector<1x96xf32>
      %add3A_433 = vector.broadcast %get3A_432 : vector<1x96xf32> to vector<1024x96xf32>
      %add3A_434 = arith.addf %dot_general3A_426, %add3A_433 : vector<1024x96xf32>
      %gt3A_435 = arith.constant 0.000000e+00 : f32
      %gt3A_436 = vector.broadcast %gt3A_435 : f32 to vector<1024x96xf32>
      %gt3A_437 = arith.cmpf ogt, %add3A_434, %gt3A_436 : vector<1024x96xf32>
      %exp3A_438 = math.exp %add3A_434 : vector<1024x96xf32>
      %sub3A_439 = arith.constant 1.000000e+00 : f32
      %sub3A_440 = vector.broadcast %sub3A_439 : f32 to vector<1024x96xf32>
      %sub3A_441 = arith.subf %exp3A_438, %sub3A_440 : vector<1024x96xf32>
      %select_n3A_442 = arith.select %gt3A_437, %add3A_434, %sub3A_441 : vector<1024x96xi1>, vector<1024x96xf32>
      %get3A_443 = arith.constant 0 : index
      %get3A_444 = arith.constant 5 : index
      %get3A_445 = arith.constant 0 : index
      %get3A_446 = arith.constant 0 : index
      %get3A_447 = vector.load %arg10[%get3A_443, %get3A_444, %get3A_445, %get3A_446] : memref<1x8x96x1xf32, #tpu.memory_space<vmem>>, vector<1x1x96x1xf32>
      %get3A_448 = vector.shape_cast %get3A_447 : vector<1x1x96x1xf32> to vector<96x1xf32>
      %dot_general3A_449 = arith.constant dense<0.000000e+00> : vector<1024x1xf32>
      %dot_general3A_450 = tpu.matmul %select_n3A_442, %get3A_448, %dot_general3A_449 {dimension_numbers = #tpu.dot_dimension_numbers<[1], [0], [0], [1], [0, 0, 1, 1], [], []>, transpose_lhs_hint = false} : vector<1024x96xf32>, vector<96x1xf32>, vector<1024x1xf32> -> vector<1024x1xf32>
      %add3A_451 = arith.addf %add3A_378, %dot_general3A_450 : vector<1024x1xf32>
      %get3A_452 = arith.constant 0 : index
      %get3A_453 = arith.constant 5 : index
      %get3A_454 = arith.constant 0 : index
      %get3A_455 = arith.constant 0 : index
      %get3A_456 = vector.load %arg11[%get3A_452, %get3A_453, %get3A_454, %get3A_455] : memref<1x8x1x1xf32, #tpu.memory_space<vmem>>, vector<1x1x1x1xf32>
      %get3A_457 = vector.extract %get3A_456[0, 0, 0, 0] : f32 from vector<1x1x1x1xf32>
      %add3A_458 = arith.addf %add3A_385, %get3A_457 : f32
      %slice3A_459 = vector.extract_strided_slice %add3A_22 {offsets = [0, 960], sizes = [1024, 160], strides = [1, 1]} : vector<1024x1280xf32> to vector<1024x160xf32>
      %gt3A_460 = arith.constant 0.000000e+00 : f32
      %gt3A_461 = vector.broadcast %gt3A_460 : f32 to vector<1024x160xf32>
      %gt3A_462 = arith.cmpf ogt, %slice3A_459, %gt3A_461 : vector<1024x160xf32>
      %exp3A_463 = math.exp %slice3A_459 : vector<1024x160xf32>
      %sub3A_464 = arith.constant 1.000000e+00 : f32
      %sub3A_465 = vector.broadcast %sub3A_464 : f32 to vector<1024x160xf32>
      %sub3A_466 = arith.subf %exp3A_463, %sub3A_465 : vector<1024x160xf32>
      %select_n3A_467 = arith.select %gt3A_462, %slice3A_459, %sub3A_466 : vector<1024x160xi1>, vector<1024x160xf32>
      %get3A_468 = arith.constant 0 : index
      %get3A_469 = arith.constant 6 : index
      %get3A_470 = arith.constant 0 : index
      %get3A_471 = arith.constant 0 : index
      %get3A_472 = vector.load %arg6[%get3A_468, %get3A_469, %get3A_470, %get3A_471] : memref<1x8x160x128xf32, #tpu.memory_space<vmem>>, vector<1x1x160x128xf32>
      %get3A_473 = vector.shape_cast %get3A_472 : vector<1x1x160x128xf32> to vector<160x128xf32>
      %dot_general3A_474 = arith.constant dense<0.000000e+00> : vector<1024x128xf32>
      %dot_general3A_475 = tpu.matmul %select_n3A_467, %get3A_473, %dot_general3A_474 {dimension_numbers = #tpu.dot_dimension_numbers<[1], [0], [0], [1], [0, 0, 1, 1], [], []>, transpose_lhs_hint = false} : vector<1024x160xf32>, vector<160x128xf32>, vector<1024x128xf32> -> vector<1024x128xf32>
      %get3A_476 = arith.constant 0 : index
      %get3A_477 = arith.constant 6 : index
      %get3A_478 = arith.constant 0 : index
      %get3A_479 = arith.constant 0 : index
      %get3A_480 = vector.load %arg7[%get3A_476, %get3A_477, %get3A_478, %get3A_479] : memref<1x8x1x128xf32, #tpu.memory_space<vmem>>, vector<1x1x1x128xf32>
      %get3A_481 = vector.shape_cast %get3A_480 : vector<1x1x1x128xf32> to vector<1x128xf32>
      %add3A_482 = vector.broadcast %get3A_481 : vector<1x128xf32> to vector<1024x128xf32>
      %add3A_483 = arith.addf %dot_general3A_475, %add3A_482 : vector<1024x128xf32>
      %gt3A_484 = arith.constant 0.000000e+00 : f32
      %gt3A_485 = vector.broadcast %gt3A_484 : f32 to vector<1024x128xf32>
      %gt3A_486 = arith.cmpf ogt, %add3A_483, %gt3A_485 : vector<1024x128xf32>
      %exp3A_487 = math.exp %add3A_483 : vector<1024x128xf32>
      %sub3A_488 = arith.constant 1.000000e+00 : f32
      %sub3A_489 = vector.broadcast %sub3A_488 : f32 to vector<1024x128xf32>
      %sub3A_490 = arith.subf %exp3A_487, %sub3A_489 : vector<1024x128xf32>
      %select_n3A_491 = arith.select %gt3A_486, %add3A_483, %sub3A_490 : vector<1024x128xi1>, vector<1024x128xf32>
      %get3A_492 = arith.constant 0 : index
      %get3A_493 = arith.constant 6 : index
      %get3A_494 = arith.constant 0 : index
      %get3A_495 = arith.constant 0 : index
      %get3A_496 = vector.load %arg8[%get3A_492, %get3A_493, %get3A_494, %get3A_495] : memref<1x8x128x96xf32, #tpu.memory_space<vmem>>, vector<1x1x128x96xf32>
      %get3A_497 = vector.shape_cast %get3A_496 : vector<1x1x128x96xf32> to vector<128x96xf32>
      %dot_general3A_498 = arith.constant dense<0.000000e+00> : vector<1024x96xf32>
      %dot_general3A_499 = tpu.matmul %select_n3A_491, %get3A_497, %dot_general3A_498 {dimension_numbers = #tpu.dot_dimension_numbers<[1], [0], [0], [1], [0, 0, 1, 1], [], []>, transpose_lhs_hint = false} : vector<1024x128xf32>, vector<128x96xf32>, vector<1024x96xf32> -> vector<1024x96xf32>
      %get3A_500 = arith.constant 0 : index
      %get3A_501 = arith.constant 6 : index
      %get3A_502 = arith.constant 0 : index
      %get3A_503 = arith.constant 0 : index
      %get3A_504 = vector.load %arg9[%get3A_500, %get3A_501, %get3A_502, %get3A_503] : memref<1x8x1x96xf32, #tpu.memory_space<vmem>>, vector<1x1x1x96xf32>
      %get3A_505 = vector.shape_cast %get3A_504 : vector<1x1x1x96xf32> to vector<1x96xf32>
      %add3A_506 = vector.broadcast %get3A_505 : vector<1x96xf32> to vector<1024x96xf32>
      %add3A_507 = arith.addf %dot_general3A_499, %add3A_506 : vector<1024x96xf32>
      %gt3A_508 = arith.constant 0.000000e+00 : f32
      %gt3A_509 = vector.broadcast %gt3A_508 : f32 to vector<1024x96xf32>
      %gt3A_510 = arith.cmpf ogt, %add3A_507, %gt3A_509 : vector<1024x96xf32>
      %exp3A_511 = math.exp %add3A_507 : vector<1024x96xf32>
      %sub3A_512 = arith.constant 1.000000e+00 : f32
      %sub3A_513 = vector.broadcast %sub3A_512 : f32 to vector<1024x96xf32>
      %sub3A_514 = arith.subf %exp3A_511, %sub3A_513 : vector<1024x96xf32>
      %select_n3A_515 = arith.select %gt3A_510, %add3A_507, %sub3A_514 : vector<1024x96xi1>, vector<1024x96xf32>
      %get3A_516 = arith.constant 0 : index
      %get3A_517 = arith.constant 6 : index
      %get3A_518 = arith.constant 0 : index
      %get3A_519 = arith.constant 0 : index
      %get3A_520 = vector.load %arg10[%get3A_516, %get3A_517, %get3A_518, %get3A_519] : memref<1x8x96x1xf32, #tpu.memory_space<vmem>>, vector<1x1x96x1xf32>
      %get3A_521 = vector.shape_cast %get3A_520 : vector<1x1x96x1xf32> to vector<96x1xf32>
      %dot_general3A_522 = arith.constant dense<0.000000e+00> : vector<1024x1xf32>
      %dot_general3A_523 = tpu.matmul %select_n3A_515, %get3A_521, %dot_general3A_522 {dimension_numbers = #tpu.dot_dimension_numbers<[1], [0], [0], [1], [0, 0, 1, 1], [], []>, transpose_lhs_hint = false} : vector<1024x96xf32>, vector<96x1xf32>, vector<1024x1xf32> -> vector<1024x1xf32>
      %add3A_524 = arith.addf %add3A_451, %dot_general3A_523 : vector<1024x1xf32>
      %get3A_525 = arith.constant 0 : index
      %get3A_526 = arith.constant 6 : index
      %get3A_527 = arith.constant 0 : index
      %get3A_528 = arith.constant 0 : index
      %get3A_529 = vector.load %arg11[%get3A_525, %get3A_526, %get3A_527, %get3A_528] : memref<1x8x1x1xf32, #tpu.memory_space<vmem>>, vector<1x1x1x1xf32>
      %get3A_530 = vector.extract %get3A_529[0, 0, 0, 0] : f32 from vector<1x1x1x1xf32>
      %add3A_531 = arith.addf %add3A_458, %get3A_530 : f32
      %slice3A_532 = vector.extract_strided_slice %add3A_22 {offsets = [0, 1120], sizes = [1024, 160], strides = [1, 1]} : vector<1024x1280xf32> to vector<1024x160xf32>
      %gt3A_533 = arith.constant 0.000000e+00 : f32
      %gt3A_534 = vector.broadcast %gt3A_533 : f32 to vector<1024x160xf32>
      %gt3A_535 = arith.cmpf ogt, %slice3A_532, %gt3A_534 : vector<1024x160xf32>
      %exp3A_536 = math.exp %slice3A_532 : vector<1024x160xf32>
      %sub3A_537 = arith.constant 1.000000e+00 : f32
      %sub3A_538 = vector.broadcast %sub3A_537 : f32 to vector<1024x160xf32>
      %sub3A_539 = arith.subf %exp3A_536, %sub3A_538 : vector<1024x160xf32>
      %select_n3A_540 = arith.select %gt3A_535, %slice3A_532, %sub3A_539 : vector<1024x160xi1>, vector<1024x160xf32>
      %get3A_541 = arith.constant 0 : index
      %get3A_542 = arith.constant 7 : index
      %get3A_543 = arith.constant 0 : index
      %get3A_544 = arith.constant 0 : index
      %get3A_545 = vector.load %arg6[%get3A_541, %get3A_542, %get3A_543, %get3A_544] : memref<1x8x160x128xf32, #tpu.memory_space<vmem>>, vector<1x1x160x128xf32>
      %get3A_546 = vector.shape_cast %get3A_545 : vector<1x1x160x128xf32> to vector<160x128xf32>
      %dot_general3A_547 = arith.constant dense<0.000000e+00> : vector<1024x128xf32>
      %dot_general3A_548 = tpu.matmul %select_n3A_540, %get3A_546, %dot_general3A_547 {dimension_numbers = #tpu.dot_dimension_numbers<[1], [0], [0], [1], [0, 0, 1, 1], [], []>, transpose_lhs_hint = false} : vector<1024x160xf32>, vector<160x128xf32>, vector<1024x128xf32> -> vector<1024x128xf32>
      %get3A_549 = arith.constant 0 : index
      %get3A_550 = arith.constant 7 : index
      %get3A_551 = arith.constant 0 : index
      %get3A_552 = arith.constant 0 : index
      %get3A_553 = vector.load %arg7[%get3A_549, %get3A_550, %get3A_551, %get3A_552] : memref<1x8x1x128xf32, #tpu.memory_space<vmem>>, vector<1x1x1x128xf32>
      %get3A_554 = vector.shape_cast %get3A_553 : vector<1x1x1x128xf32> to vector<1x128xf32>
      %add3A_555 = vector.broadcast %get3A_554 : vector<1x128xf32> to vector<1024x128xf32>
      %add3A_556 = arith.addf %dot_general3A_548, %add3A_555 : vector<1024x128xf32>
      %gt3A_557 = arith.constant 0.000000e+00 : f32
      %gt3A_558 = vector.broadcast %gt3A_557 : f32 to vector<1024x128xf32>
      %gt3A_559 = arith.cmpf ogt, %add3A_556, %gt3A_558 : vector<1024x128xf32>
      %exp3A_560 = math.exp %add3A_556 : vector<1024x128xf32>
      %sub3A_561 = arith.constant 1.000000e+00 : f32
      %sub3A_562 = vector.broadcast %sub3A_561 : f32 to vector<1024x128xf32>
      %sub3A_563 = arith.subf %exp3A_560, %sub3A_562 : vector<1024x128xf32>
      %select_n3A_564 = arith.select %gt3A_559, %add3A_556, %sub3A_563 : vector<1024x128xi1>, vector<1024x128xf32>
      %get3A_565 = arith.constant 0 : index
      %get3A_566 = arith.constant 7 : index
      %get3A_567 = arith.constant 0 : index
      %get3A_568 = arith.constant 0 : index
      %get3A_569 = vector.load %arg8[%get3A_565, %get3A_566, %get3A_567, %get3A_568] : memref<1x8x128x96xf32, #tpu.memory_space<vmem>>, vector<1x1x128x96xf32>
      %get3A_570 = vector.shape_cast %get3A_569 : vector<1x1x128x96xf32> to vector<128x96xf32>
      %dot_general3A_571 = arith.constant dense<0.000000e+00> : vector<1024x96xf32>
      %dot_general3A_572 = tpu.matmul %select_n3A_564, %get3A_570, %dot_general3A_571 {dimension_numbers = #tpu.dot_dimension_numbers<[1], [0], [0], [1], [0, 0, 1, 1], [], []>, transpose_lhs_hint = false} : vector<1024x128xf32>, vector<128x96xf32>, vector<1024x96xf32> -> vector<1024x96xf32>
      %get3A_573 = arith.constant 0 : index
      %get3A_574 = arith.constant 7 : index
      %get3A_575 = arith.constant 0 : index
      %get3A_576 = arith.constant 0 : index
      %get3A_577 = vector.load %arg9[%get3A_573, %get3A_574, %get3A_575, %get3A_576] : memref<1x8x1x96xf32, #tpu.memory_space<vmem>>, vector<1x1x1x96xf32>
      %get3A_578 = vector.shape_cast %get3A_577 : vector<1x1x1x96xf32> to vector<1x96xf32>
      %add3A_579 = vector.broadcast %get3A_578 : vector<1x96xf32> to vector<1024x96xf32>
      %add3A_580 = arith.addf %dot_general3A_572, %add3A_579 : vector<1024x96xf32>
      %gt3A_581 = arith.constant 0.000000e+00 : f32
      %gt3A_582 = vector.broadcast %gt3A_581 : f32 to vector<1024x96xf32>
      %gt3A_583 = arith.cmpf ogt, %add3A_580, %gt3A_582 : vector<1024x96xf32>
      %exp3A_584 = math.exp %add3A_580 : vector<1024x96xf32>
      %sub3A_585 = arith.constant 1.000000e+00 : f32
      %sub3A_586 = vector.broadcast %sub3A_585 : f32 to vector<1024x96xf32>
      %sub3A_587 = arith.subf %exp3A_584, %sub3A_586 : vector<1024x96xf32>
      %select_n3A_588 = arith.select %gt3A_583, %add3A_580, %sub3A_587 : vector<1024x96xi1>, vector<1024x96xf32>
      %get3A_589 = arith.constant 0 : index
      %get3A_590 = arith.constant 7 : index
      %get3A_591 = arith.constant 0 : index
      %get3A_592 = arith.constant 0 : index
      %get3A_593 = vector.load %arg10[%get3A_589, %get3A_590, %get3A_591, %get3A_592] : memref<1x8x96x1xf32, #tpu.memory_space<vmem>>, vector<1x1x96x1xf32>
      %get3A_594 = vector.shape_cast %get3A_593 : vector<1x1x96x1xf32> to vector<96x1xf32>
      %dot_general3A_595 = arith.constant dense<0.000000e+00> : vector<1024x1xf32>
      %dot_general3A_596 = tpu.matmul %select_n3A_588, %get3A_594, %dot_general3A_595 {dimension_numbers = #tpu.dot_dimension_numbers<[1], [0], [0], [1], [0, 0, 1, 1], [], []>, transpose_lhs_hint = false} : vector<1024x96xf32>, vector<96x1xf32>, vector<1024x1xf32> -> vector<1024x1xf32>
      %add3A_597 = arith.addf %add3A_524, %dot_general3A_596 : vector<1024x1xf32>
      %get3A_598 = arith.constant 0 : index
      %get3A_599 = arith.constant 7 : index
      %get3A_600 = arith.constant 0 : index
      %get3A_601 = arith.constant 0 : index
      %get3A_602 = vector.load %arg11[%get3A_598, %get3A_599, %get3A_600, %get3A_601] : memref<1x8x1x1xf32, #tpu.memory_space<vmem>>, vector<1x1x1x1xf32>
      %get3A_603 = vector.extract %get3A_602[0, 0, 0, 0] : f32 from vector<1x1x1x1xf32>
      %add3A_604 = arith.addf %add3A_531, %get3A_603 : f32
      %jit3A = arith.constant 0.000000e+00 : f32
      %broadcast_in_dim3A_605 = vector.broadcast %jit3A : f32 to vector<1024x1xf32>
      %select_n3A_606 = arith.select %lt3A_10, %add3A_597, %broadcast_in_dim3A_605 : vector<1024x1xi1>, vector<1024x1xf32>
      %reduce_sum3A = vector.shape_cast %select_n3A_606 : vector<1024x1xf32> to vector<1x1024x1xf32>
      %reduce_sum3A_607 = arith.constant dense<0.000000e+00> : vector<1xf32>
      %reduce_sum3A_608 = vector.multi_reduction <add>, %reduce_sum3A, %reduce_sum3A_607 [1, 2] : vector<1x1024x1xf32> to vector<1xf32>
      %reduce_sum3A_609 = vector.shape_cast %reduce_sum3A_608 : vector<1xf32> to vector<1x1x1xf32>
      %reduce_sum3A_610 = vector.extract %reduce_sum3A_609[0, 0, 0] : f32 from vector<1x1x1xf32>
      %broadcast_in_dim3A_611 = vector.broadcast %reduce_sum3A_610 : f32 to vector<1x1xf32>
      %convert_element_type3A_612 = arith.sitofp %get3A_0 : i32 to f32
      %mul3A = arith.mulf %convert_element_type3A_612, %add3A_604 : f32
      %add3A_613 = vector.broadcast %mul3A : f32 to vector<1x1xf32>
      %add3A_614 = arith.addf %broadcast_in_dim3A_611, %add3A_613 : vector<1x1xf32>
      %get3A_615 = arith.constant 0 : index
      %get3A_616 = arith.constant 0 : index
      %get3A_617 = vector.load %arg12[%get3A_615, %get3A_616] : memref<1x1xf32, #tpu.memory_space<vmem>>, vector<1x1xf32>
      %mul3A_618 = arith.constant 1.250000e-01 : f32
      %mul3A_619 = vector.broadcast %mul3A_618 : f32 to vector<1x1xf32>
      %mul3A_620 = arith.mulf %add3A_614, %mul3A_619 : vector<1x1xf32>
      %add3A_621 = arith.addf %get3A_617, %mul3A_620 : vector<1x1xf32>
      %swap3A = arith.constant 0 : index
      %swap3A_622 = arith.constant 0 : index
      %swap3A_623 = vector.load %arg12[%swap3A, %swap3A_622] : memref<1x1xf32, #tpu.memory_space<vmem>>, vector<1x1xf32>
      tpu.vector_store %arg12[%swap3A, %swap3A_622], %add3A_621 {strides = array<i32>} : memref<1x1xf32, #tpu.memory_space<vmem>>, vector<1x1xf32>,
    } else {
    }
    return
  }
  func.func @transform_0(%arg0: i32, %arg1: memref<23xi32, #tpu.memory_space<smem>>, %arg2: memref<23xi32, #tpu.memory_space<smem>>) -> (i32, i32) {
    %c0_i32 = arith.constant 0 : i32
    %c0_i32_0 = arith.constant 0 : i32
    return %arg0, %c0_i32 : i32, i32
  }
  func.func @transform_1(%arg0: i32, %arg1: memref<23xi32, #tpu.memory_space<smem>>, %arg2: memref<23xi32, #tpu.memory_space<smem>>) -> (i32, i32, i32) {
    %get3A = arith.index_cast %arg0 : i32 to index
    %get3A_0 = memref.load %arg1[%get3A] : memref<23xi32, #tpu.memory_space<smem>>
    %c0_i32 = arith.constant 0 : i32
    %c0_i32_1 = arith.constant 0 : i32
    %c0_i32_2 = arith.constant 0 : i32
    return %get3A_0, %c0_i32, %c0_i32_1 : i32, i32, i32
  }
  func.func @transform_2(%arg0: i32, %arg1: memref<23xi32, #tpu.memory_space<smem>>, %arg2: memref<23xi32, #tpu.memory_space<smem>>) -> (i32, i32, i32) {
    %get3A = arith.index_cast %arg0 : i32 to index
    %get3A_0 = memref.load %arg1[%get3A] : memref<23xi32, #tpu.memory_space<smem>>
    %c0_i32 = arith.constant 0 : i32
    %c0_i32_1 = arith.constant 0 : i32
    %c0_i32_2 = arith.constant 0 : i32
    return %get3A_0, %c0_i32, %c0_i32_1 : i32, i32, i32
  }
  func.func @transform_3(%arg0: i32, %arg1: memref<23xi32, #tpu.memory_space<smem>>, %arg2: memref<23xi32, #tpu.memory_space<smem>>) -> (i32, i32, i32, i32) {
    %get3A = arith.index_cast %arg0 : i32 to index
    %get3A_0 = memref.load %arg1[%get3A] : memref<23xi32, #tpu.memory_space<smem>>
    %c0_i32 = arith.constant 0 : i32
    %c0_i32_1 = arith.constant 0 : i32
    %c0_i32_2 = arith.constant 0 : i32
    %c0_i32_3 = arith.constant 0 : i32
    return %get3A_0, %c0_i32, %c0_i32_1, %c0_i32_2 : i32, i32, i32, i32
  }
  func.func @transform_4(%arg0: i32, %arg1: memref<23xi32, #tpu.memory_space<smem>>, %arg2: memref<23xi32, #tpu.memory_space<smem>>) -> (i32, i32, i32, i32) {
    %get3A = arith.index_cast %arg0 : i32 to index
    %get3A_0 = memref.load %arg1[%get3A] : memref<23xi32, #tpu.memory_space<smem>>
    %c0_i32 = arith.constant 0 : i32
    %c0_i32_1 = arith.constant 0 : i32
    %c0_i32_2 = arith.constant 0 : i32
    %c0_i32_3 = arith.constant 0 : i32
    return %get3A_0, %c0_i32, %c0_i32_1, %c0_i32_2 : i32, i32, i32, i32
  }
  func.func @transform_5(%arg0: i32, %arg1: memref<23xi32, #tpu.memory_space<smem>>, %arg2: memref<23xi32, #tpu.memory_space<smem>>) -> (i32, i32, i32, i32) {
    %get3A = arith.index_cast %arg0 : i32 to index
    %get3A_0 = memref.load %arg1[%get3A] : memref<23xi32, #tpu.memory_space<smem>>
    %c0_i32 = arith.constant 0 : i32
    %c0_i32_1 = arith.constant 0 : i32
    %c0_i32_2 = arith.constant 0 : i32
    %c0_i32_3 = arith.constant 0 : i32
    return %get3A_0, %c0_i32, %c0_i32_1, %c0_i32_2 : i32, i32, i32, i32
  }
  func.func @transform_6(%arg0: i32, %arg1: memref<23xi32, #tpu.memory_space<smem>>, %arg2: memref<23xi32, #tpu.memory_space<smem>>) -> (i32, i32, i32, i32) {
    %get3A = arith.index_cast %arg0 : i32 to index
    %get3A_0 = memref.load %arg1[%get3A] : memref<23xi32, #tpu.memory_space<smem>>
    %c0_i32 = arith.constant 0 : i32
    %c0_i32_1 = arith.constant 0 : i32
    %c0_i32_2 = arith.constant 0 : i32
    %c0_i32_3 = arith.constant 0 : i32
    return %get3A_0, %c0_i32, %c0_i32_1, %c0_i32_2 : i32, i32, i32, i32
  }
  func.func @transform_7(%arg0: i32, %arg1: memref<23xi32, #tpu.memory_space<smem>>, %arg2: memref<23xi32, #tpu.memory_space<smem>>) -> (i32, i32, i32, i32) {
    %get3A = arith.index_cast %arg0 : i32 to index
    %get3A_0 = memref.load %arg1[%get3A] : memref<23xi32, #tpu.memory_space<smem>>
    %c0_i32 = arith.constant 0 : i32
    %c0_i32_1 = arith.constant 0 : i32
    %c0_i32_2 = arith.constant 0 : i32
    %c0_i32_3 = arith.constant 0 : i32
    return %get3A_0, %c0_i32, %c0_i32_1, %c0_i32_2 : i32, i32, i32, i32
  }
  func.func @transform_8(%arg0: i32, %arg1: memref<23xi32, #tpu.memory_space<smem>>, %arg2: memref<23xi32, #tpu.memory_space<smem>>) -> (i32, i32, i32, i32) {
    %get3A = arith.index_cast %arg0 : i32 to index
    %get3A_0 = memref.load %arg1[%get3A] : memref<23xi32, #tpu.memory_space<smem>>
    %c0_i32 = arith.constant 0 : i32
    %c0_i32_1 = arith.constant 0 : i32
    %c0_i32_2 = arith.constant 0 : i32
    %c0_i32_3 = arith.constant 0 : i32
    return %get3A_0, %c0_i32, %c0_i32_1, %c0_i32_2 : i32, i32, i32, i32
  }
  func.func @transform_9(%arg0: i32, %arg1: memref<23xi32, #tpu.memory_space<smem>>, %arg2: memref<23xi32, #tpu.memory_space<smem>>) -> (i32, i32) {
    %c0_i32 = arith.constant 0 : i32
    %c0_i32_0 = arith.constant 0 : i32
    %c0_i32_1 = arith.constant 0 : i32
    return %c0_i32, %c0_i32_0 : i32, i32
  }
}

</mosaic_0001>

<sc_bundles>
// kernel: kernel.4.cloned.1.call-start
scs
__scs_entry_jumppad:
0x0: {  	(pc) =	sbr.rel $0x88, $3  }
0x1: {  	(tag) =	ssettag $0x0;
	lr =	simm.s32 $0x1  }
0x2: {  	[smem:$0x3F7F] =	sst lr;
	_ =	strace $0xD0000000  }
0x3: {  	_ = 	snop  }
0x4: {  	_ = 	snop  }
0x5: {  	_ = 	snop  }
0x6: {  	_ = 	snop  }
0x7: {  	_ = 	snop  }
__scs_overlays_trampoline_lowered:
0x8: {  	[smem:$0x3F8E] =	sst s0  }
0x9: {  	[smem:$0x3F8F] =	sst s1  }
0xa: {  	[smem:$0x3F90] =	sst s2  }
0xb: {  	[smem:$0x3F91] =	sst s3  }
0xc: {  	[smem:$0x3F92] =	sst s4  }
0xd: {  	[smem:$0x3F93] =	sst s5  }
0xe: {  	[smem:$0x3F94] =	sst s6  }
0xf: {  	[smem:$0x3F95] =	sst s7  }
0x10: {  	[smem:$0x3F96] =	sst s8  }
0x11: {  	[smem:$0x3F97] =	sst s9;
	s0 =	simm.s32 @!p0 $0x0  }
0x12: {  	s1 =	sld [smem:$0x3F7D];
	s0 =	simm.s32 @p0 $0x1  }
0x13: {  	[smem:$0x3F98] =	sst s0;
	s0 =	simm.s32 @!p1 $0x0  }
0x14: {  	s2 =	sld [smem:$0x3F7C];
	s0 =	simm.s32 @p1 $0x1  }
0x15: {  	[smem:$0x3F99] =	sst s0;
	s0 =	simm.s32 @!p2 $0x0  }
0x16: {  	s3 =	sld [smem:$0x3FDB];
	s0 =	simm.s32 @p2 $0x1  }
0x17: {  	s4 =	simm.s32 $0x1BF5;
	[smem:$0x3F9B] =	sst s0  }
0x18: {  	s0 =	sld [smem:$0x3F7E];
	_ =	swait.ge [sflag:s4], $0x0  }
0x19: {  	s7 =	sld [smem:$0x3F7F]  }
0x1a: {  	s8 =	sadd.s32 $0xFFFFE003, lr  }
0x1b: {  	s9 =	sadd.s32 $0xFFFFFEF7, lr;
	s5 =	simm.s32 $0xFFFFFFFF;
	p2 =	slt.u32 s8, $0xFFFFF086  }
0x1c: {  	p1 =	slt.u32 s9, $0xF7A;
	s5 =	simm.s32 @!p2 $0x0  }
0x1d: {  	s5 =	simm.s32 @p1 $0x1;
	p0 =	seq.s32 s7, s2  }
0x1e: {  	s7 =	smul.u32 @!p0 $0xF7A, s2;
	p2 =	seq.s32 @!p0 s5, $0x0  }
0x1f: {  	s9 =	smul.u32 $0xF7A, s1;
	s8 =	simm.s32 @!p0 $0x1BF5;
	p2 =	por !p2, p0  }
0x20: {  	[sflag:s8] =	ssyncset.s32 @!p0 $0xFFFFF086;
	s6 =	sadd.s32 @!p0 s3, s7;
	s7 =	simm.s32 @!p0 $0x108  }
0x21: {  	s3 =	sadd.s32 s3, s9;
	s6 =	sadd.s32 @!p0 $0x88, s6;
	s7 =	simm.s32 @p2 $0x1082  }
0x22: {  	[simem:s7], [sflag:s8] =	dma.local @!p0 [hbm:s6], $0xF7A  }
0x23: {  	s9 =	sor.u32 $0xD0000000, s2;
	s6 =	simm.s32 $0x108;
	_ =	swait.ge @!p0 [sflag:s8], $0x0  }
0x24: {  	s3 =	sadd.s32 $0x88, s3;
	s6 =	simm.s32 @!p1 $0x1082;
	[sflag:s4] =	ssyncset.s32 $0xFFFFF086  }
0x25: {  	[simem:s6], [sflag:s4] =	dma.local [hbm:s3], $0xF7A  }
0x26: {  	[smem:$0x3F7F] =	sst s1;
	(tag) =	ssettag s2;
	_ =	strace s9  }
0x27: {  	s1 =	sld [smem:$0x3F8F]  }
0x28: {  	s2 =	sld [smem:$0x3F90]  }
0x29: {  	s4 =	sld [smem:$0x3F92]  }
0x2a: {  	p0 =	seq.s32 s5, $0x0;
	s5 =	sld [smem:$0x3F93]  }
0x2b: {  	s6 =	sld [smem:$0x3F94]  }
0x2c: {  	s7 =	sld [smem:$0x3F95]  }
0x2d: {  	s3 =	simm.s32 $0x108;
	s8 =	sld [smem:$0x3F96]  }
0x2e: {  	s3 =	simm.s32 @!p0 $0x1082;
	s9 =	sld [smem:$0x3F97]  }
0x2f: {  	lr =	sadd.s32 s0, s3;
	s0 =	sld [smem:$0x3F8E]  }
0x30: {  	s3 =	sld [smem:$0x3F91]  }
0x31: {  	[smem:$0x3F9A] =	sst s10  }
0x32: {  	s10 =	sld [smem:$0x3F98];
	_ =	sdelay $0x3  }
0x33: {  	p0 =	seq.s32 s10, $0x1;
	s10 =	sld [smem:$0x3F9A];
	_ =	sdelay $0x3  }
0x34: {  	[smem:$0x3F9A] =	sst s10  }
0x35: {  	s10 =	sld [smem:$0x3F99];
	_ =	sdelay $0x3  }
0x36: {  	p1 =	seq.s32 s10, $0x1;
	s10 =	sld [smem:$0x3F9A];
	_ =	sdelay $0x3  }
0x37: {  	[smem:$0x3F9A] =	sst s10  }
0x38: {  	s10 =	sld [smem:$0x3F9B]  }
0x39: {  	_ = 	snop;
	(pc) =	sbr.ind lr, $3  }
0x3a: {  	_ = 	snop  }
0x3b: {  	_ = 	snop  }
0x3c: {  	p2 =	seq.s32 s10, $0x1;
	s10 =	sld [smem:$0x3F9A]  }
0x3d: {  	_ =	shalt  }
0x3e: {  	_ =	shalt  }
0x3f: {  	_ =	shalt  }
0x40: {  	_ =	shalt  }
0x41: {  	_ =	shalt  }
0x42: {  	_ =	shalt  }
0x43: {  	_ =	shalt  }
0x44: {  	_ =	shalt  }
0x45: {  	_ =	shalt  }
0x46: {  	_ =	shalt  }
0x47: {  	_ =	shalt  }
0x48: {  	_ =	shalt  }
0x49: {  	_ =	shalt  }
0x4a: {  	_ =	shalt  }
0x4b: {  	_ =	shalt  }
0x4c: {  	_ =	shalt  }
0x4d: {  	_ =	shalt  }
0x4e: {  	_ =	shalt  }
0x4f: {  	_ =	shalt  }
0x50: {  	_ =	shalt  }
0x51: {  	_ =	shalt  }
0x52: {  	_ =	shalt  }
0x53: {  	_ =	shalt  }
0x54: {  	_ =	shalt  }
0x55: {  	_ =	shalt  }
0x56: {  	_ =	shalt  }
0x57: {  	_ =	shalt  }
0x58: {  	_ =	shalt  }
0x59: {  	_ =	shalt  }
0x5a: {  	_ =	shalt  }
0x5b: {  	_ =	shalt  }
0x5c: {  	_ =	shalt  }
0x5d: {  	_ =	shalt  }
0x5e: {  	_ =	shalt  }
0x5f: {  	_ =	shalt  }
0x60: {  	_ =	shalt  }
0x61: {  	_ =	shalt  }
0x62: {  	_ =	shalt  }
0x63: {  	_ =	shalt  }
0x64: {  	_ =	shalt  }
0x65: {  	_ =	shalt  }
0x66: {  	_ =	shalt  }
0x67: {  	_ =	shalt  }
0x68: {  	_ =	shalt  }
0x69: {  	_ =	shalt  }
0x6a: {  	_ =	shalt  }
0x6b: {  	_ =	shalt  }
0x6c: {  	_ =	shalt  }
0x6d: {  	_ =	shalt  }
0x6e: {  	_ =	shalt  }
0x6f: {  	_ =	shalt  }
0x70: {  	_ =	shalt  }
0x71: {  	_ =	shalt  }
0x72: {  	_ =	shalt  }
0x73: {  	_ =	shalt  }
0x74: {  	_ =	shalt  }
0x75: {  	_ =	shalt  }
0x76: {  	_ =	shalt  }
0x77: {  	_ =	shalt  }
0x78: {  	_ =	shalt  }
0x79: {  	_ =	shalt  }
0x7a: {  	_ =	shalt  }
0x7b: {  	_ =	shalt  }
0x7c: {  	_ =	shalt  }
0x7d: {  	_ =	shalt  }
0x7e: {  	_ =	shalt  }
0x7f: {  	_ =	shalt  }
0x80: {  	_ =	shalt  }
0x81: {  	_ =	shalt  }
0x82: {  	_ =	shalt  }
0x83: {  	_ =	shalt  }
0x84: {  	_ =	shalt  }
0x85: {  	_ =	shalt  }
0x86: {  	_ =	shalt  }
0x87: {  	_ =	shalt  }
.Lfunc_end0:
.L_simem_size_0:
called_computation_lowered:
.L_overlay_start_0:
0x88: {  	s2 =	sld [smem:$0x3FD9]  }
0x89: {  	s3 =	sld [smem:$0x3FFE];
	_ =	sdelay $0x1  }
0x8a: {  	s1 =	srdreg.scid  }
0x8b: {  	s0 =	sand.u32 $0x1, s1  }
0x8c: {  	s17 =	sshll.u32 s0, $0xA;
	s2 =	sadd.s32 s3, s2  }
0x8d: {  	s2 =	sadd.s32 s2, s17  }
0x8e: {  	[smem:$0x3FA6] =	sst s2  }
0x8f: {  	_ = 	snop  }
0x90: {  	s2 =	sld [smem:$0x3FC8];
	(tm) =	ssettm $0x1  }
0x91: {  	s18 =	sld [smem:$0x3FFB];
	_ =	sdelay $0x3  }
0x92: {  	_ =	strace s18  }
0x93: {  	s3 =	sld [smem:$0x3FFC];
	_ =	sdelay $0x3  }
0x94: {  	_ =	strace s3  }
0x95: {  	s3 =	sld [smem:$0x3FFD];
	_ =	sdelay $0x3  }
0x96: {  	_ =	strace s3  }
0x97: {  	_ =	strace $0x8FFFFFFF  }
0x98: {  	s19 =	sld [smem:$0x3FDB];
	_ =	sdelay $0x1  }
0x99: {  	s4 =	simm.s32 $_scs_section_size  }
0x9a: {  	s5 =	simm.s32 $_size__tile_overlayer_lowered;
	s6 =	simm.s32 $_tile_overlayer_lowered  }
0x9b: {  	s22 =	simm.s32 $0x1BFF;
	s21 =	sshll.u32 s6, $0x1;
	s3 =	sadd.s32 s4, s19  }
0x9c: {  	s7 =	simm.s32 $0x0;
	s20 =	sshll.u32 s5, $0x1;
	s5 =	sadd.s32 s21, s3  }
0x9d: {  	[timem:s7], [sflag:s22] =	dma.local [hbm:s5], s20  }
0x9e: {  	_ =	swait.ge [sflag:s22], s20  }
0x9f: {  	s4 =	ssub.s32 $0x0, s20;
	[sflag:s22] =	ssyncset.done $0x0  }
0xa0: {  	[sflag:s22] =	ssyncadd.s32 s4;
	_ =	sdelay $0x1  }
0xa1: {  	s23 =	simm.s32 $0x1B8B  }
0xa2: {  	_ =	swait.ge [sflag:s23], $0x1  }
0xa3: {  	[sflag:s23] =	ssyncset.done $0x0  }
0xa4: {  	s25 =	simm.s32 $0x1B8E;
	s24 =	sld [smem:$0x3FFE];
	[sflag:s23] =	ssyncadd.s32 $0xFFFFFFFF  }
0xa5: {  	s26 =	simm.s32 $execute0_lowered;
	[smem:$0x3FD2] =	sst s25  }
0xa6: {  	s5 =	sshll.u32 s26, $0x1;
	_ =	strace $0x80000046;
	[dreg:$0x1] =	wrdreg $0xFFFFFFFF  }
0xa7: {  	s28 =	simm.s32 $_size_execute0_lowered;
	s3 =	sadd.s32 s3, s5;
	[dreg:$0x0] =	wrdreg $0x0  }
0xa8: {  	s5 =	sshll.u32 s28, $0x1;
	[dreg:$0x2] =	wrdreg s3  }
0xa9: {  	[dreg:$0x3] =	wrdreg s5  }
0xaa: {  	[dreg:$0x4] =	wrdreg $0xC0  }
0xab: {  	_ =	task [dreg:s7], $0x5FFFF  }
0xac: {  	[dreg:$0x1] =	wrdreg $0xFFFFFFFF  }
0xad: {  	[dreg:$0x0] =	wrdreg $0x60  }
0xae: {  	[dreg:$0x2] =	wrdreg s24  }
0xaf: {  	[dreg:$0x3] =	wrdreg s2  }
0xb0: {  	[dreg:$0x4] =	wrdreg $0x9  }
0xb1: {  	_ =	task.clear_ibuf [dreg:s7], $0x5FFFF;
	_ =	strace $0x90000046  }
0xb2: {  	s29 =	simm.s32 $0x9;
	_ =	strace $0x80000048  }
0xb3: {  	_ =	swait.ge [sflag:s29], $0x1  }
0xb4: {  	[sflag:s29] =	ssyncadd.s32 $0xFFFFFFFF  }
0xb5: {  	_ =	strace $0x90000048  }
0xb6: {  	_ =	sfence  }
0xb7: {  	s30 =	sld [smem:$0x0];
	_ =	sdelay $0x2  }
0xb8: {  	s31 =	sshll.u32 s1, $0xD;
	s1 =	sshrl.u32 s1, $0x2  }
0xb9: {  	s3 =	sand.u32 $0x4000, s31;
	s1 =	sadd.s32 s1, s30  }
0xba: {  	s0 =	sor.u32 s3, s0;
	s1 =	sshll.u32 s1, $0x11  }
0xbb: {  	s0 =	sor.u32 s1, s0  }
0xbc: {  	s0 =	sadd.s32 $0x8F2B, s0  }
0xbd: {  	[sflag:s0] =	ssyncadd.remote.s32 $0x1  }
0xbe: {  	_ =	sfence.sel $0xFFFF  }
0xbf: {  	[dreg:$0x0] =	wrdreg $0xFFFFFFFF;
	(pc) =	sbr.abs _section_cstart, $3  }
0xc0: {  	[dreg:$0x1] =	wrdreg $0xFFFFFFFF  }
0xc1: {  	_ =	task.clear_ibuf [dreg:s7], $0x2FFFF;
	_ =	strace $0x9FFFFFFF  }
0xc2: {  	(tm) =	ssettm $0x7FFFFFFF  }
0xc3: {  	_ =	shalt  }
tec
execute0_lowered:
.L_overlay_start_1:
0x0: {  	(tag) =	ssettag $0x1  }
0x1: {  	s0 =	rddreg [dreg:$0x0]  }
0x2: {  	s2 =	rddreg [dreg:$0x1];
	s1 =	srdreg.scid  }
0x3: {  	s4 =	stileid.u32;
	s3 =	simm.s32 $0x0;
	s31 =	simm.s32 $0x400  }
0x4: {  	s1 =	sand.u32 $0x1, s1;
	s4 =	sshll.u32 s4, $0x8;
	[smem:$0x7FF] =	sst s3  }
0x5: {  	s7 =	sadd.s32 $0x2100, s0;
	s5 =	sshll.u32 s1, $0x7;
	s1 =	ssub.s32 $0x2, s1  }
0x6: {  	v2 =	vlaneseq.u32;
	vm0 =	vmmov $0xffff;
	_ =	strace $0x80000047;
	[dreg:$0x4] =	wrdreg s31;
	s4 =	sor.u32 s5, s4  }
0x7: {  	vm1 =	vmmov $0xff;
	vm2 =	vcmask $0x3320;
	vm3 =	vcmask $0x1300;
	s6 =	sshrl.u32 s1, $0x1;
	s5 =	sadd.s32 $0x2000, s0;
	s4 =	sadd.s32 s0, s4  }
0x8: {  	v1 =	vshrl.u32 v2, $0x3;
	v0 =	vand.u32 $0x7, v2;
	v2 =	vor.u32 $0x8, v2;
	s1 =	ssub.s32 s1, s6;
	[dreg:$0x5] =	wrdreg s4;
	s4 =	sadd.s32 $0x1000, s4  }
0x9: {  	vm2 =	vmor vm3, vm2;
	vm3 =	vmmov $0x1f;
	v1 =	vmul.u32 $0x8, v1;
	s6 =	sadd.s32 $0x100, s2;
	[dreg:$0x3] =	wrdreg s4;
	s4 =	smax.u32 s1, $0x1  }
.LBB2_1:
0xa: {  	[dreg:$0x6] =	wrdreg s4  }
0xb: {  	s21 =	rddreg [dreg:$0x5];
	s23 =	simm.s32 $0x5  }
0xc: {  	[tilespmem:s3], [sflag:$0x5] =	stream.linear.gather [hbm4b:s21+s3], $0x280, $0x38;
	[tilespmem:$0x18800] =	vst v63  }
0xd: {  	_ =	swait.ge [sflag:s23], $0x280  }
0xe: {  	s20 =	rddreg [dreg:$0x3];
	[sflag:s23] =	ssyncset.done $0x0  }
0xf: {  	s22 =	rddreg [dreg:$0x4];
	[sflag:s23] =	ssyncadd.s32 $0xFFFFFD80  }
0x10: {  	[tilespmem:s22], [sflag:$0x5] =	stream.linear.gather [hbm4b:s20+s3], $0x280, $0x38;
	[tilespmem:$0x18800] =	vst v63  }
0x11: {  	_ =	swait.ge [sflag:s23], $0x280  }
0x12: {  	[sflag:s23] =	ssyncset.done $0x0  }
0x13: {  	[sflag:s23] =	ssyncadd.s32 $0xFFFFFD80  }
0x14: {  	v3 =	vld [tilespmem:$0x0];
	_ =	sdelay $0x4  }
0x15: {  	v4 =	vshrl.u32 v3, $0x3  }
0x16: {  	v4 =	vmul.u32 $0x18, v4  }
0x17: {  	v3 =	vand.u32 $0x7, v3  }
0x18: {  	v3 =	vor.u32 v3, v4  }
0x19: {  	v4 =	vperm.xlane v3, v0;
	_ =	sdelay $0x1  }
0x1a: {  	v4 =	vadd.s32 v1, v4;
	_ =	sdelay $0x1  }
0x1b: {  	v3 =	vperm.xlane v3, v2;
	_ =	sdelay $0x1  }
0x1c: {  	s0 =	simm.s32 $0x800;
	v3 =	vadd.s32 v1, v3  }
0x1d: {  	[tilespmem:s0], [sflag:$0x1] =	stream.indirect_vreg.gather [hbm4b:s2+s3], $0x80, v4, vm0, $0xb8;
	[tilespmem:$0x18800] =	vst v63  }
0x1e: {  	s24 =	simm.s32 $0x1000  }
0x1f: {  	[tilespmem:s24], [sflag:$0x1] =	stream.indirect_vreg.gather [hbm4b:s6+s3], $0x80, v4, vm1, $0xb8;
	[tilespmem:$0x18800] =	vst v63  }
0x20: {  	s25 =	simm.s32 $0x1400  }
0x21: {  	[tilespmem:s25], [sflag:$0x1] =	stream.indirect_vreg.gather [hbm4b:s2+s3], $0x80, v3, vm0, $0xb8;
	[tilespmem:$0x18800] =	vst v63  }
0x22: {  	s26 =	simm.s32 $0x1C00  }
0x23: {  	[tilespmem:s26], [sflag:$0x1] =	stream.indirect_vreg.gather [hbm4b:s6+s3], $0x80, v3, vm1, $0xb8;
	[tilespmem:$0x18800] =	vst v63  }
0x24: {  	v3 =	vld [tilespmem:$0x10];
	_ =	sdelay $0x4  }
0x25: {  	v41 =	vshrl.u32 v3, $0x3  }
0x26: {  	v4 =	vmul.u32 $0x18, v41  }
0x27: {  	v3 =	vand.u32 $0x7, v3  }
0x28: {  	v3 =	vor.u32 v3, v4  }
0x29: {  	v4 =	vperm.xlane v3, v0;
	_ =	sdelay $0x1  }
0x2a: {  	v4 =	vadd.s32 v1, v4;
	_ =	sdelay $0x1  }
0x2b: {  	v3 =	vperm.xlane v3, v2;
	_ =	sdelay $0x1  }
0x2c: {  	s28 =	simm.s32 $0x2000;
	v3 =	vadd.s32 v1, v3  }
0x2d: {  	[tilespmem:s28], [sflag:$0x1] =	stream.indirect_vreg.gather [hbm4b:s2+s3], $0x80, v4, vm0, $0xb8;
	[tilespmem:$0x18800] =	vst v63  }
0x2e: {  	s29 =	simm.s32 $0x2800  }
0x2f: {  	[tilespmem:s29], [sflag:$0x1] =	stream.indirect_vreg.gather [hbm4b:s6+s3], $0x80, v4, vm1, $0xb8;
	[tilespmem:$0x18800] =	vst v63  }
0x30: {  	s30 =	simm.s32 $0x2C00  }
0x31: {  	[tilespmem:s30], [sflag:$0x1] =	stream.indirect_vreg.gather [hbm4b:s2+s3], $0x80, v3, vm0, $0xb8;
	[tilespmem:$0x18800] =	vst v63  }
0x32: {  	s31 =	simm.s32 $0x3400  }
0x33: {  	[tilespmem:s31], [sflag:$0x1] =	stream.indirect_vreg.gather [hbm4b:s6+s3], $0x80, v3, vm1, $0xb8;
	[tilespmem:$0x18800] =	vst v63  }
0x34: {  	v3 =	vld [tilespmem:$0x20];
	_ =	sdelay $0x4  }
0x35: {  	v42 =	vshrl.u32 v3, $0x3  }
0x36: {  	v4 =	vmul.u32 $0x18, v42  }
0x37: {  	v3 =	vand.u32 $0x7, v3  }
0x38: {  	v3 =	vor.u32 v3, v4  }
0x39: {  	v4 =	vperm.xlane v3, v0;
	_ =	sdelay $0x1  }
0x3a: {  	v4 =	vadd.s32 v1, v4;
	_ =	sdelay $0x1  }
0x3b: {  	v3 =	vperm.xlane v3, v2;
	_ =	sdelay $0x1  }
0x3c: {  	s4 =	simm.s32 $0x3800;
	v3 =	vadd.s32 v1, v3  }
0x3d: {  	[tilespmem:s4], [sflag:$0x1] =	stream.indirect_vreg.gather [hbm4b:s2+s3], $0x80, v4, vm0, $0xb8;
	[tilespmem:$0x18800] =	vst v63  }
0x3e: {  	s8 =	simm.s32 $0x4000  }
0x3f: {  	[tilespmem:s8], [sflag:$0x1] =	stream.indirect_vreg.gather [hbm4b:s6+s3], $0x80, v4, vm1, $0xb8;
	[tilespmem:$0x18800] =	vst v63  }
0x40: {  	s9 =	simm.s32 $0x4400  }
0x41: {  	[tilespmem:s9], [sflag:$0x1] =	stream.indirect_vreg.gather [hbm4b:s2+s3], $0x80, v3, vm0, $0xb8;
	[tilespmem:$0x18800] =	vst v63  }
0x42: {  	s10 =	simm.s32 $0x4C00  }
0x43: {  	[tilespmem:s10], [sflag:$0x1] =	stream.indirect_vreg.gather [hbm4b:s6+s3], $0x80, v3, vm1, $0xb8;
	[tilespmem:$0x18800] =	vst v63  }
0x44: {  	v3 =	vld [tilespmem:$0x30];
	_ =	sdelay $0x4  }
0x45: {  	v43 =	vshrl.u32 v3, $0x3  }
0x46: {  	v4 =	vmul.u32 $0x18, v43  }
0x47: {  	v3 =	vand.u32 $0x7, v3  }
0x48: {  	v3 =	vor.u32 v3, v4  }
0x49: {  	v4 =	vperm.xlane v3, v0;
	_ =	sdelay $0x1  }
0x4a: {  	v4 =	vadd.s32 v1, v4;
	_ =	sdelay $0x1  }
0x4b: {  	v3 =	vperm.xlane v3, v2;
	_ =	sdelay $0x1  }
0x4c: {  	s11 =	simm.s32 $0x5000;
	v3 =	vadd.s32 v1, v3  }
0x4d: {  	[tilespmem:s11], [sflag:$0x1] =	stream.indirect_vreg.gather [hbm4b:s2+s3], $0x80, v4, vm0, $0xb8;
	[tilespmem:$0x18800] =	vst v63  }
0x4e: {  	s12 =	simm.s32 $0x5800  }
0x4f: {  	[tilespmem:s12], [sflag:$0x1] =	stream.indirect_vreg.gather [hbm4b:s6+s3], $0x80, v4, vm1, $0xb8;
	[tilespmem:$0x18800] =	vst v63  }
0x50: {  	s17 =	simm.s32 $0x5C00  }
0x51: {  	[tilespmem:s17], [sflag:$0x1] =	stream.indirect_vreg.gather [hbm4b:s2+s3], $0x80, v3, vm0, $0xb8;
	[tilespmem:$0x18800] =	vst v63  }
0x52: {  	s23 =	simm.s32 $0x6400  }
0x53: {  	[tilespmem:s23], [sflag:$0x1] =	stream.indirect_vreg.gather [hbm4b:s6+s3], $0x80, v3, vm1, $0xb8;
	[tilespmem:$0x18800] =	vst v63  }
0x54: {  	v3 =	vld [tilespmem:$0x40];
	_ =	sdelay $0x4  }
0x55: {  	v44 =	vshrl.u32 v3, $0x3  }
0x56: {  	v4 =	vmul.u32 $0x18, v44  }
0x57: {  	v3 =	vand.u32 $0x7, v3  }
0x58: {  	v3 =	vor.u32 v3, v4  }
0x59: {  	v4 =	vperm.xlane v3, v0;
	_ =	sdelay $0x1  }
0x5a: {  	v4 =	vadd.s32 v1, v4;
	_ =	sdelay $0x1  }
0x5b: {  	v3 =	vperm.xlane v3, v2;
	_ =	sdelay $0x1  }
0x5c: {  	s24 =	simm.s32 $0x6800;
	v3 =	vadd.s32 v1, v3  }
0x5d: {  	[tilespmem:s24], [sflag:$0x1] =	stream.indirect_vreg.gather [hbm4b:s2+s3], $0x80, v4, vm0, $0xb8;
	[tilespmem:$0x18800] =	vst v63  }
0x5e: {  	s26 =	simm.s32 $0x7000  }
0x5f: {  	[tilespmem:s26], [sflag:$0x1] =	stream.indirect_vreg.gather [hbm4b:s6+s3], $0x80, v4, vm1, $0xb8;
	[tilespmem:$0x18800] =	vst v63  }
0x60: {  	s28 =	simm.s32 $0x7400  }
0x61: {  	[tilespmem:s28], [sflag:$0x1] =	stream.indirect_vreg.gather [hbm4b:s2+s3], $0x80, v3, vm0, $0xb8;
	[tilespmem:$0x18800] =	vst v63  }
0x62: {  	s29 =	simm.s32 $0x7C00  }
0x63: {  	[tilespmem:s29], [sflag:$0x1] =	stream.indirect_vreg.gather [hbm4b:s6+s3], $0x80, v3, vm1, $0xb8;
	[tilespmem:$0x18800] =	vst v63  }
0x64: {  	v3 =	vld [tilespmem:$0x50];
	_ =	sdelay $0x4  }
0x65: {  	v45 =	vshrl.u32 v3, $0x3  }
0x66: {  	v4 =	vmul.u32 $0x18, v45  }
0x67: {  	v3 =	vand.u32 $0x7, v3  }
0x68: {  	v3 =	vor.u32 v3, v4  }
0x69: {  	v4 =	vperm.xlane v3, v0;
	_ =	sdelay $0x1  }
0x6a: {  	v4 =	vadd.s32 v1, v4;
	_ =	sdelay $0x1  }
0x6b: {  	v3 =	vperm.xlane v3, v2;
	_ =	sdelay $0x1  }
0x6c: {  	s30 =	simm.s32 $0x8000;
	v3 =	vadd.s32 v1, v3  }
0x6d: {  	[tilespmem:s30], [sflag:$0x1] =	stream.indirect_vreg.gather [hbm4b:s2+s3], $0x80, v4, vm0, $0xb8;
	[tilespmem:$0x18800] =	vst v63  }
0x6e: {  	s4 =	simm.s32 $0x8800  }
0x6f: {  	[tilespmem:s4], [sflag:$0x1] =	stream.indirect_vreg.gather [hbm4b:s6+s3], $0x80, v4, vm1, $0xb8;
	[tilespmem:$0x18800] =	vst v63  }
0x70: {  	s10 =	simm.s32 $0x8C00  }
0x71: {  	[tilespmem:s10], [sflag:$0x1] =	stream.indirect_vreg.gather [hbm4b:s2+s3], $0x80, v3, vm0, $0xb8;
	[tilespmem:$0x18800] =	vst v63  }
0x72: {  	s23 =	simm.s32 $0x9400  }
0x73: {  	[tilespmem:s23], [sflag:$0x1] =	stream.indirect_vreg.gather [hbm4b:s6+s3], $0x80, v3, vm1, $0xb8;
	[tilespmem:$0x18800] =	vst v63  }
0x74: {  	v3 =	vld [tilespmem:$0x60];
	_ =	sdelay $0x4  }
0x75: {  	v46 =	vshrl.u32 v3, $0x3  }
0x76: {  	v4 =	vmul.u32 $0x18, v46  }
0x77: {  	v3 =	vand.u32 $0x7, v3  }
0x78: {  	v3 =	vor.u32 v3, v4  }
0x79: {  	v4 =	vperm.xlane v3, v0;
	_ =	sdelay $0x1  }
0x7a: {  	v4 =	vadd.s32 v1, v4;
	_ =	sdelay $0x1  }
0x7b: {  	v3 =	vperm.xlane v3, v2;
	_ =	sdelay $0x1  }
0x7c: {  	s24 =	simm.s32 $0x9800;
	v3 =	vadd.s32 v1, v3  }
0x7d: {  	[tilespmem:s24], [sflag:$0x1] =	stream.indirect_vreg.gather [hbm4b:s2+s3], $0x80, v4, vm0, $0xb8;
	[tilespmem:$0x18800] =	vst v63  }
0x7e: {  	s26 =	simm.s32 $0xA000  }
0x7f: {  	[tilespmem:s26], [sflag:$0x1] =	stream.indirect_vreg.gather [hbm4b:s6+s3], $0x80, v4, vm1, $0xb8;
	[tilespmem:$0x18800] =	vst v63  }
0x80: {  	s28 =	simm.s32 $0xA400  }
0x81: {  	[tilespmem:s28], [sflag:$0x1] =	stream.indirect_vreg.gather [hbm4b:s2+s3], $0x80, v3, vm0, $0xb8;
	[tilespmem:$0x18800] =	vst v63  }
0x82: {  	s29 =	simm.s32 $0xAC00  }
0x83: {  	[tilespmem:s29], [sflag:$0x1] =	stream.indirect_vreg.gather [hbm4b:s6+s3], $0x80, v3, vm1, $0xb8;
	[tilespmem:$0x18800] =	vst v63  }
0x84: {  	v3 =	vld.msk [tilespmem:$0x70], $0x1fff;
	_ =	sdelay $0x4  }
0x85: {  	v47 =	vshrl.u32 v3, $0x3  }
0x86: {  	v4 =	vmul.u32 $0x18, v47  }
0x87: {  	v3 =	vand.u32 $0x7, v3  }
0x88: {  	v3 =	vor.u32 v3, v4  }
0x89: {  	v4 =	vperm.xlane v3, v0;
	_ =	sdelay $0x1  }
0x8a: {  	v4 =	vadd.s32 v1, v4;
	_ =	sdelay $0x1  }
0x8b: {  	v3 =	vperm.xlane v3, v2;
	_ =	sdelay $0x1  }
0x8c: {  	s30 =	simm.s32 $0xB000;
	v3 =	vadd.s32 v1, v3  }
0x8d: {  	[tilespmem:s30], [sflag:$0x1] =	stream.indirect_vreg.gather [hbm4b:s2+s3], $0x80, v4, vm0, $0xb8;
	[tilespmem:$0x18800] =	vst v63  }
0x8e: {  	s23 =	simm.s32 $0xB800  }
0x8f: {  	[tilespmem:s23], [sflag:$0x1] =	stream.indirect_vreg.gather [hbm4b:s6+s3], $0x80, v4, vm1, $0xb8;
	[tilespmem:$0x18800] =	vst v63  }
0x90: {  	s24 =	simm.s32 $0xBC00  }
0x91: {  	[tilespmem:s24], [sflag:$0x1] =	stream.indirect_vreg.gather [hbm4b:s2+s3], $0x80, v3, vm2, $0xb8;
	[tilespmem:$0x18800] =	vst v63  }
0x92: {  	s26 =	simm.s32 $0xC400;
	s28 =	simm.s32 $0x1  }
0x93: {  	[tilespmem:s26], [sflag:$0x1] =	stream.indirect_vreg.gather [hbm4b:s6+s3], $0x80, v3, vm3, $0xb8;
	[tilespmem:$0x18800] =	vst v63  }
0x94: {  	_ =	swait.ge [sflag:s28], $0xBB80  }
0x95: {  	[sflag:s28] =	ssyncset.done $0x0  }
0x96: {  	[sflag:s28] =	ssyncadd.s32 $0xFFFF4480  }
0x97: {  	v3 =	vld [tilespmem:$0x80];
	_ =	sdelay $0x4  }
0x98: {  	v48 =	vshrl.u32 v3, $0x3  }
0x99: {  	v4 =	vmul.u32 $0x18, v48  }
0x9a: {  	v3 =	vand.u32 $0x7, v3  }
0x9b: {  	v3 =	vor.u32 v3, v4  }
0x9c: {  	v4 =	vperm.xlane v3, v0;
	_ =	sdelay $0x1  }
0x9d: {  	v4 =	vadd.s32 v1, v4;
	_ =	sdelay $0x1  }
0x9e: {  	v3 =	vperm.xlane v3, v2;
	_ =	sdelay $0x1  }
0x9f: {  	s29 =	simm.s32 $0xC800;
	v3 =	vadd.s32 v1, v3  }
0xa0: {  	[tilespmem:s29], [sflag:$0x2] =	stream.indirect_vreg.gather [hbm4b:s2+s3], $0x80, v4, vm0, $0xb8;
	[tilespmem:$0x18800] =	vst v63  }
0xa1: {  	s30 =	simm.s32 $0xD000  }
0xa2: {  	[tilespmem:s30], [sflag:$0x2] =	stream.indirect_vreg.gather [hbm4b:s6+s3], $0x80, v4, vm1, $0xb8;
	[tilespmem:$0x18800] =	vst v63  }
0xa3: {  	s23 =	simm.s32 $0xD400  }
0xa4: {  	[tilespmem:s23], [sflag:$0x2] =	stream.indirect_vreg.gather [hbm4b:s2+s3], $0x80, v3, vm0, $0xb8;
	[tilespmem:$0x18800] =	vst v63  }
0xa5: {  	s24 =	simm.s32 $0xDC00  }
0xa6: {  	[tilespmem:s24], [sflag:$0x2] =	stream.indirect_vreg.gather [hbm4b:s6+s3], $0x80, v3, vm1, $0xb8;
	[tilespmem:$0x18800] =	vst v63  }
0xa7: {  	v3 =	vld [tilespmem:$0x90];
	_ =	sdelay $0x4  }
0xa8: {  	v49 =	vshrl.u32 v3, $0x3  }
0xa9: {  	v4 =	vmul.u32 $0x18, v49  }
0xaa: {  	v3 =	vand.u32 $0x7, v3  }
0xab: {  	v3 =	vor.u32 v3, v4  }
0xac: {  	v4 =	vperm.xlane v3, v0;
	_ =	sdelay $0x1  }
0xad: {  	v4 =	vadd.s32 v1, v4;
	_ =	sdelay $0x1  }
0xae: {  	v3 =	vperm.xlane v3, v2;
	_ =	sdelay $0x1  }
0xaf: {  	s26 =	simm.s32 $0xE000;
	v3 =	vadd.s32 v1, v3  }
0xb0: {  	[tilespmem:s26], [sflag:$0x2] =	stream.indirect_vreg.gather [hbm4b:s2+s3], $0x80, v4, vm0, $0xb8;
	[tilespmem:$0x18800] =	vst v63  }
0xb1: {  	s28 =	simm.s32 $0xE800  }
0xb2: {  	[tilespmem:s28], [sflag:$0x2] =	stream.indirect_vreg.gather [hbm4b:s6+s3], $0x80, v4, vm1, $0xb8;
	[tilespmem:$0x18800] =	vst v63  }
0xb3: {  	s29 =	simm.s32 $0xEC00  }
0xb4: {  	[tilespmem:s29], [sflag:$0x2] =	stream.indirect_vreg.gather [hbm4b:s2+s3], $0x80, v3, vm0, $0xb8;
	[tilespmem:$0x18800] =	vst v63  }
0xb5: {  	s30 =	simm.s32 $0xF400  }
0xb6: {  	[tilespmem:s30], [sflag:$0x2] =	stream.indirect_vreg.gather [hbm4b:s6+s3], $0x80, v3, vm1, $0xb8;
	[tilespmem:$0x18800] =	vst v63  }
0xb7: {  	v3 =	vld [tilespmem:$0xA0];
	_ =	sdelay $0x4  }
0xb8: {  	v50 =	vshrl.u32 v3, $0x3  }
0xb9: {  	v4 =	vmul.u32 $0x18, v50  }
0xba: {  	v3 =	vand.u32 $0x7, v3  }
0xbb: {  	v3 =	vor.u32 v3, v4  }
0xbc: {  	v4 =	vperm.xlane v3, v0;
	_ =	sdelay $0x1  }
0xbd: {  	v4 =	vadd.s32 v1, v4;
	_ =	sdelay $0x1  }
0xbe: {  	v3 =	vperm.xlane v3, v2;
	_ =	sdelay $0x1  }
0xbf: {  	s23 =	simm.s32 $0xF800;
	v3 =	vadd.s32 v1, v3  }
0xc0: {  	[tilespmem:s23], [sflag:$0x2] =	stream.indirect_vreg.gather [hbm4b:s2+s3], $0x80, v4, vm0, $0xb8;
	[tilespmem:$0x18800] =	vst v63  }
0xc1: {  	s24 =	simm.s32 $0x10000  }
0xc2: {  	[tilespmem:s24], [sflag:$0x2] =	stream.indirect_vreg.gather [hbm4b:s6+s3], $0x80, v4, vm1, $0xb8;
	[tilespmem:$0x18800] =	vst v63  }
0xc3: {  	s26 =	simm.s32 $0x10400  }
0xc4: {  	[tilespmem:s26], [sflag:$0x2] =	stream.indirect_vreg.gather [hbm4b:s2+s3], $0x80, v3, vm0, $0xb8;
	[tilespmem:$0x18800] =	vst v63  }
0xc5: {  	s28 =	simm.s32 $0x10C00  }
0xc6: {  	[tilespmem:s28], [sflag:$0x2] =	stream.indirect_vreg.gather [hbm4b:s6+s3], $0x80, v3, vm1, $0xb8;
	[tilespmem:$0x18800] =	vst v63  }
0xc7: {  	v3 =	vld [tilespmem:$0xB0];
	_ =	sdelay $0x4  }
0xc8: {  	v51 =	vshrl.u32 v3, $0x3  }
0xc9: {  	v4 =	vmul.u32 $0x18, v51  }
0xca: {  	v3 =	vand.u32 $0x7, v3  }
0xcb: {  	v3 =	vor.u32 v3, v4  }
0xcc: {  	v4 =	vperm.xlane v3, v0;
	_ =	sdelay $0x1  }
0xcd: {  	v4 =	vadd.s32 v1, v4;
	_ =	sdelay $0x1  }
0xce: {  	v3 =	vperm.xlane v3, v2;
	_ =	sdelay $0x1  }
0xcf: {  	s29 =	simm.s32 $0x11000;
	v3 =	vadd.s32 v1, v3  }
0xd0: {  	[tilespmem:s29], [sflag:$0x2] =	stream.indirect_vreg.gather [hbm4b:s2+s3], $0x80, v4, vm0, $0xb8;
	[tilespmem:$0x18800] =	vst v63  }
0xd1: {  	s30 =	simm.s32 $0x11800  }
0xd2: {  	[tilespmem:s30], [sflag:$0x2] =	stream.indirect_vreg.gather [hbm4b:s6+s3], $0x80, v4, vm1, $0xb8;
	[tilespmem:$0x18800] =	vst v63  }
0xd3: {  	s23 =	simm.s32 $0x11C00  }
0xd4: {  	[tilespmem:s23], [sflag:$0x2] =	stream.indirect_vreg.gather [hbm4b:s2+s3], $0x80, v3, vm0, $0xb8;
	[tilespmem:$0x18800] =	vst v63  }
0xd5: {  	s24 =	simm.s32 $0x12400  }
0xd6: {  	[tilespmem:s24], [sflag:$0x2] =	stream.indirect_vreg.gather [hbm4b:s6+s3], $0x80, v3, vm1, $0xb8;
	[tilespmem:$0x18800] =	vst v63  }
0xd7: {  	v3 =	vld [tilespmem:$0xC0];
	_ =	sdelay $0x4  }
0xd8: {  	v52 =	vshrl.u32 v3, $0x3  }
0xd9: {  	v4 =	vmul.u32 $0x18, v52  }
0xda: {  	v3 =	vand.u32 $0x7, v3  }
0xdb: {  	v3 =	vor.u32 v3, v4  }
0xdc: {  	v4 =	vperm.xlane v3, v0;
	_ =	sdelay $0x1  }
0xdd: {  	v4 =	vadd.s32 v1, v4;
	_ =	sdelay $0x1  }
0xde: {  	v3 =	vperm.xlane v3, v2;
	_ =	sdelay $0x1  }
0xdf: {  	s26 =	simm.s32 $0x12800;
	v3 =	vadd.s32 v1, v3  }
0xe0: {  	[tilespmem:s26], [sflag:$0x2] =	stream.indirect_vreg.gather [hbm4b:s2+s3], $0x80, v4, vm0, $0xb8;
	[tilespmem:$0x18800] =	vst v63  }
0xe1: {  	s28 =	simm.s32 $0x13000  }
0xe2: {  	[tilespmem:s28], [sflag:$0x2] =	stream.indirect_vreg.gather [hbm4b:s6+s3], $0x80, v4, vm1, $0xb8;
	[tilespmem:$0x18800] =	vst v63  }
0xe3: {  	s29 =	simm.s32 $0x13400  }
0xe4: {  	[tilespmem:s29], [sflag:$0x2] =	stream.indirect_vreg.gather [hbm4b:s2+s3], $0x80, v3, vm0, $0xb8;
	[tilespmem:$0x18800] =	vst v63  }
0xe5: {  	s30 =	simm.s32 $0x13C00  }
0xe6: {  	[tilespmem:s30], [sflag:$0x2] =	stream.indirect_vreg.gather [hbm4b:s6+s3], $0x80, v3, vm1, $0xb8;
	[tilespmem:$0x18800] =	vst v63  }
0xe7: {  	v3 =	vld [tilespmem:$0xD0];
	_ =	sdelay $0x4  }
0xe8: {  	v53 =	vshrl.u32 v3, $0x3  }
0xe9: {  	v4 =	vmul.u32 $0x18, v53  }
0xea: {  	v3 =	vand.u32 $0x7, v3  }
0xeb: {  	v3 =	vor.u32 v3, v4  }
0xec: {  	v4 =	vperm.xlane v3, v0;
	_ =	sdelay $0x1  }
0xed: {  	v4 =	vadd.s32 v1, v4;
	_ =	sdelay $0x1  }
0xee: {  	v3 =	vperm.xlane v3, v2;
	_ =	sdelay $0x1  }
0xef: {  	s23 =	simm.s32 $0x14000;
	v3 =	vadd.s32 v1, v3  }
0xf0: {  	[tilespmem:s23], [sflag:$0x2] =	stream.indirect_vreg.gather [hbm4b:s2+s3], $0x80, v4, vm0, $0xb8;
	[tilespmem:$0x18800] =	vst v63  }
0xf1: {  	s24 =	simm.s32 $0x14800  }
0xf2: {  	[tilespmem:s24], [sflag:$0x2] =	stream.indirect_vreg.gather [hbm4b:s6+s3], $0x80, v4, vm1, $0xb8;
	[tilespmem:$0x18800] =	vst v63  }
0xf3: {  	s26 =	simm.s32 $0x14C00  }
0xf4: {  	[tilespmem:s26], [sflag:$0x2] =	stream.indirect_vreg.gather [hbm4b:s2+s3], $0x80, v3, vm0, $0xb8;
	[tilespmem:$0x18800] =	vst v63  }
0xf5: {  	s28 =	simm.s32 $0x15400  }
0xf6: {  	[tilespmem:s28], [sflag:$0x2] =	stream.indirect_vreg.gather [hbm4b:s6+s3], $0x80, v3, vm1, $0xb8;
	[tilespmem:$0x18800] =	vst v63  }
0xf7: {  	v3 =	vld [tilespmem:$0xE0];
	_ =	sdelay $0x4  }
0xf8: {  	v54 =	vshrl.u32 v3, $0x3  }
0xf9: {  	v4 =	vmul.u32 $0x18, v54  }
0xfa: {  	v3 =	vand.u32 $0x7, v3  }
0xfb: {  	v3 =	vor.u32 v3, v4  }
0xfc: {  	v4 =	vperm.xlane v3, v0;
	_ =	sdelay $0x1  }
0xfd: {  	v4 =	vadd.s32 v1, v4;
	_ =	sdelay $0x1  }
0xfe: {  	v3 =	vperm.xlane v3, v2;
	_ =	sdelay $0x1  }
0xff: {  	s29 =	simm.s32 $0x15800;
	v3 =	vadd.s32 v1, v3  }
0x100: {  	[tilespmem:s29], [sflag:$0x2] =	stream.indirect_vreg.gather [hbm4b:s2+s3], $0x80, v4, vm0, $0xb8;
	[tilespmem:$0x18800] =	vst v63  }
0x101: {  	s30 =	simm.s32 $0x16000  }
0x102: {  	[tilespmem:s30], [sflag:$0x2] =	stream.indirect_vreg.gather [hbm4b:s6+s3], $0x80, v4, vm1, $0xb8;
	[tilespmem:$0x18800] =	vst v63  }
0x103: {  	s23 =	simm.s32 $0x16400  }
0x104: {  	[tilespmem:s23], [sflag:$0x2] =	stream.indirect_vreg.gather [hbm4b:s2+s3], $0x80, v3, vm0, $0xb8;
	[tilespmem:$0x18800] =	vst v63  }
0x105: {  	s24 =	simm.s32 $0x16C00  }
0x106: {  	[tilespmem:s24], [sflag:$0x2] =	stream.indirect_vreg.gather [hbm4b:s6+s3], $0x80, v3, vm1, $0xb8;
	[tilespmem:$0x18800] =	vst v63  }
0x107: {  	v3 =	vld.msk [tilespmem:$0xF0], $0x1fff;
	_ =	sdelay $0x4  }
0x108: {  	v55 =	vshrl.u32 v3, $0x3  }
0x109: {  	v4 =	vmul.u32 $0x18, v55  }
0x10a: {  	v3 =	vand.u32 $0x7, v3  }
0x10b: {  	v3 =	vor.u32 v3, v4  }
0x10c: {  	v4 =	vperm.xlane v3, v0;
	_ =	sdelay $0x1  }
0x10d: {  	v4 =	vadd.s32 v1, v4;
	_ =	sdelay $0x1  }
0x10e: {  	v3 =	vperm.xlane v3, v2;
	_ =	sdelay $0x1  }
0x10f: {  	s26 =	simm.s32 $0x17000;
	v3 =	vadd.s32 v1, v3  }
0x110: {  	[tilespmem:s26], [sflag:$0x2] =	stream.indirect_vreg.gather [hbm4b:s2+s3], $0x80, v4, vm0, $0xb8;
	[tilespmem:$0x18800] =	vst v63  }
0x111: {  	s28 =	simm.s32 $0x17800  }
0x112: {  	[tilespmem:s28], [sflag:$0x2] =	stream.indirect_vreg.gather [hbm4b:s6+s3], $0x80, v4, vm1, $0xb8;
	[tilespmem:$0x18800] =	vst v63  }
0x113: {  	s29 =	simm.s32 $0x17C00  }
0x114: {  	[tilespmem:s29], [sflag:$0x2] =	stream.indirect_vreg.gather [hbm4b:s2+s3], $0x80, v3, vm2, $0xb8;
	[tilespmem:$0x18800] =	vst v63  }
0x115: {  	s30 =	simm.s32 $0x18400  }
0x116: {  	[tilespmem:s30], [sflag:$0x2] =	stream.indirect_vreg.gather [hbm4b:s6+s3], $0x80, v3, vm3, $0xb8;
	[tilespmem:$0x18800] =	vst v63  }
0x117: {  	v3 =	vld [tilespmem:$0x400];
	_ =	sdelay $0x4  }
0x118: {  	v56 =	vshrl.u32 v3, $0x3  }
0x119: {  	v4 =	vmul.u32 $0x18, v56  }
0x11a: {  	v3 =	vand.u32 $0x7, v3  }
0x11b: {  	v3 =	vor.u32 v3, v4  }
0x11c: {  	v4 =	vperm.xlane v3, v0;
	_ =	sdelay $0x1  }
0x11d: {  	v4 =	vadd.s32 v1, v4;
	_ =	sdelay $0x1  }
0x11e: {  	v3 =	vperm.xlane v3, v2;
	_ =	sdelay $0x1  }
0x11f: {  	s18 =	simm.s32 $0x800;
	v3 =	vadd.s32 v1, v3  }
0x120: {  	[hbm4b:s5+s3] =	stream.indirect_vreg.scatter [tilespmem:s18], [sflag:$0x3], $0x80, v4, vm0, $0xb8;
	[tilespmem:$0x18800] =	vst v63  }
0x121: {  	s19 =	simm.s32 $0x1000  }
0x122: {  	[hbm4b:s7+s3] =	stream.indirect_vreg.scatter [tilespmem:s19], [sflag:$0x3], $0x80, v4, vm1, $0xb8;
	[tilespmem:$0x18800] =	vst v63  }
0x123: {  	s20 =	simm.s32 $0x1400  }
0x124: {  	[hbm4b:s5+s3] =	stream.indirect_vreg.scatter [tilespmem:s20], [sflag:$0x3], $0x80, v3, vm0, $0xb8;
	[tilespmem:$0x18800] =	vst v63  }
0x125: {  	s22 =	simm.s32 $0x1C00  }
0x126: {  	[hbm4b:s7+s3] =	stream.indirect_vreg.scatter [tilespmem:s22], [sflag:$0x3], $0x80, v3, vm1, $0xb8;
	[tilespmem:$0x18800] =	vst v63  }
0x127: {  	v3 =	vld [tilespmem:$0x410];
	_ =	sdelay $0x4  }
0x128: {  	v57 =	vshrl.u32 v3, $0x3  }
0x129: {  	v4 =	vmul.u32 $0x18, v57  }
0x12a: {  	v3 =	vand.u32 $0x7, v3  }
0x12b: {  	v3 =	vor.u32 v3, v4  }
0x12c: {  	v4 =	vperm.xlane v3, v0;
	_ =	sdelay $0x1  }
0x12d: {  	v4 =	vadd.s32 v1, v4;
	_ =	sdelay $0x1  }
0x12e: {  	v3 =	vperm.xlane v3, v2;
	_ =	sdelay $0x1  }
0x12f: {  	s1 =	simm.s32 $0x2000;
	v3 =	vadd.s32 v1, v3  }
0x130: {  	[hbm4b:s5+s3] =	stream.indirect_vreg.scatter [tilespmem:s1], [sflag:$0x3], $0x80, v4, vm0, $0xb8;
	[tilespmem:$0x18800] =	vst v63  }
0x131: {  	s13 =	simm.s32 $0x2800  }
0x132: {  	[hbm4b:s7+s3] =	stream.indirect_vreg.scatter [tilespmem:s13], [sflag:$0x3], $0x80, v4, vm1, $0xb8;
	[tilespmem:$0x18800] =	vst v63  }
0x133: {  	s14 =	simm.s32 $0x2C00  }
0x134: {  	[hbm4b:s5+s3] =	stream.indirect_vreg.scatter [tilespmem:s14], [sflag:$0x3], $0x80, v3, vm0, $0xb8;
	[tilespmem:$0x18800] =	vst v63  }
0x135: {  	s25 =	simm.s32 $0x3400  }
0x136: {  	[hbm4b:s7+s3] =	stream.indirect_vreg.scatter [tilespmem:s25], [sflag:$0x3], $0x80, v3, vm1, $0xb8;
	[tilespmem:$0x18800] =	vst v63  }
0x137: {  	v3 =	vld [tilespmem:$0x420];
	_ =	sdelay $0x4  }
0x138: {  	v58 =	vshrl.u32 v3, $0x3  }
0x139: {  	v4 =	vmul.u32 $0x18, v58  }
0x13a: {  	v3 =	vand.u32 $0x7, v3  }
0x13b: {  	v3 =	vor.u32 v3, v4  }
0x13c: {  	v4 =	vperm.xlane v3, v0;
	_ =	sdelay $0x1  }
0x13d: {  	v4 =	vadd.s32 v1, v4;
	_ =	sdelay $0x1  }
0x13e: {  	v3 =	vperm.xlane v3, v2;
	_ =	sdelay $0x1  }
0x13f: {  	s15 =	simm.s32 $0x3800;
	v3 =	vadd.s32 v1, v3  }
0x140: {  	[hbm4b:s5+s3] =	stream.indirect_vreg.scatter [tilespmem:s15], [sflag:$0x3], $0x80, v4, vm0, $0xb8;
	[tilespmem:$0x18800] =	vst v63  }
0x141: {  	s16 =	simm.s32 $0x4000  }
0x142: {  	[hbm4b:s7+s3] =	stream.indirect_vreg.scatter [tilespmem:s16], [sflag:$0x3], $0x80, v4, vm1, $0xb8;
	[tilespmem:$0x18800] =	vst v63  }
0x143: {  	s1 =	simm.s32 $0x4400  }
0x144: {  	[hbm4b:s5+s3] =	stream.indirect_vreg.scatter [tilespmem:s1], [sflag:$0x3], $0x80, v3, vm0, $0xb8;
	[tilespmem:$0x18800] =	vst v63  }
0x145: {  	s21 =	simm.s32 $0x4C00  }
0x146: {  	[hbm4b:s7+s3] =	stream.indirect_vreg.scatter [tilespmem:s21], [sflag:$0x3], $0x80, v3, vm1, $0xb8;
	[tilespmem:$0x18800] =	vst v63  }
0x147: {  	v3 =	vld [tilespmem:$0x430];
	_ =	sdelay $0x4  }
0x148: {  	v59 =	vshrl.u32 v3, $0x3  }
0x149: {  	v4 =	vmul.u32 $0x18, v59  }
0x14a: {  	v3 =	vand.u32 $0x7, v3  }
0x14b: {  	v3 =	vor.u32 v3, v4  }
0x14c: {  	v4 =	vperm.xlane v3, v0;
	_ =	sdelay $0x1  }
0x14d: {  	v4 =	vadd.s32 v1, v4;
	_ =	sdelay $0x1  }
0x14e: {  	v3 =	vperm.xlane v3, v2;
	_ =	sdelay $0x1  }
0x14f: {  	s31 =	simm.s32 $0x5000;
	v3 =	vadd.s32 v1, v3  }
0x150: {  	[hbm4b:s5+s3] =	stream.indirect_vreg.scatter [tilespmem:s31], [sflag:$0x3], $0x80, v4, vm0, $0xb8;
	[tilespmem:$0x18800] =	vst v63  }
0x151: {  	s8 =	simm.s32 $0x5800  }
0x152: {  	[hbm4b:s7+s3] =	stream.indirect_vreg.scatter [tilespmem:s8], [sflag:$0x3], $0x80, v4, vm1, $0xb8;
	[tilespmem:$0x18800] =	vst v63  }
0x153: {  	s18 =	simm.s32 $0x5C00  }
0x154: {  	[hbm4b:s5+s3] =	stream.indirect_vreg.scatter [tilespmem:s18], [sflag:$0x3], $0x80, v3, vm0, $0xb8;
	[tilespmem:$0x18800] =	vst v63  }
0x155: {  	s8 =	simm.s32 $0x6400  }
0x156: {  	[hbm4b:s7+s3] =	stream.indirect_vreg.scatter [tilespmem:s8], [sflag:$0x3], $0x80, v3, vm1, $0xb8;
	[tilespmem:$0x18800] =	vst v63  }
0x157: {  	v3 =	vld [tilespmem:$0x440];
	_ =	sdelay $0x4  }
0x158: {  	v60 =	vshrl.u32 v3, $0x3  }
0x159: {  	v4 =	vmul.u32 $0x18, v60  }
0x15a: {  	v3 =	vand.u32 $0x7, v3  }
0x15b: {  	v3 =	vor.u32 v3, v4  }
0x15c: {  	v4 =	vperm.xlane v3, v0;
	_ =	sdelay $0x1  }
0x15d: {  	v4 =	vadd.s32 v1, v4;
	_ =	sdelay $0x1  }
0x15e: {  	v3 =	vperm.xlane v3, v2;
	_ =	sdelay $0x1  }
0x15f: {  	s19 =	simm.s32 $0x6800;
	v3 =	vadd.s32 v1, v3  }
0x160: {  	[hbm4b:s5+s3] =	stream.indirect_vreg.scatter [tilespmem:s19], [sflag:$0x3], $0x80, v4, vm0, $0xb8;
	[tilespmem:$0x18800] =	vst v63  }
0x161: {  	s11 =	simm.s32 $0x7000  }
0x162: {  	[hbm4b:s7+s3] =	stream.indirect_vreg.scatter [tilespmem:s11], [sflag:$0x3], $0x80, v4, vm1, $0xb8;
	[tilespmem:$0x18800] =	vst v63  }
0x163: {  	s12 =	simm.s32 $0x7400  }
0x164: {  	[hbm4b:s5+s3] =	stream.indirect_vreg.scatter [tilespmem:s12], [sflag:$0x3], $0x80, v3, vm0, $0xb8;
	[tilespmem:$0x18800] =	vst v63  }
0x165: {  	s9 =	simm.s32 $0x7C00  }
0x166: {  	[hbm4b:s7+s3] =	stream.indirect_vreg.scatter [tilespmem:s9], [sflag:$0x3], $0x80, v3, vm1, $0xb8;
	[tilespmem:$0x18800] =	vst v63  }
0x167: {  	v3 =	vld [tilespmem:$0x450];
	_ =	sdelay $0x4  }
0x168: {  	v61 =	vshrl.u32 v3, $0x3  }
0x169: {  	v4 =	vmul.u32 $0x18, v61  }
0x16a: {  	v3 =	vand.u32 $0x7, v3  }
0x16b: {  	v3 =	vor.u32 v3, v4  }
0x16c: {  	v4 =	vperm.xlane v3, v0;
	_ =	sdelay $0x1  }
0x16d: {  	v4 =	vadd.s32 v1, v4;
	_ =	sdelay $0x1  }
0x16e: {  	v3 =	vperm.xlane v3, v2;
	_ =	sdelay $0x1  }
0x16f: {  	s17 =	simm.s32 $0x8000;
	v3 =	vadd.s32 v1, v3  }
0x170: {  	[hbm4b:s5+s3] =	stream.indirect_vreg.scatter [tilespmem:s17], [sflag:$0x3], $0x80, v4, vm0, $0xb8;
	[tilespmem:$0x18800] =	vst v63  }
0x171: {  	s20 =	simm.s32 $0x8800  }
0x172: {  	[hbm4b:s7+s3] =	stream.indirect_vreg.scatter [tilespmem:s20], [sflag:$0x3], $0x80, v4, vm1, $0xb8;
	[tilespmem:$0x18800] =	vst v63  }
0x173: {  	s21 =	simm.s32 $0x8C00  }
0x174: {  	[hbm4b:s5+s3] =	stream.indirect_vreg.scatter [tilespmem:s21], [sflag:$0x3], $0x80, v3, vm0, $0xb8;
	[tilespmem:$0x18800] =	vst v63  }
0x175: {  	s4 =	simm.s32 $0x9400  }
0x176: {  	[hbm4b:s7+s3] =	stream.indirect_vreg.scatter [tilespmem:s4], [sflag:$0x3], $0x80, v3, vm1, $0xb8;
	[tilespmem:$0x18800] =	vst v63  }
0x177: {  	v3 =	vld [tilespmem:$0x460];
	_ =	sdelay $0x4  }
0x178: {  	v62 =	vshrl.u32 v3, $0x3  }
0x179: {  	v4 =	vmul.u32 $0x18, v62  }
0x17a: {  	v3 =	vand.u32 $0x7, v3  }
0x17b: {  	v3 =	vor.u32 v3, v4  }
0x17c: {  	v4 =	vperm.xlane v3, v0;
	_ =	sdelay $0x1  }
0x17d: {  	v4 =	vadd.s32 v1, v4;
	_ =	sdelay $0x1  }
0x17e: {  	v3 =	vperm.xlane v3, v2;
	_ =	sdelay $0x1  }
0x17f: {  	s17 =	simm.s32 $0x9800;
	v3 =	vadd.s32 v1, v3  }
0x180: {  	[hbm4b:s5+s3] =	stream.indirect_vreg.scatter [tilespmem:s17], [sflag:$0x3], $0x80, v4, vm0, $0xb8;
	[tilespmem:$0x18800] =	vst v63  }
0x181: {  	s4 =	simm.s32 $0xA000  }
0x182: {  	[hbm4b:s7+s3] =	stream.indirect_vreg.scatter [tilespmem:s4], [sflag:$0x3], $0x80, v4, vm1, $0xb8;
	[tilespmem:$0x18800] =	vst v63  }
0x183: {  	s9 =	simm.s32 $0xA400  }
0x184: {  	[hbm4b:s5+s3] =	stream.indirect_vreg.scatter [tilespmem:s9], [sflag:$0x3], $0x80, v3, vm0, $0xb8;
	[tilespmem:$0x18800] =	vst v63  }
0x185: {  	s10 =	simm.s32 $0xAC00  }
0x186: {  	[hbm4b:s7+s3] =	stream.indirect_vreg.scatter [tilespmem:s10], [sflag:$0x3], $0x80, v3, vm1, $0xb8;
	[tilespmem:$0x18800] =	vst v63  }
0x187: {  	v3 =	vld.msk [tilespmem:$0x470], $0x1fff;
	_ =	sdelay $0x4  }
0x188: {  	v63 =	vshrl.u32 v3, $0x3  }
0x189: {  	v4 =	vmul.u32 $0x18, v63  }
0x18a: {  	v3 =	vand.u32 $0x7, v3  }
0x18b: {  	v3 =	vor.u32 v3, v4  }
0x18c: {  	v4 =	vperm.xlane v3, v0;
	_ =	sdelay $0x1  }
0x18d: {  	v4 =	vadd.s32 v1, v4;
	_ =	sdelay $0x1  }
0x18e: {  	v3 =	vperm.xlane v3, v2;
	_ =	sdelay $0x1  }
0x18f: {  	s10 =	simm.s32 $0xB000;
	v3 =	vadd.s32 v1, v3  }
0x190: {  	[hbm4b:s5+s3] =	stream.indirect_vreg.scatter [tilespmem:s10], [sflag:$0x3], $0x80, v4, vm0, $0xb8;
	[tilespmem:$0x18800] =	vst v63  }
0x191: {  	s11 =	simm.s32 $0xB800  }
0x192: {  	[hbm4b:s7+s3] =	stream.indirect_vreg.scatter [tilespmem:s11], [sflag:$0x3], $0x80, v4, vm1, $0xb8;
	[tilespmem:$0x18800] =	vst v63  }
0x193: {  	s12 =	simm.s32 $0xBC00  }
0x194: {  	[hbm4b:s5+s3] =	stream.indirect_vreg.scatter [tilespmem:s12], [sflag:$0x3], $0x80, v3, vm2, $0xb8;
	[tilespmem:$0x18800] =	vst v63  }
0x195: {  	s0 =	simm.s32 $0xC400  }
0x196: {  	[hbm4b:s7+s3] =	stream.indirect_vreg.scatter [tilespmem:s0], [sflag:$0x3], $0x80, v3, vm3, $0xb8;
	[tilespmem:$0x18800] =	vst v63  }
0x197: {  	s0 =	simm.s32 $0x2  }
0x198: {  	_ =	swait.ge [sflag:s0], $0xBB80  }
0x199: {  	[sflag:s0] =	ssyncset.done $0x0  }
0x19a: {  	[sflag:s0] =	ssyncadd.s32 $0xFFFF4480;
	s0 =	simm.s32 $0x3  }
0x19b: {  	_ =	swait.ge [sflag:s0], $0xBB80  }
0x19c: {  	[sflag:s0] =	ssyncset.done $0x0  }
0x19d: {  	[sflag:s0] =	ssyncadd.s32 $0xFFFF4480  }
0x19e: {  	v3 =	vld [tilespmem:$0x100];
	_ =	sdelay $0x4  }
0x19f: {  	v8 =	vshrl.u32 v3, $0x3  }
0x1a0: {  	v4 =	vmul.u32 $0x18, v8  }
0x1a1: {  	v3 =	vand.u32 $0x7, v3  }
0x1a2: {  	v3 =	vor.u32 v3, v4  }
0x1a3: {  	v4 =	vperm.xlane v3, v0;
	_ =	sdelay $0x1  }
0x1a4: {  	v4 =	vadd.s32 v1, v4;
	_ =	sdelay $0x1  }
0x1a5: {  	v3 =	vperm.xlane v3, v2;
	_ =	sdelay $0x1  }
0x1a6: {  	s26 =	simm.s32 $0x800;
	v3 =	vadd.s32 v1, v3  }
0x1a7: {  	[tilespmem:s26], [sflag:$0x1] =	stream.indirect_vreg.gather [hbm4b:s2+s3], $0x80, v4, vm0, $0xb8;
	[tilespmem:$0x18800] =	vst v63  }
0x1a8: {  	s28 =	simm.s32 $0x1000  }
0x1a9: {  	[tilespmem:s28], [sflag:$0x1] =	stream.indirect_vreg.gather [hbm4b:s6+s3], $0x80, v4, vm1, $0xb8;
	[tilespmem:$0x18800] =	vst v63  }
0x1aa: {  	s29 =	simm.s32 $0x1400  }
0x1ab: {  	[tilespmem:s29], [sflag:$0x1] =	stream.indirect_vreg.gather [hbm4b:s2+s3], $0x80, v3, vm0, $0xb8;
	[tilespmem:$0x18800] =	vst v63  }
0x1ac: {  	s26 =	simm.s32 $0x1C00  }
0x1ad: {  	[tilespmem:s26], [sflag:$0x1] =	stream.indirect_vreg.gather [hbm4b:s6+s3], $0x80, v3, vm1, $0xb8;
	[tilespmem:$0x18800] =	vst v63  }
0x1ae: {  	v3 =	vld [tilespmem:$0x110];
	_ =	sdelay $0x4  }
0x1af: {  	v9 =	vshrl.u32 v3, $0x3  }
0x1b0: {  	v4 =	vmul.u32 $0x18, v9  }
0x1b1: {  	v3 =	vand.u32 $0x7, v3  }
0x1b2: {  	v3 =	vor.u32 v3, v4  }
0x1b3: {  	v4 =	vperm.xlane v3, v0;
	_ =	sdelay $0x1  }
0x1b4: {  	v4 =	vadd.s32 v1, v4;
	_ =	sdelay $0x1  }
0x1b5: {  	v3 =	vperm.xlane v3, v2;
	_ =	sdelay $0x1  }
0x1b6: {  	s22 =	simm.s32 $0x2000;
	v3 =	vadd.s32 v1, v3  }
0x1b7: {  	[tilespmem:s22], [sflag:$0x1] =	stream.indirect_vreg.gather [hbm4b:s2+s3], $0x80, v4, vm0, $0xb8;
	[tilespmem:$0x18800] =	vst v63  }
0x1b8: {  	s23 =	simm.s32 $0x2800  }
0x1b9: {  	[tilespmem:s23], [sflag:$0x1] =	stream.indirect_vreg.gather [hbm4b:s6+s3], $0x80, v4, vm1, $0xb8;
	[tilespmem:$0x18800] =	vst v63  }
0x1ba: {  	s24 =	simm.s32 $0x2C00  }
0x1bb: {  	[tilespmem:s24], [sflag:$0x1] =	stream.indirect_vreg.gather [hbm4b:s2+s3], $0x80, v3, vm0, $0xb8;
	[tilespmem:$0x18800] =	vst v63  }
0x1bc: {  	s28 =	simm.s32 $0x3400  }
0x1bd: {  	[tilespmem:s28], [sflag:$0x1] =	stream.indirect_vreg.gather [hbm4b:s6+s3], $0x80, v3, vm1, $0xb8;
	[tilespmem:$0x18800] =	vst v63  }
0x1be: {  	v3 =	vld [tilespmem:$0x120];
	_ =	sdelay $0x4  }
0x1bf: {  	v10 =	vshrl.u32 v3, $0x3  }
0x1c0: {  	v4 =	vmul.u32 $0x18, v10  }
0x1c1: {  	v3 =	vand.u32 $0x7, v3  }
0x1c2: {  	v3 =	vor.u32 v3, v4  }
0x1c3: {  	v4 =	vperm.xlane v3, v0;
	_ =	sdelay $0x1  }
0x1c4: {  	v4 =	vadd.s32 v1, v4;
	_ =	sdelay $0x1  }
0x1c5: {  	v3 =	vperm.xlane v3, v2;
	_ =	sdelay $0x1  }
0x1c6: {  	s25 =	simm.s32 $0x3800;
	v3 =	vadd.s32 v1, v3  }
0x1c7: {  	[tilespmem:s25], [sflag:$0x1] =	stream.indirect_vreg.gather [hbm4b:s2+s3], $0x80, v4, vm0, $0xb8;
	[tilespmem:$0x18800] =	vst v63  }
0x1c8: {  	s29 =	simm.s32 $0x4000  }
0x1c9: {  	[tilespmem:s29], [sflag:$0x1] =	stream.indirect_vreg.gather [hbm4b:s6+s3], $0x80, v4, vm1, $0xb8;
	[tilespmem:$0x18800] =	vst v63  }
0x1ca: {  	_ = 	snop  }
0x1cb: {  	[tilespmem:s1], [sflag:$0x1] =	stream.indirect_vreg.gather [hbm4b:s2+s3], $0x80, v3, vm0, $0xb8;
	[tilespmem:$0x18800] =	vst v63  }
0x1cc: {  	s30 =	simm.s32 $0x4C00  }
0x1cd: {  	[tilespmem:s30], [sflag:$0x1] =	stream.indirect_vreg.gather [hbm4b:s6+s3], $0x80, v3, vm1, $0xb8;
	[tilespmem:$0x18800] =	vst v63  }
0x1ce: {  	v3 =	vld [tilespmem:$0x130];
	_ =	sdelay $0x4  }
0x1cf: {  	v11 =	vshrl.u32 v3, $0x3  }
0x1d0: {  	v4 =	vmul.u32 $0x18, v11  }
0x1d1: {  	v3 =	vand.u32 $0x7, v3  }
0x1d2: {  	v3 =	vor.u32 v3, v4  }
0x1d3: {  	v4 =	vperm.xlane v3, v0;
	_ =	sdelay $0x1  }
0x1d4: {  	v4 =	vadd.s32 v1, v4;
	_ =	sdelay $0x1  }
0x1d5: {  	v3 =	vperm.xlane v3, v2;
	_ =	sdelay $0x1  }
0x1d6: {  	s13 =	simm.s32 $0x5000;
	v3 =	vadd.s32 v1, v3  }
0x1d7: {  	[tilespmem:s13], [sflag:$0x1] =	stream.indirect_vreg.gather [hbm4b:s2+s3], $0x80, v4, vm0, $0xb8;
	[tilespmem:$0x18800] =	vst v63  }
0x1d8: {  	s14 =	simm.s32 $0x5800  }
0x1d9: {  	[tilespmem:s14], [sflag:$0x1] =	stream.indirect_vreg.gather [hbm4b:s6+s3], $0x80, v4, vm1, $0xb8;
	[tilespmem:$0x18800] =	vst v63  }
0x1da: {  	s14 =	simm.s32 $0x5C00  }
0x1db: {  	[tilespmem:s14], [sflag:$0x1] =	stream.indirect_vreg.gather [hbm4b:s2+s3], $0x80, v3, vm0, $0xb8;
	[tilespmem:$0x18800] =	vst v63  }
0x1dc: {  	_ = 	snop  }
0x1dd: {  	[tilespmem:s8], [sflag:$0x1] =	stream.indirect_vreg.gather [hbm4b:s6+s3], $0x80, v3, vm1, $0xb8;
	[tilespmem:$0x18800] =	vst v63  }
0x1de: {  	v3 =	vld [tilespmem:$0x140];
	_ =	sdelay $0x4  }
0x1df: {  	v12 =	vshrl.u32 v3, $0x3  }
0x1e0: {  	v4 =	vmul.u32 $0x18, v12  }
0x1e1: {  	v3 =	vand.u32 $0x7, v3  }
0x1e2: {  	v3 =	vor.u32 v3, v4  }
0x1e3: {  	v4 =	vperm.xlane v3, v0;
	_ =	sdelay $0x1  }
0x1e4: {  	v4 =	vadd.s32 v1, v4;
	_ =	sdelay $0x1  }
0x1e5: {  	v3 =	vperm.xlane v3, v2;
	_ =	sdelay $0x1  }
0x1e6: {  	s15 =	simm.s32 $0x6800;
	v3 =	vadd.s32 v1, v3  }
0x1e7: {  	[tilespmem:s15], [sflag:$0x1] =	stream.indirect_vreg.gather [hbm4b:s2+s3], $0x80, v4, vm0, $0xb8;
	[tilespmem:$0x18800] =	vst v63  }
0x1e8: {  	s16 =	simm.s32 $0x7000  }
0x1e9: {  	[tilespmem:s16], [sflag:$0x1] =	stream.indirect_vreg.gather [hbm4b:s6+s3], $0x80, v4, vm1, $0xb8;
	[tilespmem:$0x18800] =	vst v63  }
0x1ea: {  	s18 =	simm.s32 $0x7400  }
0x1eb: {  	[tilespmem:s18], [sflag:$0x1] =	stream.indirect_vreg.gather [hbm4b:s2+s3], $0x80, v3, vm0, $0xb8;
	[tilespmem:$0x18800] =	vst v63  }
0x1ec: {  	s22 =	simm.s32 $0x7C00  }
0x1ed: {  	[tilespmem:s22], [sflag:$0x1] =	stream.indirect_vreg.gather [hbm4b:s6+s3], $0x80, v3, vm1, $0xb8;
	[tilespmem:$0x18800] =	vst v63  }
0x1ee: {  	v3 =	vld [tilespmem:$0x150];
	_ =	sdelay $0x4  }
0x1ef: {  	v13 =	vshrl.u32 v3, $0x3  }
0x1f0: {  	v4 =	vmul.u32 $0x18, v13  }
0x1f1: {  	v3 =	vand.u32 $0x7, v3  }
0x1f2: {  	v3 =	vor.u32 v3, v4  }
0x1f3: {  	v4 =	vperm.xlane v3, v0;
	_ =	sdelay $0x1  }
0x1f4: {  	v4 =	vadd.s32 v1, v4;
	_ =	sdelay $0x1  }
0x1f5: {  	v3 =	vperm.xlane v3, v2;
	_ =	sdelay $0x1  }
0x1f6: {  	s19 =	simm.s32 $0x8000;
	v3 =	vadd.s32 v1, v3  }
0x1f7: {  	[tilespmem:s19], [sflag:$0x1] =	stream.indirect_vreg.gather [hbm4b:s2+s3], $0x80, v4, vm0, $0xb8;
	[tilespmem:$0x18800] =	vst v63  }
0x1f8: {  	s20 =	simm.s32 $0x8800  }
0x1f9: {  	[tilespmem:s20], [sflag:$0x1] =	stream.indirect_vreg.gather [hbm4b:s6+s3], $0x80, v4, vm1, $0xb8;
	[tilespmem:$0x18800] =	vst v63  }
0x1fa: {  	s21 =	simm.s32 $0x8C00  }
0x1fb: {  	[tilespmem:s21], [sflag:$0x1] =	stream.indirect_vreg.gather [hbm4b:s2+s3], $0x80, v3, vm0, $0xb8;
	[tilespmem:$0x18800] =	vst v63  }
0x1fc: {  	s31 =	simm.s32 $0x9400  }
0x1fd: {  	[tilespmem:s31], [sflag:$0x1] =	stream.indirect_vreg.gather [hbm4b:s6+s3], $0x80, v3, vm1, $0xb8;
	[tilespmem:$0x18800] =	vst v63  }
0x1fe: {  	v3 =	vld [tilespmem:$0x160];
	_ =	sdelay $0x4  }
0x1ff: {  	v14 =	vshrl.u32 v3, $0x3  }
0x200: {  	v4 =	vmul.u32 $0x18, v14  }
0x201: {  	v3 =	vand.u32 $0x7, v3  }
0x202: {  	v3 =	vor.u32 v3, v4  }
0x203: {  	v4 =	vperm.xlane v3, v0;
	_ =	sdelay $0x1  }
0x204: {  	v4 =	vadd.s32 v1, v4;
	_ =	sdelay $0x1  }
0x205: {  	v3 =	vperm.xlane v3, v2;
	_ =	sdelay $0x1  }
0x206: {  	v3 =	vadd.s32 v1, v3  }
0x207: {  	[tilespmem:s17], [sflag:$0x1] =	stream.indirect_vreg.gather [hbm4b:s2+s3], $0x80, v4, vm0, $0xb8;
	[tilespmem:$0x18800] =	vst v63  }
0x208: {  	_ = 	snop  }
0x209: {  	[tilespmem:s4], [sflag:$0x1] =	stream.indirect_vreg.gather [hbm4b:s6+s3], $0x80, v4, vm1, $0xb8;
	[tilespmem:$0x18800] =	vst v63  }
0x20a: {  	_ = 	snop  }
0x20b: {  	[tilespmem:s9], [sflag:$0x1] =	stream.indirect_vreg.gather [hbm4b:s2+s3], $0x80, v3, vm0, $0xb8;
	[tilespmem:$0x18800] =	vst v63  }
0x20c: {  	s23 =	simm.s32 $0xAC00  }
0x20d: {  	[tilespmem:s23], [sflag:$0x1] =	stream.indirect_vreg.gather [hbm4b:s6+s3], $0x80, v3, vm1, $0xb8;
	[tilespmem:$0x18800] =	vst v63  }
0x20e: {  	v3 =	vld.msk [tilespmem:$0x170], $0x1fff;
	_ =	sdelay $0x4  }
0x20f: {  	v15 =	vshrl.u32 v3, $0x3  }
0x210: {  	v4 =	vmul.u32 $0x18, v15  }
0x211: {  	v3 =	vand.u32 $0x7, v3  }
0x212: {  	v3 =	vor.u32 v3, v4  }
0x213: {  	v4 =	vperm.xlane v3, v0;
	_ =	sdelay $0x1  }
0x214: {  	v4 =	vadd.s32 v1, v4;
	_ =	sdelay $0x1  }
0x215: {  	v3 =	vperm.xlane v3, v2;
	_ =	sdelay $0x1  }
0x216: {  	v3 =	vadd.s32 v1, v3  }
0x217: {  	[tilespmem:s10], [sflag:$0x1] =	stream.indirect_vreg.gather [hbm4b:s2+s3], $0x80, v4, vm0, $0xb8;
	[tilespmem:$0x18800] =	vst v63  }
0x218: {  	_ = 	snop  }
0x219: {  	[tilespmem:s11], [sflag:$0x1] =	stream.indirect_vreg.gather [hbm4b:s6+s3], $0x80, v4, vm1, $0xb8;
	[tilespmem:$0x18800] =	vst v63  }
0x21a: {  	_ = 	snop  }
0x21b: {  	[tilespmem:s12], [sflag:$0x1] =	stream.indirect_vreg.gather [hbm4b:s2+s3], $0x80, v3, vm2, $0xb8;
	[tilespmem:$0x18800] =	vst v63  }
0x21c: {  	s24 =	simm.s32 $0xC400  }
0x21d: {  	[tilespmem:s24], [sflag:$0x1] =	stream.indirect_vreg.gather [hbm4b:s6+s3], $0x80, v3, vm3, $0xb8;
	[tilespmem:$0x18800] =	vst v63  }
0x21e: {  	v3 =	vld [tilespmem:$0x480];
	_ =	sdelay $0x4  }
0x21f: {  	v16 =	vshrl.u32 v3, $0x3  }
0x220: {  	v4 =	vmul.u32 $0x18, v16  }
0x221: {  	v3 =	vand.u32 $0x7, v3  }
0x222: {  	v3 =	vor.u32 v3, v4  }
0x223: {  	v4 =	vperm.xlane v3, v0;
	_ =	sdelay $0x1  }
0x224: {  	v4 =	vadd.s32 v1, v4;
	_ =	sdelay $0x1  }
0x225: {  	v3 =	vperm.xlane v3, v2;
	_ =	sdelay $0x1  }
0x226: {  	s4 =	simm.s32 $0xC800;
	v3 =	vadd.s32 v1, v3  }
0x227: {  	[hbm4b:s5+s3] =	stream.indirect_vreg.scatter [tilespmem:s4], [sflag:$0x4], $0x80, v4, vm0, $0xb8;
	[tilespmem:$0x18800] =	vst v63  }
0x228: {  	s8 =	simm.s32 $0xD000  }
0x229: {  	[hbm4b:s7+s3] =	stream.indirect_vreg.scatter [tilespmem:s8], [sflag:$0x4], $0x80, v4, vm1, $0xb8;
	[tilespmem:$0x18800] =	vst v63  }
0x22a: {  	s9 =	simm.s32 $0xD400  }
0x22b: {  	[hbm4b:s5+s3] =	stream.indirect_vreg.scatter [tilespmem:s9], [sflag:$0x4], $0x80, v3, vm0, $0xb8;
	[tilespmem:$0x18800] =	vst v63  }
0x22c: {  	s1 =	simm.s32 $0xDC00  }
0x22d: {  	[hbm4b:s7+s3] =	stream.indirect_vreg.scatter [tilespmem:s1], [sflag:$0x4], $0x80, v3, vm1, $0xb8;
	[tilespmem:$0x18800] =	vst v63  }
0x22e: {  	v3 =	vld [tilespmem:$0x490];
	_ =	sdelay $0x4  }
0x22f: {  	v17 =	vshrl.u32 v3, $0x3  }
0x230: {  	v4 =	vmul.u32 $0x18, v17  }
0x231: {  	v3 =	vand.u32 $0x7, v3  }
0x232: {  	v3 =	vor.u32 v3, v4  }
0x233: {  	v4 =	vperm.xlane v3, v0;
	_ =	sdelay $0x1  }
0x234: {  	v4 =	vadd.s32 v1, v4;
	_ =	sdelay $0x1  }
0x235: {  	v3 =	vperm.xlane v3, v2;
	_ =	sdelay $0x1  }
0x236: {  	s10 =	simm.s32 $0xE000;
	v3 =	vadd.s32 v1, v3  }
0x237: {  	[hbm4b:s5+s3] =	stream.indirect_vreg.scatter [tilespmem:s10], [sflag:$0x4], $0x80, v4, vm0, $0xb8;
	[tilespmem:$0x18800] =	vst v63  }
0x238: {  	s11 =	simm.s32 $0xE800  }
0x239: {  	[hbm4b:s7+s3] =	stream.indirect_vreg.scatter [tilespmem:s11], [sflag:$0x4], $0x80, v4, vm1, $0xb8;
	[tilespmem:$0x18800] =	vst v63  }
0x23a: {  	s12 =	simm.s32 $0xEC00  }
0x23b: {  	[hbm4b:s5+s3] =	stream.indirect_vreg.scatter [tilespmem:s12], [sflag:$0x4], $0x80, v3, vm0, $0xb8;
	[tilespmem:$0x18800] =	vst v63  }
0x23c: {  	s25 =	simm.s32 $0xF400  }
0x23d: {  	[hbm4b:s7+s3] =	stream.indirect_vreg.scatter [tilespmem:s25], [sflag:$0x4], $0x80, v3, vm1, $0xb8;
	[tilespmem:$0x18800] =	vst v63  }
0x23e: {  	v3 =	vld [tilespmem:$0x4A0];
	_ =	sdelay $0x4  }
0x23f: {  	v18 =	vshrl.u32 v3, $0x3  }
0x240: {  	v4 =	vmul.u32 $0x18, v18  }
0x241: {  	v3 =	vand.u32 $0x7, v3  }
0x242: {  	v3 =	vor.u32 v3, v4  }
0x243: {  	v4 =	vperm.xlane v3, v0;
	_ =	sdelay $0x1  }
0x244: {  	v4 =	vadd.s32 v1, v4;
	_ =	sdelay $0x1  }
0x245: {  	v3 =	vperm.xlane v3, v2;
	_ =	sdelay $0x1  }
0x246: {  	s13 =	simm.s32 $0xF800;
	v3 =	vadd.s32 v1, v3  }
0x247: {  	[hbm4b:s5+s3] =	stream.indirect_vreg.scatter [tilespmem:s13], [sflag:$0x4], $0x80, v4, vm0, $0xb8;
	[tilespmem:$0x18800] =	vst v63  }
0x248: {  	s14 =	simm.s32 $0x10000  }
0x249: {  	[hbm4b:s7+s3] =	stream.indirect_vreg.scatter [tilespmem:s14], [sflag:$0x4], $0x80, v4, vm1, $0xb8;
	[tilespmem:$0x18800] =	vst v63  }
0x24a: {  	s15 =	simm.s32 $0x10400  }
0x24b: {  	[hbm4b:s5+s3] =	stream.indirect_vreg.scatter [tilespmem:s15], [sflag:$0x4], $0x80, v3, vm0, $0xb8;
	[tilespmem:$0x18800] =	vst v63  }
0x24c: {  	s26 =	simm.s32 $0x10C00  }
0x24d: {  	[hbm4b:s7+s3] =	stream.indirect_vreg.scatter [tilespmem:s26], [sflag:$0x4], $0x80, v3, vm1, $0xb8;
	[tilespmem:$0x18800] =	vst v63  }
0x24e: {  	v3 =	vld [tilespmem:$0x4B0];
	_ =	sdelay $0x4  }
0x24f: {  	v19 =	vshrl.u32 v3, $0x3  }
0x250: {  	v4 =	vmul.u32 $0x18, v19  }
0x251: {  	v3 =	vand.u32 $0x7, v3  }
0x252: {  	v3 =	vor.u32 v3, v4  }
0x253: {  	v4 =	vperm.xlane v3, v0;
	_ =	sdelay $0x1  }
0x254: {  	v4 =	vadd.s32 v1, v4;
	_ =	sdelay $0x1  }
0x255: {  	v3 =	vperm.xlane v3, v2;
	_ =	sdelay $0x1  }
0x256: {  	s16 =	simm.s32 $0x11000;
	v3 =	vadd.s32 v1, v3  }
0x257: {  	[hbm4b:s5+s3] =	stream.indirect_vreg.scatter [tilespmem:s16], [sflag:$0x4], $0x80, v4, vm0, $0xb8;
	[tilespmem:$0x18800] =	vst v63  }
0x258: {  	s17 =	simm.s32 $0x11800  }
0x259: {  	[hbm4b:s7+s3] =	stream.indirect_vreg.scatter [tilespmem:s17], [sflag:$0x4], $0x80, v4, vm1, $0xb8;
	[tilespmem:$0x18800] =	vst v63  }
0x25a: {  	s18 =	simm.s32 $0x11C00  }
0x25b: {  	[hbm4b:s5+s3] =	stream.indirect_vreg.scatter [tilespmem:s18], [sflag:$0x4], $0x80, v3, vm0, $0xb8;
	[tilespmem:$0x18800] =	vst v63  }
0x25c: {  	s28 =	simm.s32 $0x12400  }
0x25d: {  	[hbm4b:s7+s3] =	stream.indirect_vreg.scatter [tilespmem:s28], [sflag:$0x4], $0x80, v3, vm1, $0xb8;
	[tilespmem:$0x18800] =	vst v63  }
0x25e: {  	v3 =	vld [tilespmem:$0x4C0];
	_ =	sdelay $0x4  }
0x25f: {  	v20 =	vshrl.u32 v3, $0x3  }
0x260: {  	v4 =	vmul.u32 $0x18, v20  }
0x261: {  	v3 =	vand.u32 $0x7, v3  }
0x262: {  	v3 =	vor.u32 v3, v4  }
0x263: {  	v4 =	vperm.xlane v3, v0;
	_ =	sdelay $0x1  }
0x264: {  	v4 =	vadd.s32 v1, v4;
	_ =	sdelay $0x1  }
0x265: {  	v3 =	vperm.xlane v3, v2;
	_ =	sdelay $0x1  }
0x266: {  	s19 =	simm.s32 $0x12800;
	v3 =	vadd.s32 v1, v3  }
0x267: {  	[hbm4b:s5+s3] =	stream.indirect_vreg.scatter [tilespmem:s19], [sflag:$0x4], $0x80, v4, vm0, $0xb8;
	[tilespmem:$0x18800] =	vst v63  }
0x268: {  	s20 =	simm.s32 $0x13000  }
0x269: {  	[hbm4b:s7+s3] =	stream.indirect_vreg.scatter [tilespmem:s20], [sflag:$0x4], $0x80, v4, vm1, $0xb8;
	[tilespmem:$0x18800] =	vst v63  }
0x26a: {  	s21 =	simm.s32 $0x13400  }
0x26b: {  	[hbm4b:s5+s3] =	stream.indirect_vreg.scatter [tilespmem:s21], [sflag:$0x4], $0x80, v3, vm0, $0xb8;
	[tilespmem:$0x18800] =	vst v63  }
0x26c: {  	s29 =	simm.s32 $0x13C00  }
0x26d: {  	[hbm4b:s7+s3] =	stream.indirect_vreg.scatter [tilespmem:s29], [sflag:$0x4], $0x80, v3, vm1, $0xb8;
	[tilespmem:$0x18800] =	vst v63  }
0x26e: {  	v3 =	vld [tilespmem:$0x4D0];
	_ =	sdelay $0x4  }
0x26f: {  	v21 =	vshrl.u32 v3, $0x3  }
0x270: {  	v4 =	vmul.u32 $0x18, v21  }
0x271: {  	v3 =	vand.u32 $0x7, v3  }
0x272: {  	v3 =	vor.u32 v3, v4  }
0x273: {  	v4 =	vperm.xlane v3, v0;
	_ =	sdelay $0x1  }
0x274: {  	v4 =	vadd.s32 v1, v4;
	_ =	sdelay $0x1  }
0x275: {  	v3 =	vperm.xlane v3, v2;
	_ =	sdelay $0x1  }
0x276: {  	s22 =	simm.s32 $0x14000;
	v3 =	vadd.s32 v1, v3  }
0x277: {  	[hbm4b:s5+s3] =	stream.indirect_vreg.scatter [tilespmem:s22], [sflag:$0x4], $0x80, v4, vm0, $0xb8;
	[tilespmem:$0x18800] =	vst v63  }
0x278: {  	s23 =	simm.s32 $0x14800  }
0x279: {  	[hbm4b:s7+s3] =	stream.indirect_vreg.scatter [tilespmem:s23], [sflag:$0x4], $0x80, v4, vm1, $0xb8;
	[tilespmem:$0x18800] =	vst v63  }
0x27a: {  	s24 =	simm.s32 $0x14C00  }
0x27b: {  	[hbm4b:s5+s3] =	stream.indirect_vreg.scatter [tilespmem:s24], [sflag:$0x4], $0x80, v3, vm0, $0xb8;
	[tilespmem:$0x18800] =	vst v63  }
0x27c: {  	s30 =	simm.s32 $0x15400  }
0x27d: {  	[hbm4b:s7+s3] =	stream.indirect_vreg.scatter [tilespmem:s30], [sflag:$0x4], $0x80, v3, vm1, $0xb8;
	[tilespmem:$0x18800] =	vst v63  }
0x27e: {  	v3 =	vld [tilespmem:$0x4E0];
	_ =	sdelay $0x4  }
0x27f: {  	v22 =	vshrl.u32 v3, $0x3  }
0x280: {  	v4 =	vmul.u32 $0x18, v22  }
0x281: {  	v3 =	vand.u32 $0x7, v3  }
0x282: {  	v3 =	vor.u32 v3, v4  }
0x283: {  	v4 =	vperm.xlane v3, v0;
	_ =	sdelay $0x1  }
0x284: {  	v4 =	vadd.s32 v1, v4;
	_ =	sdelay $0x1  }
0x285: {  	v3 =	vperm.xlane v3, v2;
	_ =	sdelay $0x1  }
0x286: {  	s25 =	simm.s32 $0x15800;
	v3 =	vadd.s32 v1, v3  }
0x287: {  	[hbm4b:s5+s3] =	stream.indirect_vreg.scatter [tilespmem:s25], [sflag:$0x4], $0x80, v4, vm0, $0xb8;
	[tilespmem:$0x18800] =	vst v63  }
0x288: {  	s26 =	simm.s32 $0x16000  }
0x289: {  	[hbm4b:s7+s3] =	stream.indirect_vreg.scatter [tilespmem:s26], [sflag:$0x4], $0x80, v4, vm1, $0xb8;
	[tilespmem:$0x18800] =	vst v63  }
0x28a: {  	s28 =	simm.s32 $0x16400  }
0x28b: {  	[hbm4b:s5+s3] =	stream.indirect_vreg.scatter [tilespmem:s28], [sflag:$0x4], $0x80, v3, vm0, $0xb8;
	[tilespmem:$0x18800] =	vst v63  }
0x28c: {  	s31 =	simm.s32 $0x16C00  }
0x28d: {  	[hbm4b:s7+s3] =	stream.indirect_vreg.scatter [tilespmem:s31], [sflag:$0x4], $0x80, v3, vm1, $0xb8;
	[tilespmem:$0x18800] =	vst v63  }
0x28e: {  	v3 =	vld.msk [tilespmem:$0x4F0], $0x1fff;
	_ =	sdelay $0x4  }
0x28f: {  	v23 =	vshrl.u32 v3, $0x3  }
0x290: {  	v4 =	vmul.u32 $0x18, v23  }
0x291: {  	v3 =	vand.u32 $0x7, v3  }
0x292: {  	v3 =	vor.u32 v3, v4  }
0x293: {  	v4 =	vperm.xlane v3, v0;
	_ =	sdelay $0x1  }
0x294: {  	v4 =	vadd.s32 v1, v4;
	_ =	sdelay $0x1  }
0x295: {  	v3 =	vperm.xlane v3, v2;
	_ =	sdelay $0x1  }
0x296: {  	s29 =	simm.s32 $0x17000;
	v3 =	vadd.s32 v1, v3  }
0x297: {  	[hbm4b:s5+s3] =	stream.indirect_vreg.scatter [tilespmem:s29], [sflag:$0x4], $0x80, v4, vm0, $0xb8;
	[tilespmem:$0x18800] =	vst v63  }
0x298: {  	s30 =	simm.s32 $0x17800  }
0x299: {  	[hbm4b:s7+s3] =	stream.indirect_vreg.scatter [tilespmem:s30], [sflag:$0x4], $0x80, v4, vm1, $0xb8;
	[tilespmem:$0x18800] =	vst v63  }
0x29a: {  	s31 =	simm.s32 $0x17C00  }
0x29b: {  	[hbm4b:s5+s3] =	stream.indirect_vreg.scatter [tilespmem:s31], [sflag:$0x4], $0x80, v3, vm2, $0xb8;
	[tilespmem:$0x18800] =	vst v63  }
0x29c: {  	s0 =	simm.s32 $0x18400  }
0x29d: {  	[hbm4b:s7+s3] =	stream.indirect_vreg.scatter [tilespmem:s0], [sflag:$0x4], $0x80, v3, vm3, $0xb8;
	[tilespmem:$0x18800] =	vst v63  }
0x29e: {  	s0 =	simm.s32 $0x1  }
0x29f: {  	_ =	swait.ge [sflag:s0], $0xBB80  }
0x2a0: {  	[sflag:s0] =	ssyncset.done $0x0  }
0x2a1: {  	[sflag:s0] =	ssyncadd.s32 $0xFFFF4480;
	s0 =	simm.s32 $0x4  }
0x2a2: {  	_ =	swait.ge [sflag:s0], $0xBB80  }
0x2a3: {  	[sflag:s0] =	ssyncset.done $0x0  }
0x2a4: {  	[sflag:s0] =	ssyncadd.s32 $0xFFFF4480  }
0x2a5: {  	v3 =	vld [tilespmem:$0x180];
	_ =	sdelay $0x4  }
0x2a6: {  	v24 =	vshrl.u32 v3, $0x3  }
0x2a7: {  	v4 =	vmul.u32 $0x18, v24  }
0x2a8: {  	v3 =	vand.u32 $0x7, v3  }
0x2a9: {  	v3 =	vor.u32 v3, v4  }
0x2aa: {  	v4 =	vperm.xlane v3, v0;
	_ =	sdelay $0x1  }
0x2ab: {  	v4 =	vadd.s32 v1, v4;
	_ =	sdelay $0x1  }
0x2ac: {  	v3 =	vperm.xlane v3, v2;
	_ =	sdelay $0x1  }
0x2ad: {  	v3 =	vadd.s32 v1, v3  }
0x2ae: {  	[tilespmem:s4], [sflag:$0x2] =	stream.indirect_vreg.gather [hbm4b:s2+s3], $0x80, v4, vm0, $0xb8;
	[tilespmem:$0x18800] =	vst v63  }
0x2af: {  	_ = 	snop  }
0x2b0: {  	[tilespmem:s8], [sflag:$0x2] =	stream.indirect_vreg.gather [hbm4b:s6+s3], $0x80, v4, vm1, $0xb8;
	[tilespmem:$0x18800] =	vst v63  }
0x2b1: {  	_ = 	snop  }
0x2b2: {  	[tilespmem:s9], [sflag:$0x2] =	stream.indirect_vreg.gather [hbm4b:s2+s3], $0x80, v3, vm0, $0xb8;
	[tilespmem:$0x18800] =	vst v63  }
0x2b3: {  	_ = 	snop  }
0x2b4: {  	[tilespmem:s1], [sflag:$0x2] =	stream.indirect_vreg.gather [hbm4b:s6+s3], $0x80, v3, vm1, $0xb8;
	[tilespmem:$0x18800] =	vst v63  }
0x2b5: {  	v3 =	vld [tilespmem:$0x190];
	_ =	sdelay $0x4  }
0x2b6: {  	v25 =	vshrl.u32 v3, $0x3  }
0x2b7: {  	v4 =	vmul.u32 $0x18, v25  }
0x2b8: {  	v3 =	vand.u32 $0x7, v3  }
0x2b9: {  	v3 =	vor.u32 v3, v4  }
0x2ba: {  	v4 =	vperm.xlane v3, v0;
	_ =	sdelay $0x1  }
0x2bb: {  	v4 =	vadd.s32 v1, v4;
	_ =	sdelay $0x1  }
0x2bc: {  	v3 =	vperm.xlane v3, v2;
	_ =	sdelay $0x1  }
0x2bd: {  	v3 =	vadd.s32 v1, v3  }
0x2be: {  	[tilespmem:s10], [sflag:$0x2] =	stream.indirect_vreg.gather [hbm4b:s2+s3], $0x80, v4, vm0, $0xb8;
	[tilespmem:$0x18800] =	vst v63  }
0x2bf: {  	_ = 	snop  }
0x2c0: {  	[tilespmem:s11], [sflag:$0x2] =	stream.indirect_vreg.gather [hbm4b:s6+s3], $0x80, v4, vm1, $0xb8;
	[tilespmem:$0x18800] =	vst v63  }
0x2c1: {  	_ = 	snop  }
0x2c2: {  	[tilespmem:s12], [sflag:$0x2] =	stream.indirect_vreg.gather [hbm4b:s2+s3], $0x80, v3, vm0, $0xb8;
	[tilespmem:$0x18800] =	vst v63  }
0x2c3: {  	s11 =	simm.s32 $0xF400  }
0x2c4: {  	[tilespmem:s11], [sflag:$0x2] =	stream.indirect_vreg.gather [hbm4b:s6+s3], $0x80, v3, vm1, $0xb8;
	[tilespmem:$0x18800] =	vst v63  }
0x2c5: {  	v3 =	vld [tilespmem:$0x1A0];
	_ =	sdelay $0x4  }
0x2c6: {  	v26 =	vshrl.u32 v3, $0x3  }
0x2c7: {  	v4 =	vmul.u32 $0x18, v26  }
0x2c8: {  	v3 =	vand.u32 $0x7, v3  }
0x2c9: {  	v3 =	vor.u32 v3, v4  }
0x2ca: {  	v4 =	vperm.xlane v3, v0;
	_ =	sdelay $0x1  }
0x2cb: {  	v4 =	vadd.s32 v1, v4;
	_ =	sdelay $0x1  }
0x2cc: {  	v3 =	vperm.xlane v3, v2;
	_ =	sdelay $0x1  }
0x2cd: {  	v3 =	vadd.s32 v1, v3  }
0x2ce: {  	[tilespmem:s13], [sflag:$0x2] =	stream.indirect_vreg.gather [hbm4b:s2+s3], $0x80, v4, vm0, $0xb8;
	[tilespmem:$0x18800] =	vst v63  }
0x2cf: {  	_ = 	snop  }
0x2d0: {  	[tilespmem:s14], [sflag:$0x2] =	stream.indirect_vreg.gather [hbm4b:s6+s3], $0x80, v4, vm1, $0xb8;
	[tilespmem:$0x18800] =	vst v63  }
0x2d1: {  	_ = 	snop  }
0x2d2: {  	[tilespmem:s15], [sflag:$0x2] =	stream.indirect_vreg.gather [hbm4b:s2+s3], $0x80, v3, vm0, $0xb8;
	[tilespmem:$0x18800] =	vst v63  }
0x2d3: {  	s12 =	simm.s32 $0x10C00  }
0x2d4: {  	[tilespmem:s12], [sflag:$0x2] =	stream.indirect_vreg.gather [hbm4b:s6+s3], $0x80, v3, vm1, $0xb8;
	[tilespmem:$0x18800] =	vst v63  }
0x2d5: {  	v3 =	vld [tilespmem:$0x1B0];
	_ =	sdelay $0x4  }
0x2d6: {  	v27 =	vshrl.u32 v3, $0x3  }
0x2d7: {  	v4 =	vmul.u32 $0x18, v27  }
0x2d8: {  	v3 =	vand.u32 $0x7, v3  }
0x2d9: {  	v3 =	vor.u32 v3, v4  }
0x2da: {  	v4 =	vperm.xlane v3, v0;
	_ =	sdelay $0x1  }
0x2db: {  	v4 =	vadd.s32 v1, v4;
	_ =	sdelay $0x1  }
0x2dc: {  	v3 =	vperm.xlane v3, v2;
	_ =	sdelay $0x1  }
0x2dd: {  	v3 =	vadd.s32 v1, v3  }
0x2de: {  	[tilespmem:s16], [sflag:$0x2] =	stream.indirect_vreg.gather [hbm4b:s2+s3], $0x80, v4, vm0, $0xb8;
	[tilespmem:$0x18800] =	vst v63  }
0x2df: {  	_ = 	snop  }
0x2e0: {  	[tilespmem:s17], [sflag:$0x2] =	stream.indirect_vreg.gather [hbm4b:s6+s3], $0x80, v4, vm1, $0xb8;
	[tilespmem:$0x18800] =	vst v63  }
0x2e1: {  	_ = 	snop  }
0x2e2: {  	[tilespmem:s18], [sflag:$0x2] =	stream.indirect_vreg.gather [hbm4b:s2+s3], $0x80, v3, vm0, $0xb8;
	[tilespmem:$0x18800] =	vst v63  }
0x2e3: {  	s13 =	simm.s32 $0x12400  }
0x2e4: {  	[tilespmem:s13], [sflag:$0x2] =	stream.indirect_vreg.gather [hbm4b:s6+s3], $0x80, v3, vm1, $0xb8;
	[tilespmem:$0x18800] =	vst v63  }
0x2e5: {  	v3 =	vld [tilespmem:$0x1C0];
	_ =	sdelay $0x4  }
0x2e6: {  	v28 =	vshrl.u32 v3, $0x3  }
0x2e7: {  	v4 =	vmul.u32 $0x18, v28  }
0x2e8: {  	v3 =	vand.u32 $0x7, v3  }
0x2e9: {  	v3 =	vor.u32 v3, v4  }
0x2ea: {  	v4 =	vperm.xlane v3, v0;
	_ =	sdelay $0x1  }
0x2eb: {  	v4 =	vadd.s32 v1, v4;
	_ =	sdelay $0x1  }
0x2ec: {  	v3 =	vperm.xlane v3, v2;
	_ =	sdelay $0x1  }
0x2ed: {  	v3 =	vadd.s32 v1, v3  }
0x2ee: {  	[tilespmem:s19], [sflag:$0x2] =	stream.indirect_vreg.gather [hbm4b:s2+s3], $0x80, v4, vm0, $0xb8;
	[tilespmem:$0x18800] =	vst v63  }
0x2ef: {  	_ = 	snop  }
0x2f0: {  	[tilespmem:s20], [sflag:$0x2] =	stream.indirect_vreg.gather [hbm4b:s6+s3], $0x80, v4, vm1, $0xb8;
	[tilespmem:$0x18800] =	vst v63  }
0x2f1: {  	_ = 	snop  }
0x2f2: {  	[tilespmem:s21], [sflag:$0x2] =	stream.indirect_vreg.gather [hbm4b:s2+s3], $0x80, v3, vm0, $0xb8;
	[tilespmem:$0x18800] =	vst v63  }
0x2f3: {  	s14 =	simm.s32 $0x13C00  }
0x2f4: {  	[tilespmem:s14], [sflag:$0x2] =	stream.indirect_vreg.gather [hbm4b:s6+s3], $0x80, v3, vm1, $0xb8;
	[tilespmem:$0x18800] =	vst v63  }
0x2f5: {  	v3 =	vld [tilespmem:$0x1D0];
	_ =	sdelay $0x4  }
0x2f6: {  	v29 =	vshrl.u32 v3, $0x3  }
0x2f7: {  	v4 =	vmul.u32 $0x18, v29  }
0x2f8: {  	v3 =	vand.u32 $0x7, v3  }
0x2f9: {  	v3 =	vor.u32 v3, v4  }
0x2fa: {  	v4 =	vperm.xlane v3, v0;
	_ =	sdelay $0x1  }
0x2fb: {  	v4 =	vadd.s32 v1, v4;
	_ =	sdelay $0x1  }
0x2fc: {  	v3 =	vperm.xlane v3, v2;
	_ =	sdelay $0x1  }
0x2fd: {  	v3 =	vadd.s32 v1, v3  }
0x2fe: {  	[tilespmem:s22], [sflag:$0x2] =	stream.indirect_vreg.gather [hbm4b:s2+s3], $0x80, v4, vm0, $0xb8;
	[tilespmem:$0x18800] =	vst v63  }
0x2ff: {  	_ = 	snop  }
0x300: {  	[tilespmem:s23], [sflag:$0x2] =	stream.indirect_vreg.gather [hbm4b:s6+s3], $0x80, v4, vm1, $0xb8;
	[tilespmem:$0x18800] =	vst v63  }
0x301: {  	_ = 	snop  }
0x302: {  	[tilespmem:s24], [sflag:$0x2] =	stream.indirect_vreg.gather [hbm4b:s2+s3], $0x80, v3, vm0, $0xb8;
	[tilespmem:$0x18800] =	vst v63  }
0x303: {  	s15 =	simm.s32 $0x15400  }
0x304: {  	[tilespmem:s15], [sflag:$0x2] =	stream.indirect_vreg.gather [hbm4b:s6+s3], $0x80, v3, vm1, $0xb8;
	[tilespmem:$0x18800] =	vst v63  }
0x305: {  	v3 =	vld [tilespmem:$0x1E0];
	_ =	sdelay $0x4  }
0x306: {  	v30 =	vshrl.u32 v3, $0x3  }
0x307: {  	v4 =	vmul.u32 $0x18, v30  }
0x308: {  	v3 =	vand.u32 $0x7, v3  }
0x309: {  	v3 =	vor.u32 v3, v4  }
0x30a: {  	v4 =	vperm.xlane v3, v0;
	_ =	sdelay $0x1  }
0x30b: {  	v4 =	vadd.s32 v1, v4;
	_ =	sdelay $0x1  }
0x30c: {  	v3 =	vperm.xlane v3, v2;
	_ =	sdelay $0x1  }
0x30d: {  	v3 =	vadd.s32 v1, v3  }
0x30e: {  	[tilespmem:s25], [sflag:$0x2] =	stream.indirect_vreg.gather [hbm4b:s2+s3], $0x80, v4, vm0, $0xb8;
	[tilespmem:$0x18800] =	vst v63  }
0x30f: {  	_ = 	snop  }
0x310: {  	[tilespmem:s26], [sflag:$0x2] =	stream.indirect_vreg.gather [hbm4b:s6+s3], $0x80, v4, vm1, $0xb8;
	[tilespmem:$0x18800] =	vst v63  }
0x311: {  	_ = 	snop  }
0x312: {  	[tilespmem:s28], [sflag:$0x2] =	stream.indirect_vreg.gather [hbm4b:s2+s3], $0x80, v3, vm0, $0xb8;
	[tilespmem:$0x18800] =	vst v63  }
0x313: {  	s16 =	simm.s32 $0x16C00  }
0x314: {  	[tilespmem:s16], [sflag:$0x2] =	stream.indirect_vreg.gather [hbm4b:s6+s3], $0x80, v3, vm1, $0xb8;
	[tilespmem:$0x18800] =	vst v63  }
0x315: {  	v3 =	vld.msk [tilespmem:$0x1F0], $0x1fff;
	_ =	sdelay $0x4  }
0x316: {  	v31 =	vshrl.u32 v3, $0x3  }
0x317: {  	v4 =	vmul.u32 $0x18, v31  }
0x318: {  	v3 =	vand.u32 $0x7, v3  }
0x319: {  	v3 =	vor.u32 v3, v4  }
0x31a: {  	v4 =	vperm.xlane v3, v0;
	_ =	sdelay $0x1  }
0x31b: {  	v4 =	vadd.s32 v1, v4;
	_ =	sdelay $0x1  }
0x31c: {  	v3 =	vperm.xlane v3, v2;
	_ =	sdelay $0x1  }
0x31d: {  	v3 =	vadd.s32 v1, v3  }
0x31e: {  	[tilespmem:s29], [sflag:$0x2] =	stream.indirect_vreg.gather [hbm4b:s2+s3], $0x80, v4, vm0, $0xb8;
	[tilespmem:$0x18800] =	vst v63  }
0x31f: {  	_ = 	snop  }
0x320: {  	[tilespmem:s30], [sflag:$0x2] =	stream.indirect_vreg.gather [hbm4b:s6+s3], $0x80, v4, vm1, $0xb8;
	[tilespmem:$0x18800] =	vst v63  }
0x321: {  	_ = 	snop  }
0x322: {  	[tilespmem:s31], [sflag:$0x2] =	stream.indirect_vreg.gather [hbm4b:s2+s3], $0x80, v3, vm2, $0xb8;
	[tilespmem:$0x18800] =	vst v63  }
0x323: {  	s17 =	simm.s32 $0x18400  }
0x324: {  	[tilespmem:s17], [sflag:$0x2] =	stream.indirect_vreg.gather [hbm4b:s6+s3], $0x80, v3, vm3, $0xb8;
	[tilespmem:$0x18800] =	vst v63  }
0x325: {  	v3 =	vld [tilespmem:$0x500];
	_ =	sdelay $0x4  }
0x326: {  	v32 =	vshrl.u32 v3, $0x3  }
0x327: {  	v4 =	vmul.u32 $0x18, v32  }
0x328: {  	v3 =	vand.u32 $0x7, v3  }
0x329: {  	v3 =	vor.u32 v3, v4  }
0x32a: {  	v4 =	vperm.xlane v3, v0;
	_ =	sdelay $0x1  }
0x32b: {  	v4 =	vadd.s32 v1, v4;
	_ =	sdelay $0x1  }
0x32c: {  	v3 =	vperm.xlane v3, v2;
	_ =	sdelay $0x1  }
0x32d: {  	s22 =	simm.s32 $0x800;
	v3 =	vadd.s32 v1, v3  }
0x32e: {  	[hbm4b:s5+s3] =	stream.indirect_vreg.scatter [tilespmem:s22], [sflag:$0x3], $0x80, v4, vm0, $0xb8;
	[tilespmem:$0x18800] =	vst v63  }
0x32f: {  	s23 =	simm.s32 $0x1000  }
0x330: {  	[hbm4b:s7+s3] =	stream.indirect_vreg.scatter [tilespmem:s23], [sflag:$0x3], $0x80, v4, vm1, $0xb8;
	[tilespmem:$0x18800] =	vst v63  }
0x331: {  	s4 =	simm.s32 $0x1400  }
0x332: {  	[hbm4b:s5+s3] =	stream.indirect_vreg.scatter [tilespmem:s4], [sflag:$0x3], $0x80, v3, vm0, $0xb8;
	[tilespmem:$0x18800] =	vst v63  }
0x333: {  	s11 =	simm.s32 $0x1C00  }
0x334: {  	[hbm4b:s7+s3] =	stream.indirect_vreg.scatter [tilespmem:s11], [sflag:$0x3], $0x80, v3, vm1, $0xb8;
	[tilespmem:$0x18800] =	vst v63  }
0x335: {  	v3 =	vld [tilespmem:$0x510];
	_ =	sdelay $0x4  }
0x336: {  	v33 =	vshrl.u32 v3, $0x3  }
0x337: {  	v4 =	vmul.u32 $0x18, v33  }
0x338: {  	v3 =	vand.u32 $0x7, v3  }
0x339: {  	v3 =	vor.u32 v3, v4  }
0x33a: {  	v4 =	vperm.xlane v3, v0;
	_ =	sdelay $0x1  }
0x33b: {  	v4 =	vadd.s32 v1, v4;
	_ =	sdelay $0x1  }
0x33c: {  	v3 =	vperm.xlane v3, v2;
	_ =	sdelay $0x1  }
0x33d: {  	s26 =	simm.s32 $0x2000;
	v3 =	vadd.s32 v1, v3  }
0x33e: {  	[hbm4b:s5+s3] =	stream.indirect_vreg.scatter [tilespmem:s26], [sflag:$0x3], $0x80, v4, vm0, $0xb8;
	[tilespmem:$0x18800] =	vst v63  }
0x33f: {  	s28 =	simm.s32 $0x2800  }
0x340: {  	[hbm4b:s7+s3] =	stream.indirect_vreg.scatter [tilespmem:s28], [sflag:$0x3], $0x80, v4, vm1, $0xb8;
	[tilespmem:$0x18800] =	vst v63  }
0x341: {  	s29 =	simm.s32 $0x2C00  }
0x342: {  	[hbm4b:s5+s3] =	stream.indirect_vreg.scatter [tilespmem:s29], [sflag:$0x3], $0x80, v3, vm0, $0xb8;
	[tilespmem:$0x18800] =	vst v63  }
0x343: {  	s17 =	simm.s32 $0x3400  }
0x344: {  	[hbm4b:s7+s3] =	stream.indirect_vreg.scatter [tilespmem:s17], [sflag:$0x3], $0x80, v3, vm1, $0xb8;
	[tilespmem:$0x18800] =	vst v63  }
0x345: {  	v3 =	vld [tilespmem:$0x520];
	_ =	sdelay $0x4  }
0x346: {  	v34 =	vshrl.u32 v3, $0x3  }
0x347: {  	v4 =	vmul.u32 $0x18, v34  }
0x348: {  	v3 =	vand.u32 $0x7, v3  }
0x349: {  	v3 =	vor.u32 v3, v4  }
0x34a: {  	v4 =	vperm.xlane v3, v0;
	_ =	sdelay $0x1  }
0x34b: {  	v4 =	vadd.s32 v1, v4;
	_ =	sdelay $0x1  }
0x34c: {  	v3 =	vperm.xlane v3, v2;
	_ =	sdelay $0x1  }
0x34d: {  	s30 =	simm.s32 $0x3800;
	v3 =	vadd.s32 v1, v3  }
0x34e: {  	[hbm4b:s5+s3] =	stream.indirect_vreg.scatter [tilespmem:s30], [sflag:$0x3], $0x80, v4, vm0, $0xb8;
	[tilespmem:$0x18800] =	vst v63  }
0x34f: {  	s21 =	simm.s32 $0x4000  }
0x350: {  	[hbm4b:s7+s3] =	stream.indirect_vreg.scatter [tilespmem:s21], [sflag:$0x3], $0x80, v4, vm1, $0xb8;
	[tilespmem:$0x18800] =	vst v63  }
0x351: {  	s1 =	simm.s32 $0x4400  }
0x352: {  	[hbm4b:s5+s3] =	stream.indirect_vreg.scatter [tilespmem:s1], [sflag:$0x3], $0x80, v3, vm0, $0xb8;
	[tilespmem:$0x18800] =	vst v63  }
0x353: {  	s9 =	simm.s32 $0x4C00  }
0x354: {  	[hbm4b:s7+s3] =	stream.indirect_vreg.scatter [tilespmem:s9], [sflag:$0x3], $0x80, v3, vm1, $0xb8;
	[tilespmem:$0x18800] =	vst v63  }
0x355: {  	v3 =	vld [tilespmem:$0x530];
	_ =	sdelay $0x4  }
0x356: {  	v35 =	vshrl.u32 v3, $0x3  }
0x357: {  	v4 =	vmul.u32 $0x18, v35  }
0x358: {  	v3 =	vand.u32 $0x7, v3  }
0x359: {  	v3 =	vor.u32 v3, v4  }
0x35a: {  	v4 =	vperm.xlane v3, v0;
	_ =	sdelay $0x1  }
0x35b: {  	v4 =	vadd.s32 v1, v4;
	_ =	sdelay $0x1  }
0x35c: {  	v3 =	vperm.xlane v3, v2;
	_ =	sdelay $0x1  }
0x35d: {  	s12 =	simm.s32 $0x5000;
	v3 =	vadd.s32 v1, v3  }
0x35e: {  	[hbm4b:s5+s3] =	stream.indirect_vreg.scatter [tilespmem:s12], [sflag:$0x3], $0x80, v4, vm0, $0xb8;
	[tilespmem:$0x18800] =	vst v63  }
0x35f: {  	s13 =	simm.s32 $0x5800  }
0x360: {  	[hbm4b:s7+s3] =	stream.indirect_vreg.scatter [tilespmem:s13], [sflag:$0x3], $0x80, v4, vm1, $0xb8;
	[tilespmem:$0x18800] =	vst v63  }
0x361: {  	s14 =	simm.s32 $0x5C00  }
0x362: {  	[hbm4b:s5+s3] =	stream.indirect_vreg.scatter [tilespmem:s14], [sflag:$0x3], $0x80, v3, vm0, $0xb8;
	[tilespmem:$0x18800] =	vst v63  }
0x363: {  	s18 =	simm.s32 $0x6400  }
0x364: {  	[hbm4b:s7+s3] =	stream.indirect_vreg.scatter [tilespmem:s18], [sflag:$0x3], $0x80, v3, vm1, $0xb8;
	[tilespmem:$0x18800] =	vst v63  }
0x365: {  	v3 =	vld [tilespmem:$0x540];
	_ =	sdelay $0x4  }
0x366: {  	v36 =	vshrl.u32 v3, $0x3  }
0x367: {  	v4 =	vmul.u32 $0x18, v36  }
0x368: {  	v3 =	vand.u32 $0x7, v3  }
0x369: {  	v3 =	vor.u32 v3, v4  }
0x36a: {  	v4 =	vperm.xlane v3, v0;
	_ =	sdelay $0x1  }
0x36b: {  	v4 =	vadd.s32 v1, v4;
	_ =	sdelay $0x1  }
0x36c: {  	v3 =	vperm.xlane v3, v2;
	_ =	sdelay $0x1  }
0x36d: {  	s15 =	simm.s32 $0x6800;
	v3 =	vadd.s32 v1, v3  }
0x36e: {  	[hbm4b:s5+s3] =	stream.indirect_vreg.scatter [tilespmem:s15], [sflag:$0x3], $0x80, v4, vm0, $0xb8;
	[tilespmem:$0x18800] =	vst v63  }
0x36f: {  	s16 =	simm.s32 $0x7000  }
0x370: {  	[hbm4b:s7+s3] =	stream.indirect_vreg.scatter [tilespmem:s16], [sflag:$0x3], $0x80, v4, vm1, $0xb8;
	[tilespmem:$0x18800] =	vst v63  }
0x371: {  	s18 =	simm.s32 $0x7400  }
0x372: {  	[hbm4b:s5+s3] =	stream.indirect_vreg.scatter [tilespmem:s18], [sflag:$0x3], $0x80, v3, vm0, $0xb8;
	[tilespmem:$0x18800] =	vst v63  }
0x373: {  	s10 =	simm.s32 $0x7C00  }
0x374: {  	[hbm4b:s7+s3] =	stream.indirect_vreg.scatter [tilespmem:s10], [sflag:$0x3], $0x80, v3, vm1, $0xb8;
	[tilespmem:$0x18800] =	vst v63  }
0x375: {  	v3 =	vld [tilespmem:$0x550];
	_ =	sdelay $0x4  }
0x376: {  	v37 =	vshrl.u32 v3, $0x3  }
0x377: {  	v4 =	vmul.u32 $0x18, v37  }
0x378: {  	v3 =	vand.u32 $0x7, v3  }
0x379: {  	v3 =	vor.u32 v3, v4  }
0x37a: {  	v4 =	vperm.xlane v3, v0;
	_ =	sdelay $0x1  }
0x37b: {  	v4 =	vadd.s32 v1, v4;
	_ =	sdelay $0x1  }
0x37c: {  	v3 =	vperm.xlane v3, v2;
	_ =	sdelay $0x1  }
0x37d: {  	s20 =	simm.s32 $0x8000;
	v3 =	vadd.s32 v1, v3  }
0x37e: {  	[hbm4b:s5+s3] =	stream.indirect_vreg.scatter [tilespmem:s20], [sflag:$0x3], $0x80, v4, vm0, $0xb8;
	[tilespmem:$0x18800] =	vst v63  }
0x37f: {  	s24 =	simm.s32 $0x8800  }
0x380: {  	[hbm4b:s7+s3] =	stream.indirect_vreg.scatter [tilespmem:s24], [sflag:$0x3], $0x80, v4, vm1, $0xb8;
	[tilespmem:$0x18800] =	vst v63  }
0x381: {  	s25 =	simm.s32 $0x8C00  }
0x382: {  	[hbm4b:s5+s3] =	stream.indirect_vreg.scatter [tilespmem:s25], [sflag:$0x3], $0x80, v3, vm0, $0xb8;
	[tilespmem:$0x18800] =	vst v63  }
0x383: {  	s31 =	simm.s32 $0x9400  }
0x384: {  	[hbm4b:s7+s3] =	stream.indirect_vreg.scatter [tilespmem:s31], [sflag:$0x3], $0x80, v3, vm1, $0xb8;
	[tilespmem:$0x18800] =	vst v63  }
0x385: {  	v3 =	vld [tilespmem:$0x560];
	_ =	sdelay $0x4  }
0x386: {  	v38 =	vshrl.u32 v3, $0x3  }
0x387: {  	v4 =	vmul.u32 $0x18, v38  }
0x388: {  	v3 =	vand.u32 $0x7, v3  }
0x389: {  	v3 =	vor.u32 v3, v4  }
0x38a: {  	v4 =	vperm.xlane v3, v0;
	_ =	sdelay $0x1  }
0x38b: {  	v4 =	vadd.s32 v1, v4;
	_ =	sdelay $0x1  }
0x38c: {  	v3 =	vperm.xlane v3, v2;
	_ =	sdelay $0x1  }
0x38d: {  	s19 =	simm.s32 $0x9800;
	v3 =	vadd.s32 v1, v3  }
0x38e: {  	[hbm4b:s5+s3] =	stream.indirect_vreg.scatter [tilespmem:s19], [sflag:$0x3], $0x80, v4, vm0, $0xb8;
	[tilespmem:$0x18800] =	vst v63  }
0x38f: {  	s8 =	simm.s32 $0xA000  }
0x390: {  	[hbm4b:s7+s3] =	stream.indirect_vreg.scatter [tilespmem:s8], [sflag:$0x3], $0x80, v4, vm1, $0xb8;
	[tilespmem:$0x18800] =	vst v63  }
0x391: {  	s19 =	simm.s32 $0xA400  }
0x392: {  	[hbm4b:s5+s3] =	stream.indirect_vreg.scatter [tilespmem:s19], [sflag:$0x3], $0x80, v3, vm0, $0xb8;
	[tilespmem:$0x18800] =	vst v63  }
0x393: {  	s19 =	simm.s32 $0xAC00  }
0x394: {  	[hbm4b:s7+s3] =	stream.indirect_vreg.scatter [tilespmem:s19], [sflag:$0x3], $0x80, v3, vm1, $0xb8;
	[tilespmem:$0x18800] =	vst v63  }
0x395: {  	v3 =	vld.msk [tilespmem:$0x570], $0x1fff;
	_ =	sdelay $0x4  }
0x396: {  	v39 =	vshrl.u32 v3, $0x3  }
0x397: {  	v4 =	vmul.u32 $0x18, v39  }
0x398: {  	v3 =	vand.u32 $0x7, v3  }
0x399: {  	v3 =	vor.u32 v3, v4  }
0x39a: {  	v4 =	vperm.xlane v3, v0;
	_ =	sdelay $0x1  }
0x39b: {  	v4 =	vadd.s32 v1, v4;
	_ =	sdelay $0x1  }
0x39c: {  	v3 =	vperm.xlane v3, v2;
	_ =	sdelay $0x1  }
0x39d: {  	s8 =	simm.s32 $0xB000;
	v3 =	vadd.s32 v1, v3  }
0x39e: {  	[hbm4b:s5+s3] =	stream.indirect_vreg.scatter [tilespmem:s8], [sflag:$0x3], $0x80, v4, vm0, $0xb8;
	[tilespmem:$0x18800] =	vst v63  }
0x39f: {  	s8 =	simm.s32 $0xB800  }
0x3a0: {  	[hbm4b:s7+s3] =	stream.indirect_vreg.scatter [tilespmem:s8], [sflag:$0x3], $0x80, v4, vm1, $0xb8;
	[tilespmem:$0x18800] =	vst v63  }
0x3a1: {  	s8 =	simm.s32 $0xBC00  }
0x3a2: {  	[hbm4b:s5+s3] =	stream.indirect_vreg.scatter [tilespmem:s8], [sflag:$0x3], $0x80, v3, vm2, $0xb8;
	[tilespmem:$0x18800] =	vst v63  }
0x3a3: {  	s0 =	simm.s32 $0xC400;
	s8 =	simm.s32 $0x2  }
0x3a4: {  	[hbm4b:s7+s3] =	stream.indirect_vreg.scatter [tilespmem:s0], [sflag:$0x3], $0x80, v3, vm3, $0xb8;
	[tilespmem:$0x18800] =	vst v63  }
0x3a5: {  	_ =	swait.ge [sflag:s8], $0xBB80  }
0x3a6: {  	[sflag:s8] =	ssyncset.done $0x0  }
0x3a7: {  	[sflag:s8] =	ssyncadd.s32 $0xFFFF4480;
	s8 =	simm.s32 $0x3  }
0x3a8: {  	_ =	swait.ge [sflag:s8], $0xBB80  }
0x3a9: {  	[sflag:s8] =	ssyncset.done $0x0  }
0x3aa: {  	[sflag:s8] =	ssyncadd.s32 $0xFFFF4480  }
0x3ab: {  	v3 =	vld [tilespmem:$0x200];
	_ =	sdelay $0x4  }
0x3ac: {  	v40 =	vshrl.u32 v3, $0x3  }
0x3ad: {  	v4 =	vmul.u32 $0x18, v40  }
0x3ae: {  	v3 =	vand.u32 $0x7, v3  }
0x3af: {  	v3 =	vor.u32 v3, v4  }
0x3b0: {  	v4 =	vperm.xlane v3, v0;
	_ =	sdelay $0x1  }
0x3b1: {  	v4 =	vadd.s32 v1, v4;
	_ =	sdelay $0x1  }
0x3b2: {  	v3 =	vperm.xlane v3, v2;
	_ =	sdelay $0x1  }
0x3b3: {  	v3 =	vadd.s32 v1, v3  }
0x3b4: {  	[tilespmem:s22], [sflag:$0x1] =	stream.indirect_vreg.gather [hbm4b:s2+s3], $0x80, v4, vm0, $0xb8;
	[tilespmem:$0x18800] =	vst v63  }
0x3b5: {  	_ = 	snop  }
0x3b6: {  	[tilespmem:s23], [sflag:$0x1] =	stream.indirect_vreg.gather [hbm4b:s6+s3], $0x80, v4, vm1, $0xb8;
	[tilespmem:$0x18800] =	vst v63  }
0x3b7: {  	_ = 	snop  }
0x3b8: {  	[tilespmem:s4], [sflag:$0x1] =	stream.indirect_vreg.gather [hbm4b:s2+s3], $0x80, v3, vm0, $0xb8;
	[tilespmem:$0x18800] =	vst v63  }
0x3b9: {  	_ = 	snop  }
0x3ba: {  	[tilespmem:s11], [sflag:$0x1] =	stream.indirect_vreg.gather [hbm4b:s6+s3], $0x80, v3, vm1, $0xb8;
	[tilespmem:$0x18800] =	vst v63  }
0x3bb: {  	v3 =	vld [tilespmem:$0x210];
	_ =	sdelay $0x4  }
0x3bc: {  	v41 =	vshrl.u32 v3, $0x3  }
0x3bd: {  	v4 =	vmul.u32 $0x18, v41  }
0x3be: {  	v3 =	vand.u32 $0x7, v3  }
0x3bf: {  	v3 =	vor.u32 v3, v4  }
0x3c0: {  	v4 =	vperm.xlane v3, v0;
	_ =	sdelay $0x1  }
0x3c1: {  	v4 =	vadd.s32 v1, v4;
	_ =	sdelay $0x1  }
0x3c2: {  	v3 =	vperm.xlane v3, v2;
	_ =	sdelay $0x1  }
0x3c3: {  	v3 =	vadd.s32 v1, v3  }
0x3c4: {  	[tilespmem:s26], [sflag:$0x1] =	stream.indirect_vreg.gather [hbm4b:s2+s3], $0x80, v4, vm0, $0xb8;
	[tilespmem:$0x18800] =	vst v63  }
0x3c5: {  	_ = 	snop  }
0x3c6: {  	[tilespmem:s28], [sflag:$0x1] =	stream.indirect_vreg.gather [hbm4b:s6+s3], $0x80, v4, vm1, $0xb8;
	[tilespmem:$0x18800] =	vst v63  }
0x3c7: {  	_ = 	snop  }
0x3c8: {  	[tilespmem:s29], [sflag:$0x1] =	stream.indirect_vreg.gather [hbm4b:s2+s3], $0x80, v3, vm0, $0xb8;
	[tilespmem:$0x18800] =	vst v63  }
0x3c9: {  	_ = 	snop  }
0x3ca: {  	[tilespmem:s17], [sflag:$0x1] =	stream.indirect_vreg.gather [hbm4b:s6+s3], $0x80, v3, vm1, $0xb8;
	[tilespmem:$0x18800] =	vst v63  }
0x3cb: {  	v3 =	vld [tilespmem:$0x220];
	_ =	sdelay $0x4  }
0x3cc: {  	v42 =	vshrl.u32 v3, $0x3  }
0x3cd: {  	v4 =	vmul.u32 $0x18, v42  }
0x3ce: {  	v3 =	vand.u32 $0x7, v3  }
0x3cf: {  	v3 =	vor.u32 v3, v4  }
0x3d0: {  	v4 =	vperm.xlane v3, v0;
	_ =	sdelay $0x1  }
0x3d1: {  	v4 =	vadd.s32 v1, v4;
	_ =	sdelay $0x1  }
0x3d2: {  	v3 =	vperm.xlane v3, v2;
	_ =	sdelay $0x1  }
0x3d3: {  	v3 =	vadd.s32 v1, v3  }
0x3d4: {  	[tilespmem:s30], [sflag:$0x1] =	stream.indirect_vreg.gather [hbm4b:s2+s3], $0x80, v4, vm0, $0xb8;
	[tilespmem:$0x18800] =	vst v63  }
0x3d5: {  	_ = 	snop  }
0x3d6: {  	[tilespmem:s21], [sflag:$0x1] =	stream.indirect_vreg.gather [hbm4b:s6+s3], $0x80, v4, vm1, $0xb8;
	[tilespmem:$0x18800] =	vst v63  }
0x3d7: {  	_ = 	snop  }
0x3d8: {  	[tilespmem:s1], [sflag:$0x1] =	stream.indirect_vreg.gather [hbm4b:s2+s3], $0x80, v3, vm0, $0xb8;
	[tilespmem:$0x18800] =	vst v63  }
0x3d9: {  	_ = 	snop  }
0x3da: {  	[tilespmem:s9], [sflag:$0x1] =	stream.indirect_vreg.gather [hbm4b:s6+s3], $0x80, v3, vm1, $0xb8;
	[tilespmem:$0x18800] =	vst v63  }
0x3db: {  	v3 =	vld [tilespmem:$0x230];
	_ =	sdelay $0x4  }
0x3dc: {  	v43 =	vshrl.u32 v3, $0x3  }
0x3dd: {  	v4 =	vmul.u32 $0x18, v43  }
0x3de: {  	v3 =	vand.u32 $0x7, v3  }
0x3df: {  	v3 =	vor.u32 v3, v4  }
0x3e0: {  	v4 =	vperm.xlane v3, v0;
	_ =	sdelay $0x1  }
0x3e1: {  	v4 =	vadd.s32 v1, v4;
	_ =	sdelay $0x1  }
0x3e2: {  	v3 =	vperm.xlane v3, v2;
	_ =	sdelay $0x1  }
0x3e3: {  	v3 =	vadd.s32 v1, v3  }
0x3e4: {  	[tilespmem:s12], [sflag:$0x1] =	stream.indirect_vreg.gather [hbm4b:s2+s3], $0x80, v4, vm0, $0xb8;
	[tilespmem:$0x18800] =	vst v63  }
0x3e5: {  	_ = 	snop  }
0x3e6: {  	[tilespmem:s13], [sflag:$0x1] =	stream.indirect_vreg.gather [hbm4b:s6+s3], $0x80, v4, vm1, $0xb8;
	[tilespmem:$0x18800] =	vst v63  }
0x3e7: {  	_ = 	snop  }
0x3e8: {  	[tilespmem:s14], [sflag:$0x1] =	stream.indirect_vreg.gather [hbm4b:s2+s3], $0x80, v3, vm0, $0xb8;
	[tilespmem:$0x18800] =	vst v63  }
0x3e9: {  	s14 =	simm.s32 $0x6400  }
0x3ea: {  	[tilespmem:s14], [sflag:$0x1] =	stream.indirect_vreg.gather [hbm4b:s6+s3], $0x80, v3, vm1, $0xb8;
	[tilespmem:$0x18800] =	vst v63  }
0x3eb: {  	v3 =	vld [tilespmem:$0x240];
	_ =	sdelay $0x4  }
0x3ec: {  	v44 =	vshrl.u32 v3, $0x3  }
0x3ed: {  	v4 =	vmul.u32 $0x18, v44  }
0x3ee: {  	v3 =	vand.u32 $0x7, v3  }
0x3ef: {  	v3 =	vor.u32 v3, v4  }
0x3f0: {  	v4 =	vperm.xlane v3, v0;
	_ =	sdelay $0x1  }
0x3f1: {  	v4 =	vadd.s32 v1, v4;
	_ =	sdelay $0x1  }
0x3f2: {  	v3 =	vperm.xlane v3, v2;
	_ =	sdelay $0x1  }
0x3f3: {  	v3 =	vadd.s32 v1, v3  }
0x3f4: {  	[tilespmem:s15], [sflag:$0x1] =	stream.indirect_vreg.gather [hbm4b:s2+s3], $0x80, v4, vm0, $0xb8;
	[tilespmem:$0x18800] =	vst v63  }
0x3f5: {  	_ = 	snop  }
0x3f6: {  	[tilespmem:s16], [sflag:$0x1] =	stream.indirect_vreg.gather [hbm4b:s6+s3], $0x80, v4, vm1, $0xb8;
	[tilespmem:$0x18800] =	vst v63  }
0x3f7: {  	_ = 	snop  }
0x3f8: {  	[tilespmem:s18], [sflag:$0x1] =	stream.indirect_vreg.gather [hbm4b:s2+s3], $0x80, v3, vm0, $0xb8;
	[tilespmem:$0x18800] =	vst v63  }
0x3f9: {  	_ = 	snop  }
0x3fa: {  	[tilespmem:s10], [sflag:$0x1] =	stream.indirect_vreg.gather [hbm4b:s6+s3], $0x80, v3, vm1, $0xb8;
	[tilespmem:$0x18800] =	vst v63  }
0x3fb: {  	v3 =	vld [tilespmem:$0x250];
	_ =	sdelay $0x4  }
0x3fc: {  	v45 =	vshrl.u32 v3, $0x3  }
0x3fd: {  	v4 =	vmul.u32 $0x18, v45  }
0x3fe: {  	v3 =	vand.u32 $0x7, v3  }
0x3ff: {  	v3 =	vor.u32 v3, v4  }
0x400: {  	v4 =	vperm.xlane v3, v0;
	_ =	sdelay $0x1  }
0x401: {  	v4 =	vadd.s32 v1, v4;
	_ =	sdelay $0x1  }
0x402: {  	v3 =	vperm.xlane v3, v2;
	_ =	sdelay $0x1  }
0x403: {  	v3 =	vadd.s32 v1, v3  }
0x404: {  	[tilespmem:s20], [sflag:$0x1] =	stream.indirect_vreg.gather [hbm4b:s2+s3], $0x80, v4, vm0, $0xb8;
	[tilespmem:$0x18800] =	vst v63  }
0x405: {  	_ = 	snop  }
0x406: {  	[tilespmem:s24], [sflag:$0x1] =	stream.indirect_vreg.gather [hbm4b:s6+s3], $0x80, v4, vm1, $0xb8;
	[tilespmem:$0x18800] =	vst v63  }
0x407: {  	_ = 	snop  }
0x408: {  	[tilespmem:s25], [sflag:$0x1] =	stream.indirect_vreg.gather [hbm4b:s2+s3], $0x80, v3, vm0, $0xb8;
	[tilespmem:$0x18800] =	vst v63  }
0x409: {  	_ = 	snop  }
0x40a: {  	[tilespmem:s31], [sflag:$0x1] =	stream.indirect_vreg.gather [hbm4b:s6+s3], $0x80, v3, vm1, $0xb8;
	[tilespmem:$0x18800] =	vst v63  }
0x40b: {  	v3 =	vld [tilespmem:$0x260];
	_ =	sdelay $0x4  }
0x40c: {  	v46 =	vshrl.u32 v3, $0x3  }
0x40d: {  	v4 =	vmul.u32 $0x18, v46  }
0x40e: {  	v3 =	vand.u32 $0x7, v3  }
0x40f: {  	v3 =	vor.u32 v3, v4  }
0x410: {  	v4 =	vperm.xlane v3, v0;
	_ =	sdelay $0x1  }
0x411: {  	v4 =	vadd.s32 v1, v4;
	_ =	sdelay $0x1  }
0x412: {  	v3 =	vperm.xlane v3, v2;
	_ =	sdelay $0x1  }
0x413: {  	s31 =	simm.s32 $0x9800;
	v3 =	vadd.s32 v1, v3  }
0x414: {  	[tilespmem:s31], [sflag:$0x1] =	stream.indirect_vreg.gather [hbm4b:s2+s3], $0x80, v4, vm0, $0xb8;
	[tilespmem:$0x18800] =	vst v63  }
0x415: {  	s31 =	simm.s32 $0xA000  }
0x416: {  	[tilespmem:s31], [sflag:$0x1] =	stream.indirect_vreg.gather [hbm4b:s6+s3], $0x80, v4, vm1, $0xb8;
	[tilespmem:$0x18800] =	vst v63  }
0x417: {  	s31 =	simm.s32 $0xA400  }
0x418: {  	[tilespmem:s31], [sflag:$0x1] =	stream.indirect_vreg.gather [hbm4b:s2+s3], $0x80, v3, vm0, $0xb8;
	[tilespmem:$0x18800] =	vst v63  }
0x419: {  	_ = 	snop  }
0x41a: {  	[tilespmem:s19], [sflag:$0x1] =	stream.indirect_vreg.gather [hbm4b:s6+s3], $0x80, v3, vm1, $0xb8;
	[tilespmem:$0x18800] =	vst v63  }
0x41b: {  	v3 =	vld.msk [tilespmem:$0x270], $0x1fff;
	_ =	sdelay $0x4  }
0x41c: {  	v47 =	vshrl.u32 v3, $0x3  }
0x41d: {  	v4 =	vmul.u32 $0x18, v47  }
0x41e: {  	v3 =	vand.u32 $0x7, v3  }
0x41f: {  	v3 =	vor.u32 v3, v4  }
0x420: {  	v4 =	vperm.xlane v3, v0;
	_ =	sdelay $0x1  }
0x421: {  	v4 =	vadd.s32 v1, v4;
	_ =	sdelay $0x1  }
0x422: {  	v3 =	vperm.xlane v3, v2;
	_ =	sdelay $0x1  }
0x423: {  	s19 =	simm.s32 $0xB000;
	v3 =	vadd.s32 v1, v3  }
0x424: {  	[tilespmem:s19], [sflag:$0x1] =	stream.indirect_vreg.gather [hbm4b:s2+s3], $0x80, v4, vm0, $0xb8;
	[tilespmem:$0x18800] =	vst v63  }
0x425: {  	s19 =	simm.s32 $0xB800  }
0x426: {  	[tilespmem:s19], [sflag:$0x1] =	stream.indirect_vreg.gather [hbm4b:s6+s3], $0x80, v4, vm1, $0xb8;
	[tilespmem:$0x18800] =	vst v63  }
0x427: {  	s19 =	simm.s32 $0xBC00  }
0x428: {  	[tilespmem:s19], [sflag:$0x1] =	stream.indirect_vreg.gather [hbm4b:s2+s3], $0x80, v3, vm2, $0xb8;
	[tilespmem:$0x18800] =	vst v63  }
0x429: {  	_ = 	snop  }
0x42a: {  	[tilespmem:s0], [sflag:$0x1] =	stream.indirect_vreg.gather [hbm4b:s6+s3], $0x80, v3, vm3, $0xb8;
	[tilespmem:$0x18800] =	vst v63  }
0x42b: {  	v3 =	vld [tilespmem:$0x580];
	_ =	sdelay $0x4  }
0x42c: {  	v48 =	vshrl.u32 v3, $0x3  }
0x42d: {  	v4 =	vmul.u32 $0x18, v48  }
0x42e: {  	v3 =	vand.u32 $0x7, v3  }
0x42f: {  	v3 =	vor.u32 v3, v4  }
0x430: {  	v4 =	vperm.xlane v3, v0;
	_ =	sdelay $0x1  }
0x431: {  	v4 =	vadd.s32 v1, v4;
	_ =	sdelay $0x1  }
0x432: {  	v3 =	vperm.xlane v3, v2;
	_ =	sdelay $0x1  }
0x433: {  	s0 =	simm.s32 $0xC800;
	v3 =	vadd.s32 v1, v3  }
0x434: {  	[hbm4b:s5+s3] =	stream.indirect_vreg.scatter [tilespmem:s0], [sflag:$0x4], $0x80, v4, vm0, $0xb8;
	[tilespmem:$0x18800] =	vst v63  }
0x435: {  	s0 =	simm.s32 $0xD000  }
0x436: {  	[hbm4b:s7+s3] =	stream.indirect_vreg.scatter [tilespmem:s0], [sflag:$0x4], $0x80, v4, vm1, $0xb8;
	[tilespmem:$0x18800] =	vst v63  }
0x437: {  	s0 =	simm.s32 $0xD400  }
0x438: {  	[hbm4b:s5+s3] =	stream.indirect_vreg.scatter [tilespmem:s0], [sflag:$0x4], $0x80, v3, vm0, $0xb8;
	[tilespmem:$0x18800] =	vst v63  }
0x439: {  	s0 =	simm.s32 $0xDC00  }
0x43a: {  	[hbm4b:s7+s3] =	stream.indirect_vreg.scatter [tilespmem:s0], [sflag:$0x4], $0x80, v3, vm1, $0xb8;
	[tilespmem:$0x18800] =	vst v63  }
0x43b: {  	v3 =	vld [tilespmem:$0x590];
	_ =	sdelay $0x4  }
0x43c: {  	v49 =	vshrl.u32 v3, $0x3  }
0x43d: {  	v4 =	vmul.u32 $0x18, v49  }
0x43e: {  	v3 =	vand.u32 $0x7, v3  }
0x43f: {  	v3 =	vor.u32 v3, v4  }
0x440: {  	v4 =	vperm.xlane v3, v0;
	_ =	sdelay $0x1  }
0x441: {  	v4 =	vadd.s32 v1, v4;
	_ =	sdelay $0x1  }
0x442: {  	v3 =	vperm.xlane v3, v2;
	_ =	sdelay $0x1  }
0x443: {  	s0 =	simm.s32 $0xE000;
	v3 =	vadd.s32 v1, v3  }
0x444: {  	[hbm4b:s5+s3] =	stream.indirect_vreg.scatter [tilespmem:s0], [sflag:$0x4], $0x80, v4, vm0, $0xb8;
	[tilespmem:$0x18800] =	vst v63  }
0x445: {  	s0 =	simm.s32 $0xE800  }
0x446: {  	[hbm4b:s7+s3] =	stream.indirect_vreg.scatter [tilespmem:s0], [sflag:$0x4], $0x80, v4, vm1, $0xb8;
	[tilespmem:$0x18800] =	vst v63  }
0x447: {  	s0 =	simm.s32 $0xEC00  }
0x448: {  	[hbm4b:s5+s3] =	stream.indirect_vreg.scatter [tilespmem:s0], [sflag:$0x4], $0x80, v3, vm0, $0xb8;
	[tilespmem:$0x18800] =	vst v63  }
0x449: {  	s0 =	simm.s32 $0xF400  }
0x44a: {  	[hbm4b:s7+s3] =	stream.indirect_vreg.scatter [tilespmem:s0], [sflag:$0x4], $0x80, v3, vm1, $0xb8;
	[tilespmem:$0x18800] =	vst v63  }
0x44b: {  	v3 =	vld [tilespmem:$0x5A0];
	_ =	sdelay $0x4  }
0x44c: {  	v50 =	vshrl.u32 v3, $0x3  }
0x44d: {  	v4 =	vmul.u32 $0x18, v50  }
0x44e: {  	v3 =	vand.u32 $0x7, v3  }
0x44f: {  	v3 =	vor.u32 v3, v4  }
0x450: {  	v4 =	vperm.xlane v3, v0;
	_ =	sdelay $0x1  }
0x451: {  	v4 =	vadd.s32 v1, v4;
	_ =	sdelay $0x1  }
0x452: {  	v3 =	vperm.xlane v3, v2;
	_ =	sdelay $0x1  }
0x453: {  	s0 =	simm.s32 $0xF800;
	v3 =	vadd.s32 v1, v3  }
0x454: {  	[hbm4b:s5+s3] =	stream.indirect_vreg.scatter [tilespmem:s0], [sflag:$0x4], $0x80, v4, vm0, $0xb8;
	[tilespmem:$0x18800] =	vst v63  }
0x455: {  	s0 =	simm.s32 $0x10000  }
0x456: {  	[hbm4b:s7+s3] =	stream.indirect_vreg.scatter [tilespmem:s0], [sflag:$0x4], $0x80, v4, vm1, $0xb8;
	[tilespmem:$0x18800] =	vst v63  }
0x457: {  	s0 =	simm.s32 $0x10400  }
0x458: {  	[hbm4b:s5+s3] =	stream.indirect_vreg.scatter [tilespmem:s0], [sflag:$0x4], $0x80, v3, vm0, $0xb8;
	[tilespmem:$0x18800] =	vst v63  }
0x459: {  	s0 =	simm.s32 $0x10C00  }
0x45a: {  	[hbm4b:s7+s3] =	stream.indirect_vreg.scatter [tilespmem:s0], [sflag:$0x4], $0x80, v3, vm1, $0xb8;
	[tilespmem:$0x18800] =	vst v63  }
0x45b: {  	v3 =	vld [tilespmem:$0x5B0];
	_ =	sdelay $0x4  }
0x45c: {  	v51 =	vshrl.u32 v3, $0x3  }
0x45d: {  	v4 =	vmul.u32 $0x18, v51  }
0x45e: {  	v3 =	vand.u32 $0x7, v3  }
0x45f: {  	v3 =	vor.u32 v3, v4  }
0x460: {  	v4 =	vperm.xlane v3, v0;
	_ =	sdelay $0x1  }
0x461: {  	v4 =	vadd.s32 v1, v4;
	_ =	sdelay $0x1  }
0x462: {  	v3 =	vperm.xlane v3, v2;
	_ =	sdelay $0x1  }
0x463: {  	s0 =	simm.s32 $0x11000;
	v3 =	vadd.s32 v1, v3  }
0x464: {  	[hbm4b:s5+s3] =	stream.indirect_vreg.scatter [tilespmem:s0], [sflag:$0x4], $0x80, v4, vm0, $0xb8;
	[tilespmem:$0x18800] =	vst v63  }
0x465: {  	s0 =	simm.s32 $0x11800  }
0x466: {  	[hbm4b:s7+s3] =	stream.indirect_vreg.scatter [tilespmem:s0], [sflag:$0x4], $0x80, v4, vm1, $0xb8;
	[tilespmem:$0x18800] =	vst v63  }
0x467: {  	s0 =	simm.s32 $0x11C00  }
0x468: {  	[hbm4b:s5+s3] =	stream.indirect_vreg.scatter [tilespmem:s0], [sflag:$0x4], $0x80, v3, vm0, $0xb8;
	[tilespmem:$0x18800] =	vst v63  }
0x469: {  	s0 =	simm.s32 $0x12400  }
0x46a: {  	[hbm4b:s7+s3] =	stream.indirect_vreg.scatter [tilespmem:s0], [sflag:$0x4], $0x80, v3, vm1, $0xb8;
	[tilespmem:$0x18800] =	vst v63  }
0x46b: {  	v3 =	vld [tilespmem:$0x5C0];
	_ =	sdelay $0x4  }
0x46c: {  	v52 =	vshrl.u32 v3, $0x3  }
0x46d: {  	v4 =	vmul.u32 $0x18, v52  }
0x46e: {  	v3 =	vand.u32 $0x7, v3  }
0x46f: {  	v3 =	vor.u32 v3, v4  }
0x470: {  	v4 =	vperm.xlane v3, v0;
	_ =	sdelay $0x1  }
0x471: {  	v4 =	vadd.s32 v1, v4;
	_ =	sdelay $0x1  }
0x472: {  	v3 =	vperm.xlane v3, v2;
	_ =	sdelay $0x1  }
0x473: {  	s0 =	simm.s32 $0x12800;
	v3 =	vadd.s32 v1, v3  }
0x474: {  	[hbm4b:s5+s3] =	stream.indirect_vreg.scatter [tilespmem:s0], [sflag:$0x4], $0x80, v4, vm0, $0xb8;
	[tilespmem:$0x18800] =	vst v63  }
0x475: {  	s0 =	simm.s32 $0x13000  }
0x476: {  	[hbm4b:s7+s3] =	stream.indirect_vreg.scatter [tilespmem:s0], [sflag:$0x4], $0x80, v4, vm1, $0xb8;
	[tilespmem:$0x18800] =	vst v63  }
0x477: {  	s0 =	simm.s32 $0x13400  }
0x478: {  	[hbm4b:s5+s3] =	stream.indirect_vreg.scatter [tilespmem:s0], [sflag:$0x4], $0x80, v3, vm0, $0xb8;
	[tilespmem:$0x18800] =	vst v63  }
0x479: {  	s0 =	simm.s32 $0x13C00  }
0x47a: {  	[hbm4b:s7+s3] =	stream.indirect_vreg.scatter [tilespmem:s0], [sflag:$0x4], $0x80, v3, vm1, $0xb8;
	[tilespmem:$0x18800] =	vst v63  }
0x47b: {  	v3 =	vld [tilespmem:$0x5D0];
	_ =	sdelay $0x4  }
0x47c: {  	v53 =	vshrl.u32 v3, $0x3  }
0x47d: {  	v4 =	vmul.u32 $0x18, v53  }
0x47e: {  	v3 =	vand.u32 $0x7, v3  }
0x47f: {  	v3 =	vor.u32 v3, v4  }
0x480: {  	v4 =	vperm.xlane v3, v0;
	_ =	sdelay $0x1  }
0x481: {  	v4 =	vadd.s32 v1, v4;
	_ =	sdelay $0x1  }
0x482: {  	v3 =	vperm.xlane v3, v2;
	_ =	sdelay $0x1  }
0x483: {  	s0 =	simm.s32 $0x14000;
	v3 =	vadd.s32 v1, v3  }
0x484: {  	[hbm4b:s5+s3] =	stream.indirect_vreg.scatter [tilespmem:s0], [sflag:$0x4], $0x80, v4, vm0, $0xb8;
	[tilespmem:$0x18800] =	vst v63  }
0x485: {  	s0 =	simm.s32 $0x14800  }
0x486: {  	[hbm4b:s7+s3] =	stream.indirect_vreg.scatter [tilespmem:s0], [sflag:$0x4], $0x80, v4, vm1, $0xb8;
	[tilespmem:$0x18800] =	vst v63  }
0x487: {  	s0 =	simm.s32 $0x14C00  }
0x488: {  	[hbm4b:s5+s3] =	stream.indirect_vreg.scatter [tilespmem:s0], [sflag:$0x4], $0x80, v3, vm0, $0xb8;
	[tilespmem:$0x18800] =	vst v63  }
0x489: {  	s0 =	simm.s32 $0x15400  }
0x48a: {  	[hbm4b:s7+s3] =	stream.indirect_vreg.scatter [tilespmem:s0], [sflag:$0x4], $0x80, v3, vm1, $0xb8;
	[tilespmem:$0x18800] =	vst v63  }
0x48b: {  	v3 =	vld [tilespmem:$0x5E0];
	_ =	sdelay $0x4  }
0x48c: {  	v54 =	vshrl.u32 v3, $0x3  }
0x48d: {  	v4 =	vmul.u32 $0x18, v54  }
0x48e: {  	v3 =	vand.u32 $0x7, v3  }
0x48f: {  	v3 =	vor.u32 v3, v4  }
0x490: {  	v4 =	vperm.xlane v3, v0;
	_ =	sdelay $0x1  }
0x491: {  	v4 =	vadd.s32 v1, v4;
	_ =	sdelay $0x1  }
0x492: {  	v3 =	vperm.xlane v3, v2;
	_ =	sdelay $0x1  }
0x493: {  	s0 =	simm.s32 $0x15800;
	v3 =	vadd.s32 v1, v3  }
0x494: {  	[hbm4b:s5+s3] =	stream.indirect_vreg.scatter [tilespmem:s0], [sflag:$0x4], $0x80, v4, vm0, $0xb8;
	[tilespmem:$0x18800] =	vst v63  }
0x495: {  	s0 =	simm.s32 $0x16000  }
0x496: {  	[hbm4b:s7+s3] =	stream.indirect_vreg.scatter [tilespmem:s0], [sflag:$0x4], $0x80, v4, vm1, $0xb8;
	[tilespmem:$0x18800] =	vst v63  }
0x497: {  	s0 =	simm.s32 $0x16400  }
0x498: {  	[hbm4b:s5+s3] =	stream.indirect_vreg.scatter [tilespmem:s0], [sflag:$0x4], $0x80, v3, vm0, $0xb8;
	[tilespmem:$0x18800] =	vst v63  }
0x499: {  	s0 =	simm.s32 $0x16C00  }
0x49a: {  	[hbm4b:s7+s3] =	stream.indirect_vreg.scatter [tilespmem:s0], [sflag:$0x4], $0x80, v3, vm1, $0xb8;
	[tilespmem:$0x18800] =	vst v63  }
0x49b: {  	v3 =	vld.msk [tilespmem:$0x5F0], $0x1fff;
	_ =	sdelay $0x4  }
0x49c: {  	v55 =	vshrl.u32 v3, $0x3  }
0x49d: {  	v4 =	vmul.u32 $0x18, v55  }
0x49e: {  	v3 =	vand.u32 $0x7, v3  }
0x49f: {  	v3 =	vor.u32 v3, v4  }
0x4a0: {  	v4 =	vperm.xlane v3, v0;
	_ =	sdelay $0x1  }
0x4a1: {  	v4 =	vadd.s32 v1, v4;
	_ =	sdelay $0x1  }
0x4a2: {  	v3 =	vperm.xlane v3, v2;
	_ =	sdelay $0x1  }
0x4a3: {  	s0 =	simm.s32 $0x17000;
	v3 =	vadd.s32 v1, v3  }
0x4a4: {  	[hbm4b:s5+s3] =	stream.indirect_vreg.scatter [tilespmem:s0], [sflag:$0x4], $0x80, v4, vm0, $0xb8;
	[tilespmem:$0x18800] =	vst v63  }
0x4a5: {  	s0 =	simm.s32 $0x17800  }
0x4a6: {  	[hbm4b:s7+s3] =	stream.indirect_vreg.scatter [tilespmem:s0], [sflag:$0x4], $0x80, v4, vm1, $0xb8;
	[tilespmem:$0x18800] =	vst v63  }
0x4a7: {  	s0 =	simm.s32 $0x17C00  }
0x4a8: {  	[hbm4b:s5+s3] =	stream.indirect_vreg.scatter [tilespmem:s0], [sflag:$0x4], $0x80, v3, vm2, $0xb8;
	[tilespmem:$0x18800] =	vst v63  }
0x4a9: {  	s0 =	simm.s32 $0x18400  }
0x4aa: {  	[hbm4b:s7+s3] =	stream.indirect_vreg.scatter [tilespmem:s0], [sflag:$0x4], $0x80, v3, vm3, $0xb8;
	[tilespmem:$0x18800] =	vst v63  }
0x4ab: {  	s0 =	simm.s32 $0x1  }
0x4ac: {  	_ =	swait.ge [sflag:s0], $0xBB80  }
0x4ad: {  	[sflag:s0] =	ssyncset.done $0x0  }
0x4ae: {  	[sflag:s0] =	ssyncadd.s32 $0xFFFF4480  }
0x4af: {  	v3 =	vld [tilespmem:$0x600];
	_ =	sdelay $0x4  }
0x4b0: {  	v56 =	vshrl.u32 v3, $0x3  }
0x4b1: {  	v4 =	vmul.u32 $0x18, v56  }
0x4b2: {  	v3 =	vand.u32 $0x7, v3  }
0x4b3: {  	v3 =	vor.u32 v3, v4  }
0x4b4: {  	v4 =	vperm.xlane v3, v0;
	_ =	sdelay $0x1  }
0x4b5: {  	v4 =	vadd.s32 v1, v4;
	_ =	sdelay $0x1  }
0x4b6: {  	v3 =	vperm.xlane v3, v2;
	_ =	sdelay $0x1  }
0x4b7: {  	s22 =	simm.s32 $0x800;
	v3 =	vadd.s32 v1, v3  }
0x4b8: {  	[hbm4b:s5+s3] =	stream.indirect_vreg.scatter [tilespmem:s22], [sflag:$0x3], $0x80, v4, vm0, $0xb8;
	[tilespmem:$0x18800] =	vst v63  }
0x4b9: {  	s23 =	simm.s32 $0x1000  }
0x4ba: {  	[hbm4b:s7+s3] =	stream.indirect_vreg.scatter [tilespmem:s23], [sflag:$0x3], $0x80, v4, vm1, $0xb8;
	[tilespmem:$0x18800] =	vst v63  }
0x4bb: {  	s4 =	simm.s32 $0x1400  }
0x4bc: {  	[hbm4b:s5+s3] =	stream.indirect_vreg.scatter [tilespmem:s4], [sflag:$0x3], $0x80, v3, vm0, $0xb8;
	[tilespmem:$0x18800] =	vst v63  }
0x4bd: {  	s11 =	simm.s32 $0x1C00  }
0x4be: {  	[hbm4b:s7+s3] =	stream.indirect_vreg.scatter [tilespmem:s11], [sflag:$0x3], $0x80, v3, vm1, $0xb8;
	[tilespmem:$0x18800] =	vst v63  }
0x4bf: {  	v3 =	vld [tilespmem:$0x610];
	_ =	sdelay $0x4  }
0x4c0: {  	v57 =	vshrl.u32 v3, $0x3  }
0x4c1: {  	v4 =	vmul.u32 $0x18, v57  }
0x4c2: {  	v3 =	vand.u32 $0x7, v3  }
0x4c3: {  	v3 =	vor.u32 v3, v4  }
0x4c4: {  	v4 =	vperm.xlane v3, v0;
	_ =	sdelay $0x1  }
0x4c5: {  	v4 =	vadd.s32 v1, v4;
	_ =	sdelay $0x1  }
0x4c6: {  	v3 =	vperm.xlane v3, v2;
	_ =	sdelay $0x1  }
0x4c7: {  	s26 =	simm.s32 $0x2000;
	v3 =	vadd.s32 v1, v3  }
0x4c8: {  	[hbm4b:s5+s3] =	stream.indirect_vreg.scatter [tilespmem:s26], [sflag:$0x3], $0x80, v4, vm0, $0xb8;
	[tilespmem:$0x18800] =	vst v63  }
0x4c9: {  	s28 =	simm.s32 $0x2800  }
0x4ca: {  	[hbm4b:s7+s3] =	stream.indirect_vreg.scatter [tilespmem:s28], [sflag:$0x3], $0x80, v4, vm1, $0xb8;
	[tilespmem:$0x18800] =	vst v63  }
0x4cb: {  	s29 =	simm.s32 $0x2C00  }
0x4cc: {  	[hbm4b:s5+s3] =	stream.indirect_vreg.scatter [tilespmem:s29], [sflag:$0x3], $0x80, v3, vm0, $0xb8;
	[tilespmem:$0x18800] =	vst v63  }
0x4cd: {  	s17 =	simm.s32 $0x3400  }
0x4ce: {  	[hbm4b:s7+s3] =	stream.indirect_vreg.scatter [tilespmem:s17], [sflag:$0x3], $0x80, v3, vm1, $0xb8;
	[tilespmem:$0x18800] =	vst v63  }
0x4cf: {  	v3 =	vld [tilespmem:$0x620];
	_ =	sdelay $0x4  }
0x4d0: {  	v58 =	vshrl.u32 v3, $0x3  }
0x4d1: {  	v4 =	vmul.u32 $0x18, v58  }
0x4d2: {  	v3 =	vand.u32 $0x7, v3  }
0x4d3: {  	v3 =	vor.u32 v3, v4  }
0x4d4: {  	v4 =	vperm.xlane v3, v0;
	_ =	sdelay $0x1  }
0x4d5: {  	v4 =	vadd.s32 v1, v4;
	_ =	sdelay $0x1  }
0x4d6: {  	v3 =	vperm.xlane v3, v2;
	_ =	sdelay $0x1  }
0x4d7: {  	s30 =	simm.s32 $0x3800;
	v3 =	vadd.s32 v1, v3  }
0x4d8: {  	[hbm4b:s5+s3] =	stream.indirect_vreg.scatter [tilespmem:s30], [sflag:$0x3], $0x80, v4, vm0, $0xb8;
	[tilespmem:$0x18800] =	vst v63  }
0x4d9: {  	s21 =	simm.s32 $0x4000  }
0x4da: {  	[hbm4b:s7+s3] =	stream.indirect_vreg.scatter [tilespmem:s21], [sflag:$0x3], $0x80, v4, vm1, $0xb8;
	[tilespmem:$0x18800] =	vst v63  }
0x4db: {  	s1 =	simm.s32 $0x4400  }
0x4dc: {  	[hbm4b:s5+s3] =	stream.indirect_vreg.scatter [tilespmem:s1], [sflag:$0x3], $0x80, v3, vm0, $0xb8;
	[tilespmem:$0x18800] =	vst v63  }
0x4dd: {  	s9 =	simm.s32 $0x4C00  }
0x4de: {  	[hbm4b:s7+s3] =	stream.indirect_vreg.scatter [tilespmem:s9], [sflag:$0x3], $0x80, v3, vm1, $0xb8;
	[tilespmem:$0x18800] =	vst v63  }
0x4df: {  	v3 =	vld [tilespmem:$0x630];
	_ =	sdelay $0x4  }
0x4e0: {  	v59 =	vshrl.u32 v3, $0x3  }
0x4e1: {  	v4 =	vmul.u32 $0x18, v59  }
0x4e2: {  	v3 =	vand.u32 $0x7, v3  }
0x4e3: {  	v3 =	vor.u32 v3, v4  }
0x4e4: {  	v4 =	vperm.xlane v3, v0;
	_ =	sdelay $0x1  }
0x4e5: {  	v4 =	vadd.s32 v1, v4;
	_ =	sdelay $0x1  }
0x4e6: {  	v3 =	vperm.xlane v3, v2;
	_ =	sdelay $0x1  }
0x4e7: {  	s21 =	simm.s32 $0x5000;
	v3 =	vadd.s32 v1, v3  }
0x4e8: {  	[hbm4b:s5+s3] =	stream.indirect_vreg.scatter [tilespmem:s21], [sflag:$0x3], $0x80, v4, vm0, $0xb8;
	[tilespmem:$0x18800] =	vst v63  }
0x4e9: {  	s12 =	simm.s32 $0x5800  }
0x4ea: {  	[hbm4b:s7+s3] =	stream.indirect_vreg.scatter [tilespmem:s12], [sflag:$0x3], $0x80, v4, vm1, $0xb8;
	[tilespmem:$0x18800] =	vst v63  }
0x4eb: {  	s13 =	simm.s32 $0x5C00  }
0x4ec: {  	[hbm4b:s5+s3] =	stream.indirect_vreg.scatter [tilespmem:s13], [sflag:$0x3], $0x80, v3, vm0, $0xb8;
	[tilespmem:$0x18800] =	vst v63  }
0x4ed: {  	s22 =	simm.s32 $0x6400  }
0x4ee: {  	[hbm4b:s7+s3] =	stream.indirect_vreg.scatter [tilespmem:s22], [sflag:$0x3], $0x80, v3, vm1, $0xb8;
	[tilespmem:$0x18800] =	vst v63  }
0x4ef: {  	v3 =	vld [tilespmem:$0x640];
	_ =	sdelay $0x4  }
0x4f0: {  	v60 =	vshrl.u32 v3, $0x3  }
0x4f1: {  	v4 =	vmul.u32 $0x18, v60  }
0x4f2: {  	v3 =	vand.u32 $0x7, v3  }
0x4f3: {  	v3 =	vor.u32 v3, v4  }
0x4f4: {  	v4 =	vperm.xlane v3, v0;
	_ =	sdelay $0x1  }
0x4f5: {  	v4 =	vadd.s32 v1, v4;
	_ =	sdelay $0x1  }
0x4f6: {  	v3 =	vperm.xlane v3, v2;
	_ =	sdelay $0x1  }
0x4f7: {  	s14 =	simm.s32 $0x6800;
	v3 =	vadd.s32 v1, v3  }
0x4f8: {  	[hbm4b:s5+s3] =	stream.indirect_vreg.scatter [tilespmem:s14], [sflag:$0x3], $0x80, v4, vm0, $0xb8;
	[tilespmem:$0x18800] =	vst v63  }
0x4f9: {  	s15 =	simm.s32 $0x7000  }
0x4fa: {  	[hbm4b:s7+s3] =	stream.indirect_vreg.scatter [tilespmem:s15], [sflag:$0x3], $0x80, v4, vm1, $0xb8;
	[tilespmem:$0x18800] =	vst v63  }
0x4fb: {  	s16 =	simm.s32 $0x7400  }
0x4fc: {  	[hbm4b:s5+s3] =	stream.indirect_vreg.scatter [tilespmem:s16], [sflag:$0x3], $0x80, v3, vm0, $0xb8;
	[tilespmem:$0x18800] =	vst v63  }
0x4fd: {  	s10 =	simm.s32 $0x7C00  }
0x4fe: {  	[hbm4b:s7+s3] =	stream.indirect_vreg.scatter [tilespmem:s10], [sflag:$0x3], $0x80, v3, vm1, $0xb8;
	[tilespmem:$0x18800] =	vst v63  }
0x4ff: {  	v3 =	vld [tilespmem:$0x650];
	_ =	sdelay $0x4  }
0x500: {  	v61 =	vshrl.u32 v3, $0x3  }
0x501: {  	v4 =	vmul.u32 $0x18, v61  }
0x502: {  	v3 =	vand.u32 $0x7, v3  }
0x503: {  	v3 =	vor.u32 v3, v4  }
0x504: {  	v4 =	vperm.xlane v3, v0;
	_ =	sdelay $0x1  }
0x505: {  	v4 =	vadd.s32 v1, v4;
	_ =	sdelay $0x1  }
0x506: {  	v3 =	vperm.xlane v3, v2;
	_ =	sdelay $0x1  }
0x507: {  	s18 =	simm.s32 $0x8000;
	v3 =	vadd.s32 v1, v3  }
0x508: {  	[hbm4b:s5+s3] =	stream.indirect_vreg.scatter [tilespmem:s18], [sflag:$0x3], $0x80, v4, vm0, $0xb8;
	[tilespmem:$0x18800] =	vst v63  }
0x509: {  	s20 =	simm.s32 $0x8800  }
0x50a: {  	[hbm4b:s7+s3] =	stream.indirect_vreg.scatter [tilespmem:s20], [sflag:$0x3], $0x80, v4, vm1, $0xb8;
	[tilespmem:$0x18800] =	vst v63  }
0x50b: {  	s24 =	simm.s32 $0x8C00  }
0x50c: {  	[hbm4b:s5+s3] =	stream.indirect_vreg.scatter [tilespmem:s24], [sflag:$0x3], $0x80, v3, vm0, $0xb8;
	[tilespmem:$0x18800] =	vst v63  }
0x50d: {  	s25 =	simm.s32 $0x9400  }
0x50e: {  	[hbm4b:s7+s3] =	stream.indirect_vreg.scatter [tilespmem:s25], [sflag:$0x3], $0x80, v3, vm1, $0xb8;
	[tilespmem:$0x18800] =	vst v63  }
0x50f: {  	v3 =	vld [tilespmem:$0x660];
	_ =	sdelay $0x4  }
0x510: {  	v62 =	vshrl.u32 v3, $0x3  }
0x511: {  	v4 =	vmul.u32 $0x18, v62  }
0x512: {  	v3 =	vand.u32 $0x7, v3  }
0x513: {  	v3 =	vor.u32 v3, v4  }
0x514: {  	v4 =	vperm.xlane v3, v0;
	_ =	sdelay $0x1  }
0x515: {  	v4 =	vadd.s32 v1, v4;
	_ =	sdelay $0x1  }
0x516: {  	v3 =	vperm.xlane v3, v2;
	_ =	sdelay $0x1  }
0x517: {  	s23 =	simm.s32 $0x9800;
	v3 =	vadd.s32 v1, v3  }
0x518: {  	[hbm4b:s5+s3] =	stream.indirect_vreg.scatter [tilespmem:s23], [sflag:$0x3], $0x80, v4, vm0, $0xb8;
	[tilespmem:$0x18800] =	vst v63  }
0x519: {  	s24 =	simm.s32 $0xA000  }
0x51a: {  	[hbm4b:s7+s3] =	stream.indirect_vreg.scatter [tilespmem:s24], [sflag:$0x3], $0x80, v4, vm1, $0xb8;
	[tilespmem:$0x18800] =	vst v63  }
0x51b: {  	s25 =	simm.s32 $0xA400  }
0x51c: {  	[hbm4b:s5+s3] =	stream.indirect_vreg.scatter [tilespmem:s25], [sflag:$0x3], $0x80, v3, vm0, $0xb8;
	[tilespmem:$0x18800] =	vst v63  }
0x51d: {  	s31 =	simm.s32 $0xAC00  }
0x51e: {  	[hbm4b:s7+s3] =	stream.indirect_vreg.scatter [tilespmem:s31], [sflag:$0x3], $0x80, v3, vm1, $0xb8;
	[tilespmem:$0x18800] =	vst v63  }
0x51f: {  	v3 =	vld.msk [tilespmem:$0x670], $0x1fff;
	_ =	sdelay $0x4  }
0x520: {  	v63 =	vshrl.u32 v3, $0x3  }
0x521: {  	v4 =	vmul.u32 $0x18, v63  }
0x522: {  	v3 =	vand.u32 $0x7, v3  }
0x523: {  	v3 =	vor.u32 v3, v4  }
0x524: {  	v4 =	vperm.xlane v3, v0;
	_ =	sdelay $0x1  }
0x525: {  	v4 =	vadd.s32 v1, v4;
	_ =	sdelay $0x1  }
0x526: {  	v3 =	vperm.xlane v3, v2;
	_ =	sdelay $0x1  }
0x527: {  	s26 =	simm.s32 $0xB000;
	v3 =	vadd.s32 v1, v3  }
0x528: {  	[hbm4b:s5+s3] =	stream.indirect_vreg.scatter [tilespmem:s26], [sflag:$0x3], $0x80, v4, vm0, $0xb8;
	[tilespmem:$0x18800] =	vst v63  }
0x529: {  	s28 =	simm.s32 $0xB800  }
0x52a: {  	[hbm4b:s7+s3] =	stream.indirect_vreg.scatter [tilespmem:s28], [sflag:$0x3], $0x80, v4, vm1, $0xb8;
	[tilespmem:$0x18800] =	vst v63  }
0x52b: {  	s29 =	simm.s32 $0xBC00  }
0x52c: {  	[hbm4b:s5+s3] =	stream.indirect_vreg.scatter [tilespmem:s29], [sflag:$0x3], $0x80, v3, vm2, $0xb8;
	[tilespmem:$0x18800] =	vst v63  }
0x52d: {  	s8 =	simm.s32 $0x3;
	s19 =	simm.s32 $0xC400;
	s4 =	rddreg [dreg:$0x6]  }
0x52e: {  	[hbm4b:s7+s3] =	stream.indirect_vreg.scatter [tilespmem:s19], [sflag:$0x3], $0x80, v3, vm3, $0xb8;
	[tilespmem:$0x18800] =	vst v63  }
0x52f: {  	p0 =	sne.s32 s4, $0x1;
	_ =	swait.ge [sflag:s8], $0xBB80  }
.Ltmp0:
0x530: {  	[sflag:s8] =	ssyncset.done $0x0;
	(pc) =	sbr.rel @p0 .LBB2_1-.Ltmp0, $4  }
0x531: {  	s30 =	simm.s32 $0x4;
	[sflag:s8] =	ssyncadd.s32 $0xFFFF4480  }
0x532: {  	_ =	swait.ge [sflag:s30], $0xBB80  }
0x533: {  	s31 =	simm.s32 $0x4;
	[sflag:s30] =	ssyncset.done $0x0  }
0x534: {  	s4 =	sadd.s32 $0xFFFFFFFF, s4;
	[sflag:s31] =	ssyncadd.s32 $0xFFFF4480  }
0x535: {  	_ =	sfence.sel $0x180000  }
0x536: {  	[bflag:$0x0] =	sbarrier.arrive $0xFFFF  }
0x537: {  	_ =	strace $0x90000047  }
0x538: {  	s0 =	stileid.u32;
	[bflag:$0x2] =	sbarrier.arrive $0xFFFF  }
0x539: {  	p0 =	sne.s32 s0, $0x0;
	s0 =	rddreg [dreg:$0x2]  }
0x53a: {  	s0 =	sadd.s32 @!p0 $0x100000, s0  }
0x53b: {  	[sflag:s0] =	ssyncadd.tile.s32 @!p0 $0x1;
	_ =	shalt  }
.Lfunc_end2:
_tile_overlayer_lowered:
.L_overlay_start_2:
0x53c: {  	(tag) =	ssettag $0x2  }
0x53d: {  	s0 =	rddreg [dreg:$0x0];
	s2 =	stileid.u32  }
0x53e: {  	s1 =	rddreg [dreg:$0x1];
	p0 =	sne.s32 s2, $0x0  }
0x53f: {  	s3 =	rddreg [dreg:$0x2];
	[bflag:$0x3] =	sbarrier.arrive $0xFFFF;
	s2 =	simm.s32 @!p0 $0x1C05  }
0x540: {  	[timem:s3], [sflag:s2] =	dma.local @!p0 [hbm:s0], s1  }
0x541: {  	s0 =	simm.s32 @!p0 $0x5  }
0x542: {  	_ =	swait.ge @!p0 [sflag:s0], s1  }
0x543: {  	s1 =	ssub.s32 @!p0 $0x0, s1;
	[sflag:s0] =	ssyncset.done @!p0 $0x0  }
0x544: {  	[sflag:s0] =	ssyncadd.s32 @!p0 s1  }
0x545: {  	[bflag:$0x3] =	sbarrier.arrive $0xFFFF  }
0x546: {  	_ =	shalt  }

</sc_bundles>
